<compile_context>
chip_gen: v7x
topology: tpu7x:2x2x1
jax: 0.10.2.dev20260603
libtpu: 0.0.44.dev20260713+nightly
codegen_flags: <defaults>
</compile_context>

<pallas_src>
import functools

import jax
import jax.numpy as jnp
from jax import lax
from jax.experimental import pallas as pl
from jax.experimental.pallas import tpu as pltpu
import jax.experimental.pallas.tpu_sc as plsc

_N = 10000
_E = 320000
_D = 128
_C = 40

_NC = 2
_NS = 16
_K = 128
_NCHUNK = 80
_NW = _NC * _NS
_TOTCH = _NW * _NCHUNK
_C0 = 152
_C1 = 2 * _NCHUNK - _C0
_CMAX = max(_C0, _C1)
_EP = _TOTCH * _K
_NP = 10112
_RPS = _NP // _NS

_MESH = plsc.VectorSubcoreMesh(
    core_axis_name="c", subcore_axis_name="s",
    num_cores=_NC, num_subcores=_NS)


def _core_range():
    cid = lax.axis_index("c")
    sid = lax.axis_index("s")
    nch = _C0 + cid * (_C1 - _C0)
    base = cid * (_NS * _C0) + sid * nch
    return base, nch


def _adj_body(u_hbm, eidx_hbm, zer_hbm, y_hbm, acc, ibuf, rows, sem_i, sem_r):
    cid = lax.axis_index("c")
    sid = lax.axis_index("s")
    base, nch = _core_range()
    r0 = pl.multiple_of(sid * _RPS, 8)
    pltpu.sync_copy(zer_hbm.at[pl.ds(r0, _RPS)], acc.at[pl.ds(r0, _RPS)])

    def idx_copy(c):
        s = lax.rem(c, 3)
        return pltpu.make_async_copy(
            eidx_hbm.at[base + c], ibuf.at[s], sem_i.at[s])

    def gat_copy(c):
        return pltpu.make_async_copy(
            u_hbm.at[ibuf.at[lax.rem(c, 3), 0]],
            rows.at[lax.rem(c, 2)], sem_r.at[lax.rem(c, 2)])

    plsc.subcore_barrier()

    idx_copy(0).start()
    idx_copy(1).start()
    idx_copy(0).wait()
    gat_copy(0).start()

    def step(c, carry):
        @pl.when(c < nch)
        def _():
            gat_copy(c).wait()

        @pl.when(c + 2 < nch)
        def _():
            idx_copy(c + 2).start()

        @pl.when(c + 1 < nch)
        def _():
            idx_copy(c + 1).wait()
            gat_copy(c + 1).start()

        @pl.when(c < nch)
        def _():
            pltpu.sync_copy(rows.at[lax.rem(c, 2)],
                            acc.at[ibuf.at[lax.rem(c, 3), 1]], add=True)

        return carry

    lax.fori_loop(0, _CMAX, step, 0)
    plsc.subcore_barrier()
    pltpu.sync_copy(acc.at[pl.ds(r0, _RPS)], y_hbm.at[cid, pl.ds(r0, _RPS)])


_adj_kernel = functools.partial(
    pl.kernel,
    out_type=jax.ShapeDtypeStruct((_NC, _NP, _D), jnp.float32),
    mesh=_MESH,
    scratch_types=[
        pltpu.VMEM_SHARED((_NP, _D), jnp.float32),
        pltpu.VMEM((3, 2, _K), jnp.int32),
        pltpu.VMEM((2, _K, _D), jnp.float32),
        pltpu.SemaphoreType.DMA((3,)),
        pltpu.SemaphoreType.DMA((2,)),
    ],
)(_adj_body)


def _pre_body(degp_ref, x_ref, dinv_ref, ux_ref):
    deg = degp_ref[0, :_N, 0:1] + degp_ref[1, :_N, 0:1] + 1.0
    dinv = lax.rsqrt(jnp.maximum(deg, 1e-12))
    dinv_ref[...] = dinv
    ux_ref[...] = x_ref[...] * dinv


def _stage_body(yp_ref, u_ref, dinv_ref, gin_ref, W_ref, b_ref,
                u_out_ref, g_out_ref, nb: float):
    dinv = dinv_ref[...]
    g = dinv * (yp_ref[0, :_N, :] + yp_ref[1, :_N, :] + u_ref[...])
    gsum = g + gin_ref[...]
    cell = jnp.dot(gsum, W_ref[...],
                   preferred_element_type=jnp.float32) + nb * b_ref[...]
    u_out_ref[...] = dinv * jnp.maximum(cell, 0.0)
    g_out_ref[...] = gsum


def _final_body(yp_ref, u_ref, dinv_ref, gin_ref, W_ref, b_ref,
                Wp_ref, bp_ref, pred_ref):
    dinv = dinv_ref[...]
    g = dinv * (yp_ref[0, :_N, :] + yp_ref[1, :_N, :] + u_ref[...])
    gsum = g + gin_ref[...]
    cell = jnp.dot(gsum, W_ref[...],
                   preferred_element_type=jnp.float32) + 3.0 * b_ref[...]
    m = jnp.max(cell, axis=1, keepdims=True)
    ex = jnp.exp(cell - m)
    lse = jnp.log(jnp.sum(ex, axis=1, keepdims=True))
    feat = cell - m - lse
    pred_ref[...] = jnp.dot(feat, Wp_ref[...],
                            preferred_element_type=jnp.float32) + bp_ref[...]


def _tc(body, out_shape, *args):
    return pl.pallas_call(body, out_shape=out_shape)(*args)


def kernel(x, edge_index, node_label_index, node_label,
           W0, b0, W1, b1, W2, b2, W3, b3, Wp, bp):
    f32 = jnp.float32
    pad = _EP - _E
    src = jnp.concatenate(
        [edge_index[0], jnp.zeros((pad,), jnp.int32)]).reshape(_TOTCH, _K)
    dst = jnp.concatenate(
        [edge_index[1], jnp.full((pad,), _N, jnp.int32)]).reshape(_TOTCH, _K)
    eidx = jnp.stack([src, dst], axis=1)
    zerD = jnp.zeros((_NP, _D), f32)
    gzero = jnp.zeros((_N, _D), f32)

    degp = _adj_kernel(jnp.ones((_N, _D), f32), eidx, zerD)

    dinv, ux = _tc(_pre_body,
                   (jax.ShapeDtypeStruct((_N, 1), f32),
                    jax.ShapeDtypeStruct((_N, _D), f32)),
                   degp, x)

    shp_u = jax.ShapeDtypeStruct((_N, _D), f32)
    stage1 = functools.partial(_stage_body, nb=1.0)
    stage2 = functools.partial(_stage_body, nb=2.0)

    yx = _adj_kernel(ux, eidx, zerD)
    u0, _g = _tc(stage1, (shp_u, shp_u), yx, ux, dinv, gzero,
                 W0, b0.reshape(1, _D))
    y0 = _adj_kernel(u0, eidx, zerD)
    u1, g0 = _tc(stage1, (shp_u, shp_u), y0, u0, dinv, gzero,
                 W1, b1.reshape(1, _D))
    y1 = _adj_kernel(u1, eidx, zerD)
    u2, g01 = _tc(stage2, (shp_u, shp_u), y1, u1, dinv, g0,
                  W2, b2.reshape(1, _D))
    y2 = _adj_kernel(u2, eidx, zerD)
    pred = _tc(_final_body, jax.ShapeDtypeStruct((_N, _C), f32),
               y2, u2, dinv, g01, W3, b3.reshape(1, _D),
               Wp, bp.reshape(1, _C))

    pred = jnp.take(pred, node_label_index, axis=0)
    return pred, node_label

# --- scband reference (transcript-rebuilt; emitter-appended) ---
"""Pipeline reference for scband-nasgnn-24266565222462 (READ-ONLY COPY).

The authoritative reference and input builder live on the scoring server;
editing this copy changes nothing except your own understanding.
"""

import jax, jax.numpy as jnp
import numpy as np

N = 10000
E = 320000
D = 128
C = 40


def setup_inputs(seed: int = 0) -> dict:
    key = jax.random.key(seed)
    ks = jax.random.split(key, 16)
    x = jax.random.normal(ks[0], (N, D), dtype=jnp.float32)
    edge_index = jax.random.randint(ks[1], (2, E), 0, N, dtype=jnp.int32)
    node_label_index = jnp.arange(N, dtype=jnp.int32)
    node_label = jax.random.randint(ks[2], (N,), 0, C, dtype=jnp.int32)
    s = 1.0 / np.sqrt(D)
    W0 = jax.random.uniform(ks[3], (D, D), jnp.float32, -s, s)
    b0 = jnp.zeros((D,), jnp.float32)
    W1 = jax.random.uniform(ks[4], (D, D), jnp.float32, -s, s)
    b1 = jnp.zeros((D,), jnp.float32)
    W2 = jax.random.uniform(ks[5], (D, D), jnp.float32, -s, s)
    b2 = jnp.zeros((D,), jnp.float32)
    W3 = jax.random.uniform(ks[6], (D, D), jnp.float32, -s, s)
    b3 = jnp.zeros((D,), jnp.float32)
    Wp = jax.random.uniform(ks[7], (D, C), jnp.float32, -s, s)
    bp = jnp.zeros((C,), jnp.float32)
    return {"x": x, "edge_index": edge_index, "node_label_index": node_label_index,
            "node_label": node_label, "W0": W0, "b0": b0, "W1": W1, "b1": b1,
            "W2": W2, "b2": b2, "W3": W3, "b3": b3, "Wp": Wp, "bp": bp}


def reference(x, edge_index, node_label_index, node_label,
              W0, b0, W1, b1, W2, b2, W3, b3, Wp, bp):
    n = x.shape[0]
    loop = jnp.arange(n, dtype=edge_index.dtype)
    src = jnp.concatenate([edge_index[0], loop])
    dst = jnp.concatenate([edge_index[1], loop])
    deg = jnp.zeros((n,), x.dtype).at[dst].add(1.0)
    dinv = jax.lax.rsqrt(jnp.maximum(deg, 1e-12))
    norm = (dinv[src] * dinv[dst])[:, None]

    def conv(h, W, b):
        h = h @ W
        msg = h[src] * norm
        return jax.ops.segment_sum(msg, dst, num_segments=n) + b

    cell0 = conv(x, W0, b0)
    cell1 = conv(jax.nn.relu(cell0), W1, b1)
    cell2 = conv(jax.nn.relu(cell0), W2, b2) + conv(jax.nn.relu(cell1), W2, b2)
    cell3 = (conv(jax.nn.relu(cell0), W3, b3)
             + conv(jax.nn.relu(cell1), W3, b3)
             + conv(jax.nn.relu(cell2), W3, b3))
    feat = jax.nn.log_softmax(cell3, axis=1)
    feat = feat @ Wp + bp
    pred = feat[node_label_index]
    return pred, node_label

if __name__ == "__main__":
    import jax
    _d = setup_inputs()
    print(jax.jit(kernel)(*tuple(_d.values())))

</pallas_src>

<mosaic_0001>
#map = affine_map<(d0, d1) -> (0, 0)>
#map1 = affine_map<(d0, d1) -> (0, 0, 0)>
module attributes {stable_mosaic.version = 14 : i64} {
  func.func @_adj_body(%arg0: i32, %arg1: i32, %arg2: memref<10000x128xf32, #tpu.memory_space<hbm>>, %arg3: memref<2560x2x128xi32, #tpu.memory_space<hbm>>, %arg4: memref<10112x128xf32, #tpu.memory_space<hbm>>, %arg5: memref<2x10112x128xf32, #tpu.memory_space<hbm>>, %arg6: memref<10112x128xf32, #tpu.memory_space<vmem_shared>>, %arg7: memref<3x2x128xi32, #tpu.memory_space<vmem>>, %arg8: memref<2x128x128xf32, #tpu.memory_space<vmem>>, %arg9: memref<3x!tpu.dma_semaphore, #tpu.memory_space<semaphore_mem>>, %arg10: memref<2x!tpu.dma_semaphore, #tpu.memory_space<semaphore_mem>>) attributes {dimension_semantics = [#tpu.dimension_semantics<core_parallel>, #tpu.dimension_semantics<subcore_parallel>], iteration_bounds = array<i64: 2, 16>, scalar_prefetch = 0 : i64, scratch_operands = 5 : i64, tpu.core_type = #tpu.core_type<sc_vector_subcore>, window_params = [{transform_indices = #map}, {transform_indices = #map1}, {transform_indices = #map}, {transform_indices = #map1}]} {
    %mul3A = arith.constant -144 : i32
    %mul3A_0 = arith.muli %arg0, %mul3A : i32
    %add3A = arith.constant 152 : i32
    %add3A_1 = arith.addi %add3A, %mul3A_0 : i32
    %mul3A_2 = arith.constant 2432 : i32
    %mul3A_3 = arith.muli %arg0, %mul3A_2 : i32
    %mul3A_4 = arith.muli %arg1, %add3A_1 : i32
    %add3A_5 = arith.addi %mul3A_3, %mul3A_4 : i32
    %mul3A_6 = arith.constant 632 : i32
    %mul3A_7 = arith.muli %arg1, %mul3A_6 : i32
    %multiple_of3A = tpu.assume_multiple %mul3A_7, 8 : i32
    "tpu.region"() ({
      %run_scoped3A = tpu.sem_alloc : memref<!tpu.dma_semaphore, #tpu.memory_space<semaphore_mem>>
      %dma_start3A_102 = arith.constant 0 : i32
      %dma_start3A_103 = tpu.memref_slice %arg6[%multiple_of3A, %dma_start3A_102] : memref<10112x128xf32, #tpu.memory_space<vmem_shared>> -> memref<632x128xf32, #tpu.memory_space<vmem_shared>>
      %dma_start3A_104 = arith.constant 0 : i32
      %dma_start3A_105 = tpu.memref_slice %arg4[%multiple_of3A, %dma_start3A_104] : memref<10112x128xf32, #tpu.memory_space<hbm>> -> memref<632x128xf32, #tpu.memory_space<hbm>>
      tpu.enqueue_dma source(%dma_start3A_105 : memref<632x128xf32, #tpu.memory_space<hbm>>) target(%dma_start3A_103 : memref<632x128xf32, #tpu.memory_space<vmem_shared>>) target_semaphore(%run_scoped3A : memref<!tpu.dma_semaphore, #tpu.memory_space<semaphore_mem>>)
      %dma_wait3A_106 = arith.constant 0 : i32
      %dma_wait3A_107 = tpu.memref_slice %arg6[%multiple_of3A, %dma_wait3A_106] : memref<10112x128xf32, #tpu.memory_space<vmem_shared>> -> memref<632x128xf32, #tpu.memory_space<vmem_shared>>
      %dma_wait3A_108 = arith.constant 0 : i32
      %dma_wait3A_109 = tpu.memref_slice %arg4[%multiple_of3A, %dma_wait3A_108] : memref<10112x128xf32, #tpu.memory_space<hbm>> -> memref<632x128xf32, #tpu.memory_space<hbm>>
      tpu.wait_dma2 semaphore(%run_scoped3A : memref<!tpu.dma_semaphore, #tpu.memory_space<semaphore_mem>>) src(%dma_wait3A_109 : memref<632x128xf32, #tpu.memory_space<hbm>>) dst(%dma_wait3A_107 : memref<632x128xf32, #tpu.memory_space<vmem_shared>>)
      tpu.yield
    }) : () -> ()
    %barrier3A = arith.constant 0 : index
    tpu.barrier barrier_id(%barrier3A)
    %rem3A = arith.constant 0 : i32
    %rem3A_8 = arith.constant 3 : i32
    %rem3A_9 = arith.remsi %rem3A, %rem3A_8 : i32
    %add3A_10 = arith.constant 0 : i32
    %add3A_11 = arith.addi %add3A_5, %add3A_10 : i32
    %dma_start3A = arith.constant 0 : i32
    %dma_start3A_12 = arith.constant 0 : i32
    %dma_start3A_13 = tpu.memref_slice %arg7[%rem3A_9, %dma_start3A, %dma_start3A_12] : memref<3x2x128xi32, #tpu.memory_space<vmem>> -> memref<1x2x128xi32, #tpu.memory_space<vmem>>
    %dma_start3A_14 = tpu.memref_squeeze %dma_start3A_13 : memref<1x2x128xi32, #tpu.memory_space<vmem>> -> memref<2x128xi32, #tpu.memory_space<vmem>>
    %dma_start3A_15 = arith.constant 0 : i32
    %dma_start3A_16 = arith.constant 0 : i32
    %dma_start3A_17 = tpu.memref_slice %arg3[%add3A_11, %dma_start3A_15, %dma_start3A_16] : memref<2560x2x128xi32, #tpu.memory_space<hbm>> -> memref<1x2x128xi32, #tpu.memory_space<hbm>>
    %dma_start3A_18 = tpu.memref_squeeze %dma_start3A_17 : memref<1x2x128xi32, #tpu.memory_space<hbm>> -> memref<2x128xi32, #tpu.memory_space<hbm>>
    %dma_start3A_19 = tpu.memref_slice %arg9[%rem3A_9] : memref<3x!tpu.dma_semaphore, #tpu.memory_space<semaphore_mem>> -> memref<1x!tpu.dma_semaphore, #tpu.memory_space<semaphore_mem>>
    %dma_start3A_20 = tpu.memref_squeeze %dma_start3A_19 : memref<1x!tpu.dma_semaphore, #tpu.memory_space<semaphore_mem>> -> memref<!tpu.dma_semaphore, #tpu.memory_space<semaphore_mem>>
    %dma_start3A_21 = arith.constant 0 : i32
    %dma_start3A_22 = arith.constant 0 : i32
    %dma_start3A_23 = tpu.memref_slice %arg7[%rem3A_9, %dma_start3A_21, %dma_start3A_22] : memref<3x2x128xi32, #tpu.memory_space<vmem>> -> memref<1x2x128xi32, #tpu.memory_space<vmem>>
    %dma_start3A_24 = tpu.memref_squeeze %dma_start3A_23 : memref<1x2x128xi32, #tpu.memory_space<vmem>> -> memref<2x128xi32, #tpu.memory_space<vmem>>
    %dma_start3A_25 = arith.constant 0 : i32
    %dma_start3A_26 = arith.constant 0 : i32
    %dma_start3A_27 = tpu.memref_slice %arg3[%add3A_11, %dma_start3A_25, %dma_start3A_26] : memref<2560x2x128xi32, #tpu.memory_space<hbm>> -> memref<1x2x128xi32, #tpu.memory_space<hbm>>
    %dma_start3A_28 = tpu.memref_squeeze %dma_start3A_27 : memref<1x2x128xi32, #tpu.memory_space<hbm>> -> memref<2x128xi32, #tpu.memory_space<hbm>>
    tpu.enqueue_dma source(%dma_start3A_28 : memref<2x128xi32, #tpu.memory_space<hbm>>) target(%dma_start3A_24 : memref<2x128xi32, #tpu.memory_space<vmem>>) target_semaphore(%dma_start3A_20 : memref<!tpu.dma_semaphore, #tpu.memory_space<semaphore_mem>>)
    %rem3A_29 = arith.constant 1 : i32
    %rem3A_30 = arith.constant 3 : i32
    %rem3A_31 = arith.remsi %rem3A_29, %rem3A_30 : i32
    %add3A_32 = arith.constant 1 : i32
    %add3A_33 = arith.addi %add3A_5, %add3A_32 : i32
    %dma_start3A_34 = arith.constant 0 : i32
    %dma_start3A_35 = arith.constant 0 : i32
    %dma_start3A_36 = tpu.memref_slice %arg7[%rem3A_31, %dma_start3A_34, %dma_start3A_35] : memref<3x2x128xi32, #tpu.memory_space<vmem>> -> memref<1x2x128xi32, #tpu.memory_space<vmem>>
    %dma_start3A_37 = tpu.memref_squeeze %dma_start3A_36 : memref<1x2x128xi32, #tpu.memory_space<vmem>> -> memref<2x128xi32, #tpu.memory_space<vmem>>
    %dma_start3A_38 = arith.constant 0 : i32
    %dma_start3A_39 = arith.constant 0 : i32
    %dma_start3A_40 = tpu.memref_slice %arg3[%add3A_33, %dma_start3A_38, %dma_start3A_39] : memref<2560x2x128xi32, #tpu.memory_space<hbm>> -> memref<1x2x128xi32, #tpu.memory_space<hbm>>
    %dma_start3A_41 = tpu.memref_squeeze %dma_start3A_40 : memref<1x2x128xi32, #tpu.memory_space<hbm>> -> memref<2x128xi32, #tpu.memory_space<hbm>>
    %dma_start3A_42 = tpu.memref_slice %arg9[%rem3A_31] : memref<3x!tpu.dma_semaphore, #tpu.memory_space<semaphore_mem>> -> memref<1x!tpu.dma_semaphore, #tpu.memory_space<semaphore_mem>>
    %dma_start3A_43 = tpu.memref_squeeze %dma_start3A_42 : memref<1x!tpu.dma_semaphore, #tpu.memory_space<semaphore_mem>> -> memref<!tpu.dma_semaphore, #tpu.memory_space<semaphore_mem>>
    %dma_start3A_44 = arith.constant 0 : i32
    %dma_start3A_45 = arith.constant 0 : i32
    %dma_start3A_46 = tpu.memref_slice %arg7[%rem3A_31, %dma_start3A_44, %dma_start3A_45] : memref<3x2x128xi32, #tpu.memory_space<vmem>> -> memref<1x2x128xi32, #tpu.memory_space<vmem>>
    %dma_start3A_47 = tpu.memref_squeeze %dma_start3A_46 : memref<1x2x128xi32, #tpu.memory_space<vmem>> -> memref<2x128xi32, #tpu.memory_space<vmem>>
    %dma_start3A_48 = arith.constant 0 : i32
    %dma_start3A_49 = arith.constant 0 : i32
    %dma_start3A_50 = tpu.memref_slice %arg3[%add3A_33, %dma_start3A_48, %dma_start3A_49] : memref<2560x2x128xi32, #tpu.memory_space<hbm>> -> memref<1x2x128xi32, #tpu.memory_space<hbm>>
    %dma_start3A_51 = tpu.memref_squeeze %dma_start3A_50 : memref<1x2x128xi32, #tpu.memory_space<hbm>> -> memref<2x128xi32, #tpu.memory_space<hbm>>
    tpu.enqueue_dma source(%dma_start3A_51 : memref<2x128xi32, #tpu.memory_space<hbm>>) target(%dma_start3A_47 : memref<2x128xi32, #tpu.memory_space<vmem>>) target_semaphore(%dma_start3A_43 : memref<!tpu.dma_semaphore, #tpu.memory_space<semaphore_mem>>)
    %rem3A_52 = arith.constant 0 : i32
    %rem3A_53 = arith.constant 3 : i32
    %rem3A_54 = arith.remsi %rem3A_52, %rem3A_53 : i32
    %add3A_55 = arith.constant 0 : i32
    %add3A_56 = arith.addi %add3A_5, %add3A_55 : i32
    %dma_wait3A = arith.constant 0 : i32
    %dma_wait3A_57 = arith.constant 0 : i32
    %dma_wait3A_58 = tpu.memref_slice %arg7[%rem3A_54, %dma_wait3A, %dma_wait3A_57] : memref<3x2x128xi32, #tpu.memory_space<vmem>> -> memref<1x2x128xi32, #tpu.memory_space<vmem>>
    %dma_wait3A_59 = tpu.memref_squeeze %dma_wait3A_58 : memref<1x2x128xi32, #tpu.memory_space<vmem>> -> memref<2x128xi32, #tpu.memory_space<vmem>>
    %dma_wait3A_60 = arith.constant 0 : i32
    %dma_wait3A_61 = arith.constant 0 : i32
    %dma_wait3A_62 = tpu.memref_slice %arg3[%add3A_56, %dma_wait3A_60, %dma_wait3A_61] : memref<2560x2x128xi32, #tpu.memory_space<hbm>> -> memref<1x2x128xi32, #tpu.memory_space<hbm>>
    %dma_wait3A_63 = tpu.memref_squeeze %dma_wait3A_62 : memref<1x2x128xi32, #tpu.memory_space<hbm>> -> memref<2x128xi32, #tpu.memory_space<hbm>>
    %dma_wait3A_64 = tpu.memref_slice %arg9[%rem3A_54] : memref<3x!tpu.dma_semaphore, #tpu.memory_space<semaphore_mem>> -> memref<1x!tpu.dma_semaphore, #tpu.memory_space<semaphore_mem>>
    %dma_wait3A_65 = tpu.memref_squeeze %dma_wait3A_64 : memref<1x!tpu.dma_semaphore, #tpu.memory_space<semaphore_mem>> -> memref<!tpu.dma_semaphore, #tpu.memory_space<semaphore_mem>>
    %dma_wait3A_66 = arith.constant 0 : i32
    %dma_wait3A_67 = arith.constant 0 : i32
    %dma_wait3A_68 = tpu.memref_slice %arg7[%rem3A_54, %dma_wait3A_66, %dma_wait3A_67] : memref<3x2x128xi32, #tpu.memory_space<vmem>> -> memref<1x2x128xi32, #tpu.memory_space<vmem>>
    %dma_wait3A_69 = tpu.memref_squeeze %dma_wait3A_68 : memref<1x2x128xi32, #tpu.memory_space<vmem>> -> memref<2x128xi32, #tpu.memory_space<vmem>>
    %dma_wait3A_70 = arith.constant 0 : i32
    %dma_wait3A_71 = arith.constant 0 : i32
    %dma_wait3A_72 = tpu.memref_slice %arg3[%add3A_56, %dma_wait3A_70, %dma_wait3A_71] : memref<2560x2x128xi32, #tpu.memory_space<hbm>> -> memref<1x2x128xi32, #tpu.memory_space<hbm>>
    %dma_wait3A_73 = tpu.memref_squeeze %dma_wait3A_72 : memref<1x2x128xi32, #tpu.memory_space<hbm>> -> memref<2x128xi32, #tpu.memory_space<hbm>>
    tpu.wait_dma2 semaphore(%dma_wait3A_65 : memref<!tpu.dma_semaphore, #tpu.memory_space<semaphore_mem>>) src(%dma_wait3A_73 : memref<2x128xi32, #tpu.memory_space<hbm>>) dst(%dma_wait3A_69 : memref<2x128xi32, #tpu.memory_space<vmem>>)
    %rem3A_74 = arith.constant 0 : i32
    %rem3A_75 = arith.constant 3 : i32
    %rem3A_76 = arith.remsi %rem3A_74, %rem3A_75 : i32
    %rem3A_77 = arith.constant 0 : i32
    %rem3A_78 = arith.constant 2 : i32
    %rem3A_79 = arith.remsi %rem3A_77, %rem3A_78 : i32
    %rem3A_80 = arith.constant 0 : i32
    %rem3A_81 = arith.constant 2 : i32
    %rem3A_82 = arith.remsi %rem3A_80, %rem3A_81 : i32
    %dma_start3A_83 = arith.constant 0 : i32
    %dma_start3A_84 = arith.constant 0 : i32
    %dma_start3A_85 = arith.constant 0 : i32
    %dma_start3A_86 = tpu.memref_slice %arg8[%rem3A_79, %dma_start3A_84, %dma_start3A_85] : memref<2x128x128xf32, #tpu.memory_space<vmem>> -> memref<1x128x128xf32, #tpu.memory_space<vmem>>
    %dma_start3A_87 = tpu.memref_squeeze %dma_start3A_86 : memref<1x128x128xf32, #tpu.memory_space<vmem>> -> memref<128x128xf32, #tpu.memory_space<vmem>>
    %dma_start3A_88 = arith.constant 0 : i32
    %dma_start3A_89 = tpu.memref_slice %arg7[%rem3A_76, %dma_start3A_83, %dma_start3A_88] : memref<3x2x128xi32, #tpu.memory_space<vmem>> -> memref<1x1x128xi32, #tpu.memory_space<vmem>>
    %dma_start3A_90 = tpu.memref_squeeze %dma_start3A_89 : memref<1x1x128xi32, #tpu.memory_space<vmem>> -> memref<128xi32, #tpu.memory_space<vmem>>
    %dma_start3A_91 = arith.constant 0 : i32
    %dma_start3A_92 = arith.constant 0 : i32
    %dma_start3A_93 = tpu.memref_slice %arg2[%dma_start3A_91, %dma_start3A_92] : memref<10000x128xf32, #tpu.memory_space<hbm>> -> memref<10000x128xf32, #tpu.memory_space<hbm>>
    %dma_start3A_94 = tpu.memref_slice %arg10[%rem3A_82] : memref<2x!tpu.dma_semaphore, #tpu.memory_space<semaphore_mem>> -> memref<1x!tpu.dma_semaphore, #tpu.memory_space<semaphore_mem>>
    %dma_start3A_95 = tpu.memref_squeeze %dma_start3A_94 : memref<1x!tpu.dma_semaphore, #tpu.memory_space<semaphore_mem>> -> memref<!tpu.dma_semaphore, #tpu.memory_space<semaphore_mem>>
    tpu.enqueue_indirect_dma source(%dma_start3A_93 : memref<10000x128xf32, #tpu.memory_space<hbm>>) target(%dma_start3A_87 : memref<128x128xf32, #tpu.memory_space<vmem>>) offsets(%dma_start3A_90 : memref<128xi32, #tpu.memory_space<vmem>>) semaphore(%dma_start3A_95 : memref<!tpu.dma_semaphore, #tpu.memory_space<semaphore_mem>>)
    %scan3A = arith.constant 0 : i32
    %scan3A_96 = arith.constant 0 : i32
    %scan3A_97 = arith.constant 152 : i32
    %scan3A_98 = arith.addi %scan3A_96, %scan3A_97 : i32
    %scan3A_99 = arith.constant 1 : i32
    scf.for %scan3A_102 = %scan3A_96 to %scan3A_98 step %scan3A_99  : i32 {
      %lt3A = arith.cmpi slt, %scan3A_102, %add3A_1 : i32
      %convert_element_type3A = arith.extui %lt3A : i1 to i32
      %cond3A = arith.constant 0 : i32
      %cond3A_103 = arith.cmpi ne, %convert_element_type3A, %cond3A : i32
      scf.if %cond3A_103 {
        %rem3A_120 = arith.constant 3 : i32
        %rem3A_121 = arith.remsi %scan3A_102, %rem3A_120 : i32
        %rem3A_122 = arith.constant 2 : i32
        %rem3A_123 = arith.remsi %scan3A_102, %rem3A_122 : i32
        %rem3A_124 = arith.constant 2 : i32
        %rem3A_125 = arith.remsi %scan3A_102, %rem3A_124 : i32
        %dma_wait3A_126 = arith.constant 0 : i32
        %dma_wait3A_127 = arith.constant 0 : i32
        %dma_wait3A_128 = arith.constant 0 : i32
        %dma_wait3A_129 = tpu.memref_slice %arg8[%rem3A_123, %dma_wait3A_127, %dma_wait3A_128] : memref<2x128x128xf32, #tpu.memory_space<vmem>> -> memref<1x128x128xf32, #tpu.memory_space<vmem>>
        %dma_wait3A_130 = tpu.memref_squeeze %dma_wait3A_129 : memref<1x128x128xf32, #tpu.memory_space<vmem>> -> memref<128x128xf32, #tpu.memory_space<vmem>>
        %dma_wait3A_131 = arith.constant 0 : i32
        %dma_wait3A_132 = tpu.memref_slice %arg7[%rem3A_121, %dma_wait3A_126, %dma_wait3A_131] : memref<3x2x128xi32, #tpu.memory_space<vmem>> -> memref<1x1x128xi32, #tpu.memory_space<vmem>>
        %dma_wait3A_133 = tpu.memref_squeeze %dma_wait3A_132 : memref<1x1x128xi32, #tpu.memory_space<vmem>> -> memref<128xi32, #tpu.memory_space<vmem>>
        %dma_wait3A_134 = arith.constant 0 : i32
        %dma_wait3A_135 = arith.constant 0 : i32
        %dma_wait3A_136 = tpu.memref_slice %arg2[%dma_wait3A_134, %dma_wait3A_135] : memref<10000x128xf32, #tpu.memory_space<hbm>> -> memref<10000x128xf32, #tpu.memory_space<hbm>>
        %dma_wait3A_137 = tpu.memref_slice %arg10[%rem3A_125] : memref<2x!tpu.dma_semaphore, #tpu.memory_space<semaphore_mem>> -> memref<1x!tpu.dma_semaphore, #tpu.memory_space<semaphore_mem>>
        %dma_wait3A_138 = tpu.memref_squeeze %dma_wait3A_137 : memref<1x!tpu.dma_semaphore, #tpu.memory_space<semaphore_mem>> -> memref<!tpu.dma_semaphore, #tpu.memory_space<semaphore_mem>>
        tpu.wait_indirect_dma semaphore(%dma_wait3A_138 : memref<!tpu.dma_semaphore, #tpu.memory_space<semaphore_mem>>) src(%dma_wait3A_136 : memref<10000x128xf32, #tpu.memory_space<hbm>>) dst(%dma_wait3A_130 : memref<128x128xf32, #tpu.memory_space<vmem>>)
      } else {
      }
      %add3A_104 = arith.constant 2 : i32
      %add3A_105 = arith.addi %scan3A_102, %add3A_104 : i32
      %lt3A_106 = arith.cmpi slt, %add3A_105, %add3A_1 : i32
      %convert_element_type3A_107 = arith.extui %lt3A_106 : i1 to i32
      %cond3A_108 = arith.constant 0 : i32
      %cond3A_109 = arith.cmpi ne, %convert_element_type3A_107, %cond3A_108 : i32
      scf.if %cond3A_109 {
        %add3A_120 = arith.constant 2 : i32
        %add3A_121 = arith.addi %scan3A_102, %add3A_120 : i32
        %rem3A_122 = arith.constant 3 : i32
        %rem3A_123 = arith.remsi %add3A_121, %rem3A_122 : i32
        %add3A_124 = arith.addi %add3A_5, %add3A_121 : i32
        %dma_start3A_125 = arith.constant 0 : i32
        %dma_start3A_126 = arith.constant 0 : i32
        %dma_start3A_127 = tpu.memref_slice %arg7[%rem3A_123, %dma_start3A_125, %dma_start3A_126] : memref<3x2x128xi32, #tpu.memory_space<vmem>> -> memref<1x2x128xi32, #tpu.memory_space<vmem>>
        %dma_start3A_128 = tpu.memref_squeeze %dma_start3A_127 : memref<1x2x128xi32, #tpu.memory_space<vmem>> -> memref<2x128xi32, #tpu.memory_space<vmem>>
        %dma_start3A_129 = arith.constant 0 : i32
        %dma_start3A_130 = arith.constant 0 : i32
        %dma_start3A_131 = tpu.memref_slice %arg3[%add3A_124, %dma_start3A_129, %dma_start3A_130] : memref<2560x2x128xi32, #tpu.memory_space<hbm>> -> memref<1x2x128xi32, #tpu.memory_space<hbm>>
        %dma_start3A_132 = tpu.memref_squeeze %dma_start3A_131 : memref<1x2x128xi32, #tpu.memory_space<hbm>> -> memref<2x128xi32, #tpu.memory_space<hbm>>
        %dma_start3A_133 = tpu.memref_slice %arg9[%rem3A_123] : memref<3x!tpu.dma_semaphore, #tpu.memory_space<semaphore_mem>> -> memref<1x!tpu.dma_semaphore, #tpu.memory_space<semaphore_mem>>
        %dma_start3A_134 = tpu.memref_squeeze %dma_start3A_133 : memref<1x!tpu.dma_semaphore, #tpu.memory_space<semaphore_mem>> -> memref<!tpu.dma_semaphore, #tpu.memory_space<semaphore_mem>>
        %dma_start3A_135 = arith.constant 0 : i32
        %dma_start3A_136 = arith.constant 0 : i32
        %dma_start3A_137 = tpu.memref_slice %arg7[%rem3A_123, %dma_start3A_135, %dma_start3A_136] : memref<3x2x128xi32, #tpu.memory_space<vmem>> -> memref<1x2x128xi32, #tpu.memory_space<vmem>>
        %dma_start3A_138 = tpu.memref_squeeze %dma_start3A_137 : memref<1x2x128xi32, #tpu.memory_space<vmem>> -> memref<2x128xi32, #tpu.memory_space<vmem>>
        %dma_start3A_139 = arith.constant 0 : i32
        %dma_start3A_140 = arith.constant 0 : i32
        %dma_start3A_141 = tpu.memref_slice %arg3[%add3A_124, %dma_start3A_139, %dma_start3A_140] : memref<2560x2x128xi32, #tpu.memory_space<hbm>> -> memref<1x2x128xi32, #tpu.memory_space<hbm>>
        %dma_start3A_142 = tpu.memref_squeeze %dma_start3A_141 : memref<1x2x128xi32, #tpu.memory_space<hbm>> -> memref<2x128xi32, #tpu.memory_space<hbm>>
        tpu.enqueue_dma source(%dma_start3A_142 : memref<2x128xi32, #tpu.memory_space<hbm>>) target(%dma_start3A_138 : memref<2x128xi32, #tpu.memory_space<vmem>>) target_semaphore(%dma_start3A_134 : memref<!tpu.dma_semaphore, #tpu.memory_space<semaphore_mem>>)
      } else {
      }
      %add3A_110 = arith.constant 1 : i32
      %add3A_111 = arith.addi %scan3A_102, %add3A_110 : i32
      %lt3A_112 = arith.cmpi slt, %add3A_111, %add3A_1 : i32
      %convert_element_type3A_113 = arith.extui %lt3A_112 : i1 to i32
      %cond3A_114 = arith.constant 0 : i32
      %cond3A_115 = arith.cmpi ne, %convert_element_type3A_113, %cond3A_114 : i32
      scf.if %cond3A_115 {
        %add3A_120 = arith.constant 1 : i32
        %add3A_121 = arith.addi %scan3A_102, %add3A_120 : i32
        %rem3A_122 = arith.constant 3 : i32
        %rem3A_123 = arith.remsi %add3A_121, %rem3A_122 : i32
        %add3A_124 = arith.addi %add3A_5, %add3A_121 : i32
        %dma_wait3A_125 = arith.constant 0 : i32
        %dma_wait3A_126 = arith.constant 0 : i32
        %dma_wait3A_127 = tpu.memref_slice %arg7[%rem3A_123, %dma_wait3A_125, %dma_wait3A_126] : memref<3x2x128xi32, #tpu.memory_space<vmem>> -> memref<1x2x128xi32, #tpu.memory_space<vmem>>
        %dma_wait3A_128 = tpu.memref_squeeze %dma_wait3A_127 : memref<1x2x128xi32, #tpu.memory_space<vmem>> -> memref<2x128xi32, #tpu.memory_space<vmem>>
        %dma_wait3A_129 = arith.constant 0 : i32
        %dma_wait3A_130 = arith.constant 0 : i32
        %dma_wait3A_131 = tpu.memref_slice %arg3[%add3A_124, %dma_wait3A_129, %dma_wait3A_130] : memref<2560x2x128xi32, #tpu.memory_space<hbm>> -> memref<1x2x128xi32, #tpu.memory_space<hbm>>
        %dma_wait3A_132 = tpu.memref_squeeze %dma_wait3A_131 : memref<1x2x128xi32, #tpu.memory_space<hbm>> -> memref<2x128xi32, #tpu.memory_space<hbm>>
        %dma_wait3A_133 = tpu.memref_slice %arg9[%rem3A_123] : memref<3x!tpu.dma_semaphore, #tpu.memory_space<semaphore_mem>> -> memref<1x!tpu.dma_semaphore, #tpu.memory_space<semaphore_mem>>
        %dma_wait3A_134 = tpu.memref_squeeze %dma_wait3A_133 : memref<1x!tpu.dma_semaphore, #tpu.memory_space<semaphore_mem>> -> memref<!tpu.dma_semaphore, #tpu.memory_space<semaphore_mem>>
        %dma_wait3A_135 = arith.constant 0 : i32
        %dma_wait3A_136 = arith.constant 0 : i32
        %dma_wait3A_137 = tpu.memref_slice %arg7[%rem3A_123, %dma_wait3A_135, %dma_wait3A_136] : memref<3x2x128xi32, #tpu.memory_space<vmem>> -> memref<1x2x128xi32, #tpu.memory_space<vmem>>
        %dma_wait3A_138 = tpu.memref_squeeze %dma_wait3A_137 : memref<1x2x128xi32, #tpu.memory_space<vmem>> -> memref<2x128xi32, #tpu.memory_space<vmem>>
        %dma_wait3A_139 = arith.constant 0 : i32
        %dma_wait3A_140 = arith.constant 0 : i32
        %dma_wait3A_141 = tpu.memref_slice %arg3[%add3A_124, %dma_wait3A_139, %dma_wait3A_140] : memref<2560x2x128xi32, #tpu.memory_space<hbm>> -> memref<1x2x128xi32, #tpu.memory_space<hbm>>
        %dma_wait3A_142 = tpu.memref_squeeze %dma_wait3A_141 : memref<1x2x128xi32, #tpu.memory_space<hbm>> -> memref<2x128xi32, #tpu.memory_space<hbm>>
        tpu.wait_dma2 semaphore(%dma_wait3A_134 : memref<!tpu.dma_semaphore, #tpu.memory_space<semaphore_mem>>) src(%dma_wait3A_142 : memref<2x128xi32, #tpu.memory_space<hbm>>) dst(%dma_wait3A_138 : memref<2x128xi32, #tpu.memory_space<vmem>>)
        %add3A_143 = arith.constant 1 : i32
        %add3A_144 = arith.addi %scan3A_102, %add3A_143 : i32
        %rem3A_145 = arith.constant 3 : i32
        %rem3A_146 = arith.remsi %add3A_144, %rem3A_145 : i32
        %rem3A_147 = arith.constant 2 : i32
        %rem3A_148 = arith.remsi %add3A_144, %rem3A_147 : i32
        %rem3A_149 = arith.constant 2 : i32
        %rem3A_150 = arith.remsi %add3A_144, %rem3A_149 : i32
        %dma_start3A_151 = arith.constant 0 : i32
        %dma_start3A_152 = arith.constant 0 : i32
        %dma_start3A_153 = arith.constant 0 : i32
        %dma_start3A_154 = tpu.memref_slice %arg8[%rem3A_148, %dma_start3A_152, %dma_start3A_153] : memref<2x128x128xf32, #tpu.memory_space<vmem>> -> memref<1x128x128xf32, #tpu.memory_space<vmem>>
        %dma_start3A_155 = tpu.memref_squeeze %dma_start3A_154 : memref<1x128x128xf32, #tpu.memory_space<vmem>> -> memref<128x128xf32, #tpu.memory_space<vmem>>
        %dma_start3A_156 = arith.constant 0 : i32
        %dma_start3A_157 = tpu.memref_slice %arg7[%rem3A_146, %dma_start3A_151, %dma_start3A_156] : memref<3x2x128xi32, #tpu.memory_space<vmem>> -> memref<1x1x128xi32, #tpu.memory_space<vmem>>
        %dma_start3A_158 = tpu.memref_squeeze %dma_start3A_157 : memref<1x1x128xi32, #tpu.memory_space<vmem>> -> memref<128xi32, #tpu.memory_space<vmem>>
        %dma_start3A_159 = arith.constant 0 : i32
        %dma_start3A_160 = arith.constant 0 : i32
        %dma_start3A_161 = tpu.memref_slice %arg2[%dma_start3A_159, %dma_start3A_160] : memref<10000x128xf32, #tpu.memory_space<hbm>> -> memref<10000x128xf32, #tpu.memory_space<hbm>>
        %dma_start3A_162 = tpu.memref_slice %arg10[%rem3A_150] : memref<2x!tpu.dma_semaphore, #tpu.memory_space<semaphore_mem>> -> memref<1x!tpu.dma_semaphore, #tpu.memory_space<semaphore_mem>>
        %dma_start3A_163 = tpu.memref_squeeze %dma_start3A_162 : memref<1x!tpu.dma_semaphore, #tpu.memory_space<semaphore_mem>> -> memref<!tpu.dma_semaphore, #tpu.memory_space<semaphore_mem>>
        tpu.enqueue_indirect_dma source(%dma_start3A_161 : memref<10000x128xf32, #tpu.memory_space<hbm>>) target(%dma_start3A_155 : memref<128x128xf32, #tpu.memory_space<vmem>>) offsets(%dma_start3A_158 : memref<128xi32, #tpu.memory_space<vmem>>) semaphore(%dma_start3A_163 : memref<!tpu.dma_semaphore, #tpu.memory_space<semaphore_mem>>)
      } else {
      }
      %lt3A_116 = arith.cmpi slt, %scan3A_102, %add3A_1 : i32
      %convert_element_type3A_117 = arith.extui %lt3A_116 : i1 to i32
      %cond3A_118 = arith.constant 0 : i32
      %cond3A_119 = arith.cmpi ne, %convert_element_type3A_117, %cond3A_118 : i32
      scf.if %cond3A_119 {
        %rem3A_120 = arith.constant 2 : i32
        %rem3A_121 = arith.remsi %scan3A_102, %rem3A_120 : i32
        %rem3A_122 = arith.constant 3 : i32
        %rem3A_123 = arith.remsi %scan3A_102, %rem3A_122 : i32
        %run_scoped3A = arith.constant 1 : i32
        "tpu.region"() ({
          %run_scoped3A_124 = tpu.sem_alloc : memref<!tpu.dma_semaphore, #tpu.memory_space<semaphore_mem>>
          %dma_start3A_125 = arith.constant 0 : i32
          %dma_start3A_126 = arith.constant 0 : i32
          %dma_start3A_127 = tpu.memref_slice %arg8[%rem3A_121, %dma_start3A_125, %dma_start3A_126] : memref<2x128x128xf32, #tpu.memory_space<vmem>> -> memref<1x128x128xf32, #tpu.memory_space<vmem>>
          %dma_start3A_128 = tpu.memref_squeeze %dma_start3A_127 : memref<1x128x128xf32, #tpu.memory_space<vmem>> -> memref<128x128xf32, #tpu.memory_space<vmem>>
          %dma_start3A_129 = arith.constant 0 : i32
          %dma_start3A_130 = tpu.memref_slice %arg7[%rem3A_123, %run_scoped3A, %dma_start3A_129] : memref<3x2x128xi32, #tpu.memory_space<vmem>> -> memref<1x1x128xi32, #tpu.memory_space<vmem>>
          %dma_start3A_131 = tpu.memref_squeeze %dma_start3A_130 : memref<1x1x128xi32, #tpu.memory_space<vmem>> -> memref<128xi32, #tpu.memory_space<vmem>>
          %dma_start3A_132 = arith.constant 0 : i32
          %dma_start3A_133 = arith.constant 0 : i32
          %dma_start3A_134 = tpu.memref_slice %arg6[%dma_start3A_132, %dma_start3A_133] : memref<10112x128xf32, #tpu.memory_space<vmem_shared>> -> memref<10112x128xf32, #tpu.memory_space<vmem_shared>>
          tpu.enqueue_indirect_dma source(%dma_start3A_128 : memref<128x128xf32, #tpu.memory_space<vmem>>) target(%dma_start3A_134 : memref<10112x128xf32, #tpu.memory_space<vmem_shared>>) offsets(%dma_start3A_131 : memref<128xi32, #tpu.memory_space<vmem>>) semaphore(%run_scoped3A_124 : memref<!tpu.dma_semaphore, #tpu.memory_space<semaphore_mem>>) {add = true}
          %dma_wait3A_135 = arith.constant 0 : i32
          %dma_wait3A_136 = arith.constant 0 : i32
          %dma_wait3A_137 = tpu.memref_slice %arg8[%rem3A_121, %dma_wait3A_135, %dma_wait3A_136] : memref<2x128x128xf32, #tpu.memory_space<vmem>> -> memref<1x128x128xf32, #tpu.memory_space<vmem>>
          %dma_wait3A_138 = tpu.memref_squeeze %dma_wait3A_137 : memref<1x128x128xf32, #tpu.memory_space<vmem>> -> memref<128x128xf32, #tpu.memory_space<vmem>>
          %dma_wait3A_139 = arith.constant 0 : i32
          %dma_wait3A_140 = tpu.memref_slice %arg7[%rem3A_123, %run_scoped3A, %dma_wait3A_139] : memref<3x2x128xi32, #tpu.memory_space<vmem>> -> memref<1x1x128xi32, #tpu.memory_space<vmem>>
          %dma_wait3A_141 = tpu.memref_squeeze %dma_wait3A_140 : memref<1x1x128xi32, #tpu.memory_space<vmem>> -> memref<128xi32, #tpu.memory_space<vmem>>
          %dma_wait3A_142 = arith.constant 0 : i32
          %dma_wait3A_143 = arith.constant 0 : i32
          %dma_wait3A_144 = tpu.memref_slice %arg6[%dma_wait3A_142, %dma_wait3A_143] : memref<10112x128xf32, #tpu.memory_space<vmem_shared>> -> memref<10112x128xf32, #tpu.memory_space<vmem_shared>>
          tpu.wait_indirect_dma semaphore(%run_scoped3A_124 : memref<!tpu.dma_semaphore, #tpu.memory_space<semaphore_mem>>) src(%dma_wait3A_138 : memref<128x128xf32, #tpu.memory_space<vmem>>) dst(%dma_wait3A_144 : memref<10112x128xf32, #tpu.memory_space<vmem_shared>>)
          tpu.yield
        }) : () -> ()
      } else {
      }
    }
    %scan3A_100 = arith.constant 152 : i32
    %barrier3A_101 = arith.constant 0 : index
    tpu.barrier barrier_id(%barrier3A_101)
    "tpu.region"() ({
      %run_scoped3A = tpu.sem_alloc : memref<!tpu.dma_semaphore, #tpu.memory_space<semaphore_mem>>
      %dma_start3A_102 = arith.constant 0 : i32
      %dma_start3A_103 = tpu.memref_slice %arg5[%arg0, %multiple_of3A, %dma_start3A_102] : memref<2x10112x128xf32, #tpu.memory_space<hbm>> -> memref<1x632x128xf32, #tpu.memory_space<hbm>>
      %dma_start3A_104 = tpu.memref_squeeze %dma_start3A_103 : memref<1x632x128xf32, #tpu.memory_space<hbm>> -> memref<632x128xf32, #tpu.memory_space<hbm>>
      %dma_start3A_105 = arith.constant 0 : i32
      %dma_start3A_106 = tpu.memref_slice %arg6[%multiple_of3A, %dma_start3A_105] : memref<10112x128xf32, #tpu.memory_space<vmem_shared>> -> memref<632x128xf32, #tpu.memory_space<vmem_shared>>
      tpu.enqueue_dma source(%dma_start3A_106 : memref<632x128xf32, #tpu.memory_space<vmem_shared>>) target(%dma_start3A_104 : memref<632x128xf32, #tpu.memory_space<hbm>>) target_semaphore(%run_scoped3A : memref<!tpu.dma_semaphore, #tpu.memory_space<semaphore_mem>>)
      %dma_wait3A_107 = arith.constant 0 : i32
      %dma_wait3A_108 = tpu.memref_slice %arg5[%arg0, %multiple_of3A, %dma_wait3A_107] : memref<2x10112x128xf32, #tpu.memory_space<hbm>> -> memref<1x632x128xf32, #tpu.memory_space<hbm>>
      %dma_wait3A_109 = tpu.memref_squeeze %dma_wait3A_108 : memref<1x632x128xf32, #tpu.memory_space<hbm>> -> memref<632x128xf32, #tpu.memory_space<hbm>>
      %dma_wait3A_110 = arith.constant 0 : i32
      %dma_wait3A_111 = tpu.memref_slice %arg6[%multiple_of3A, %dma_wait3A_110] : memref<10112x128xf32, #tpu.memory_space<vmem_shared>> -> memref<632x128xf32, #tpu.memory_space<vmem_shared>>
      tpu.wait_dma2 semaphore(%run_scoped3A : memref<!tpu.dma_semaphore, #tpu.memory_space<semaphore_mem>>) src(%dma_wait3A_111 : memref<632x128xf32, #tpu.memory_space<vmem_shared>>) dst(%dma_wait3A_109 : memref<632x128xf32, #tpu.memory_space<hbm>>)
      tpu.yield
    }) : () -> ()
    return
  }
}

#map = affine_map<(d0, d1) -> (0, 0)>
#map1 = affine_map<(d0, d1) -> (0, 0, 0)>
module attributes {stable_mosaic.version = 14 : i64} {
  func.func @_adj_body(%arg0: i32, %arg1: i32, %arg2: memref<10000x128xf32, #tpu.memory_space<hbm>>, %arg3: memref<2560x2x128xi32, #tpu.memory_space<hbm>>, %arg4: memref<10112x128xf32, #tpu.memory_space<hbm>>, %arg5: memref<2x10112x128xf32, #tpu.memory_space<hbm>>, %arg6: memref<10112x128xf32, #tpu.memory_space<vmem_shared>>, %arg7: memref<3x2x128xi32, #tpu.memory_space<vmem>>, %arg8: memref<2x128x128xf32, #tpu.memory_space<vmem>>, %arg9: memref<3x!tpu.dma_semaphore, #tpu.memory_space<semaphore_mem>>, %arg10: memref<2x!tpu.dma_semaphore, #tpu.memory_space<semaphore_mem>>) attributes {dimension_semantics = [#tpu.dimension_semantics<core_parallel>, #tpu.dimension_semantics<subcore_parallel>], iteration_bounds = array<i64: 2, 16>, scalar_prefetch = 0 : i64, scratch_operands = 5 : i64, tpu.core_type = #tpu.core_type<sc_vector_subcore>, window_params = [{transform_indices = #map}, {transform_indices = #map1}, {transform_indices = #map}, {transform_indices = #map1}]} {
    %mul3A = arith.constant -144 : i32
    %mul3A_0 = arith.muli %arg0, %mul3A : i32
    %add3A = arith.constant 152 : i32
    %add3A_1 = arith.addi %add3A, %mul3A_0 : i32
    %mul3A_2 = arith.constant 2432 : i32
    %mul3A_3 = arith.muli %arg0, %mul3A_2 : i32
    %mul3A_4 = arith.muli %arg1, %add3A_1 : i32
    %add3A_5 = arith.addi %mul3A_3, %mul3A_4 : i32
    %mul3A_6 = arith.constant 632 : i32
    %mul3A_7 = arith.muli %arg1, %mul3A_6 : i32
    %multiple_of3A = tpu.assume_multiple %mul3A_7, 8 : i32
    "tpu.region"() ({
      %run_scoped3A = tpu.sem_alloc : memref<!tpu.dma_semaphore, #tpu.memory_space<semaphore_mem>>
      %dma_start3A_102 = arith.constant 0 : i32
      %dma_start3A_103 = tpu.memref_slice %arg6[%multiple_of3A, %dma_start3A_102] : memref<10112x128xf32, #tpu.memory_space<vmem_shared>> -> memref<632x128xf32, #tpu.memory_space<vmem_shared>>
      %dma_start3A_104 = arith.constant 0 : i32
      %dma_start3A_105 = tpu.memref_slice %arg4[%multiple_of3A, %dma_start3A_104] : memref<10112x128xf32, #tpu.memory_space<hbm>> -> memref<632x128xf32, #tpu.memory_space<hbm>>
      tpu.enqueue_dma source(%dma_start3A_105 : memref<632x128xf32, #tpu.memory_space<hbm>>) target(%dma_start3A_103 : memref<632x128xf32, #tpu.memory_space<vmem_shared>>) target_semaphore(%run_scoped3A : memref<!tpu.dma_semaphore, #tpu.memory_space<semaphore_mem>>)
      %dma_wait3A_106 = arith.constant 0 : i32
      %dma_wait3A_107 = tpu.memref_slice %arg6[%multiple_of3A, %dma_wait3A_106] : memref<10112x128xf32, #tpu.memory_space<vmem_shared>> -> memref<632x128xf32, #tpu.memory_space<vmem_shared>>
      %dma_wait3A_108 = arith.constant 0 : i32
      %dma_wait3A_109 = tpu.memref_slice %arg4[%multiple_of3A, %dma_wait3A_108] : memref<10112x128xf32, #tpu.memory_space<hbm>> -> memref<632x128xf32, #tpu.memory_space<hbm>>
      tpu.wait_dma2 semaphore(%run_scoped3A : memref<!tpu.dma_semaphore, #tpu.memory_space<semaphore_mem>>) src(%dma_wait3A_109 : memref<632x128xf32, #tpu.memory_space<hbm>>) dst(%dma_wait3A_107 : memref<632x128xf32, #tpu.memory_space<vmem_shared>>)
      tpu.yield
    }) : () -> ()
    %barrier3A = arith.constant 0 : index
    tpu.barrier barrier_id(%barrier3A)
    %rem3A = arith.constant 0 : i32
    %rem3A_8 = arith.constant 3 : i32
    %rem3A_9 = arith.remsi %rem3A, %rem3A_8 : i32
    %add3A_10 = arith.constant 0 : i32
    %add3A_11 = arith.addi %add3A_5, %add3A_10 : i32
    %dma_start3A = arith.constant 0 : i32
    %dma_start3A_12 = arith.constant 0 : i32
    %dma_start3A_13 = tpu.memref_slice %arg7[%rem3A_9, %dma_start3A, %dma_start3A_12] : memref<3x2x128xi32, #tpu.memory_space<vmem>> -> memref<1x2x128xi32, #tpu.memory_space<vmem>>
    %dma_start3A_14 = tpu.memref_squeeze %dma_start3A_13 : memref<1x2x128xi32, #tpu.memory_space<vmem>> -> memref<2x128xi32, #tpu.memory_space<vmem>>
    %dma_start3A_15 = arith.constant 0 : i32
    %dma_start3A_16 = arith.constant 0 : i32
    %dma_start3A_17 = tpu.memref_slice %arg3[%add3A_11, %dma_start3A_15, %dma_start3A_16] : memref<2560x2x128xi32, #tpu.memory_space<hbm>> -> memref<1x2x128xi32, #tpu.memory_space<hbm>>
    %dma_start3A_18 = tpu.memref_squeeze %dma_start3A_17 : memref<1x2x128xi32, #tpu.memory_space<hbm>> -> memref<2x128xi32, #tpu.memory_space<hbm>>
    %dma_start3A_19 = tpu.memref_slice %arg9[%rem3A_9] : memref<3x!tpu.dma_semaphore, #tpu.memory_space<semaphore_mem>> -> memref<1x!tpu.dma_semaphore, #tpu.memory_space<semaphore_mem>>
    %dma_start3A_20 = tpu.memref_squeeze %dma_start3A_19 : memref<1x!tpu.dma_semaphore, #tpu.memory_space<semaphore_mem>> -> memref<!tpu.dma_semaphore, #tpu.memory_space<semaphore_mem>>
    %dma_start3A_21 = arith.constant 0 : i32
    %dma_start3A_22 = arith.constant 0 : i32
    %dma_start3A_23 = tpu.memref_slice %arg7[%rem3A_9, %dma_start3A_21, %dma_start3A_22] : memref<3x2x128xi32, #tpu.memory_space<vmem>> -> memref<1x2x128xi32, #tpu.memory_space<vmem>>
    %dma_start3A_24 = tpu.memref_squeeze %dma_start3A_23 : memref<1x2x128xi32, #tpu.memory_space<vmem>> -> memref<2x128xi32, #tpu.memory_space<vmem>>
    %dma_start3A_25 = arith.constant 0 : i32
    %dma_start3A_26 = arith.constant 0 : i32
    %dma_start3A_27 = tpu.memref_slice %arg3[%add3A_11, %dma_start3A_25, %dma_start3A_26] : memref<2560x2x128xi32, #tpu.memory_space<hbm>> -> memref<1x2x128xi32, #tpu.memory_space<hbm>>
    %dma_start3A_28 = tpu.memref_squeeze %dma_start3A_27 : memref<1x2x128xi32, #tpu.memory_space<hbm>> -> memref<2x128xi32, #tpu.memory_space<hbm>>
    tpu.enqueue_dma source(%dma_start3A_28 : memref<2x128xi32, #tpu.memory_space<hbm>>) target(%dma_start3A_24 : memref<2x128xi32, #tpu.memory_space<vmem>>) target_semaphore(%dma_start3A_20 : memref<!tpu.dma_semaphore, #tpu.memory_space<semaphore_mem>>)
    %rem3A_29 = arith.constant 1 : i32
    %rem3A_30 = arith.constant 3 : i32
    %rem3A_31 = arith.remsi %rem3A_29, %rem3A_30 : i32
    %add3A_32 = arith.constant 1 : i32
    %add3A_33 = arith.addi %add3A_5, %add3A_32 : i32
    %dma_start3A_34 = arith.constant 0 : i32
    %dma_start3A_35 = arith.constant 0 : i32
    %dma_start3A_36 = tpu.memref_slice %arg7[%rem3A_31, %dma_start3A_34, %dma_start3A_35] : memref<3x2x128xi32, #tpu.memory_space<vmem>> -> memref<1x2x128xi32, #tpu.memory_space<vmem>>
    %dma_start3A_37 = tpu.memref_squeeze %dma_start3A_36 : memref<1x2x128xi32, #tpu.memory_space<vmem>> -> memref<2x128xi32, #tpu.memory_space<vmem>>
    %dma_start3A_38 = arith.constant 0 : i32
    %dma_start3A_39 = arith.constant 0 : i32
    %dma_start3A_40 = tpu.memref_slice %arg3[%add3A_33, %dma_start3A_38, %dma_start3A_39] : memref<2560x2x128xi32, #tpu.memory_space<hbm>> -> memref<1x2x128xi32, #tpu.memory_space<hbm>>
    %dma_start3A_41 = tpu.memref_squeeze %dma_start3A_40 : memref<1x2x128xi32, #tpu.memory_space<hbm>> -> memref<2x128xi32, #tpu.memory_space<hbm>>
    %dma_start3A_42 = tpu.memref_slice %arg9[%rem3A_31] : memref<3x!tpu.dma_semaphore, #tpu.memory_space<semaphore_mem>> -> memref<1x!tpu.dma_semaphore, #tpu.memory_space<semaphore_mem>>
    %dma_start3A_43 = tpu.memref_squeeze %dma_start3A_42 : memref<1x!tpu.dma_semaphore, #tpu.memory_space<semaphore_mem>> -> memref<!tpu.dma_semaphore, #tpu.memory_space<semaphore_mem>>
    %dma_start3A_44 = arith.constant 0 : i32
    %dma_start3A_45 = arith.constant 0 : i32
    %dma_start3A_46 = tpu.memref_slice %arg7[%rem3A_31, %dma_start3A_44, %dma_start3A_45] : memref<3x2x128xi32, #tpu.memory_space<vmem>> -> memref<1x2x128xi32, #tpu.memory_space<vmem>>
    %dma_start3A_47 = tpu.memref_squeeze %dma_start3A_46 : memref<1x2x128xi32, #tpu.memory_space<vmem>> -> memref<2x128xi32, #tpu.memory_space<vmem>>
    %dma_start3A_48 = arith.constant 0 : i32
    %dma_start3A_49 = arith.constant 0 : i32
    %dma_start3A_50 = tpu.memref_slice %arg3[%add3A_33, %dma_start3A_48, %dma_start3A_49] : memref<2560x2x128xi32, #tpu.memory_space<hbm>> -> memref<1x2x128xi32, #tpu.memory_space<hbm>>
    %dma_start3A_51 = tpu.memref_squeeze %dma_start3A_50 : memref<1x2x128xi32, #tpu.memory_space<hbm>> -> memref<2x128xi32, #tpu.memory_space<hbm>>
    tpu.enqueue_dma source(%dma_start3A_51 : memref<2x128xi32, #tpu.memory_space<hbm>>) target(%dma_start3A_47 : memref<2x128xi32, #tpu.memory_space<vmem>>) target_semaphore(%dma_start3A_43 : memref<!tpu.dma_semaphore, #tpu.memory_space<semaphore_mem>>)
    %rem3A_52 = arith.constant 0 : i32
    %rem3A_53 = arith.constant 3 : i32
    %rem3A_54 = arith.remsi %rem3A_52, %rem3A_53 : i32
    %add3A_55 = arith.constant 0 : i32
    %add3A_56 = arith.addi %add3A_5, %add3A_55 : i32
    %dma_wait3A = arith.constant 0 : i32
    %dma_wait3A_57 = arith.constant 0 : i32
    %dma_wait3A_58 = tpu.memref_slice %arg7[%rem3A_54, %dma_wait3A, %dma_wait3A_57] : memref<3x2x128xi32, #tpu.memory_space<vmem>> -> memref<1x2x128xi32, #tpu.memory_space<vmem>>
    %dma_wait3A_59 = tpu.memref_squeeze %dma_wait3A_58 : memref<1x2x128xi32, #tpu.memory_space<vmem>> -> memref<2x128xi32, #tpu.memory_space<vmem>>
    %dma_wait3A_60 = arith.constant 0 : i32
    %dma_wait3A_61 = arith.constant 0 : i32
    %dma_wait3A_62 = tpu.memref_slice %arg3[%add3A_56, %dma_wait3A_60, %dma_wait3A_61] : memref<2560x2x128xi32, #tpu.memory_space<hbm>> -> memref<1x2x128xi32, #tpu.memory_space<hbm>>
    %dma_wait3A_63 = tpu.memref_squeeze %dma_wait3A_62 : memref<1x2x128xi32, #tpu.memory_space<hbm>> -> memref<2x128xi32, #tpu.memory_space<hbm>>
    %dma_wait3A_64 = tpu.memref_slice %arg9[%rem3A_54] : memref<3x!tpu.dma_semaphore, #tpu.memory_space<semaphore_mem>> -> memref<1x!tpu.dma_semaphore, #tpu.memory_space<semaphore_mem>>
    %dma_wait3A_65 = tpu.memref_squeeze %dma_wait3A_64 : memref<1x!tpu.dma_semaphore, #tpu.memory_space<semaphore_mem>> -> memref<!tpu.dma_semaphore, #tpu.memory_space<semaphore_mem>>
    %dma_wait3A_66 = arith.constant 0 : i32
    %dma_wait3A_67 = arith.constant 0 : i32
    %dma_wait3A_68 = tpu.memref_slice %arg7[%rem3A_54, %dma_wait3A_66, %dma_wait3A_67] : memref<3x2x128xi32, #tpu.memory_space<vmem>> -> memref<1x2x128xi32, #tpu.memory_space<vmem>>
    %dma_wait3A_69 = tpu.memref_squeeze %dma_wait3A_68 : memref<1x2x128xi32, #tpu.memory_space<vmem>> -> memref<2x128xi32, #tpu.memory_space<vmem>>
    %dma_wait3A_70 = arith.constant 0 : i32
    %dma_wait3A_71 = arith.constant 0 : i32
    %dma_wait3A_72 = tpu.memref_slice %arg3[%add3A_56, %dma_wait3A_70, %dma_wait3A_71] : memref<2560x2x128xi32, #tpu.memory_space<hbm>> -> memref<1x2x128xi32, #tpu.memory_space<hbm>>
    %dma_wait3A_73 = tpu.memref_squeeze %dma_wait3A_72 : memref<1x2x128xi32, #tpu.memory_space<hbm>> -> memref<2x128xi32, #tpu.memory_space<hbm>>
    tpu.wait_dma2 semaphore(%dma_wait3A_65 : memref<!tpu.dma_semaphore, #tpu.memory_space<semaphore_mem>>) src(%dma_wait3A_73 : memref<2x128xi32, #tpu.memory_space<hbm>>) dst(%dma_wait3A_69 : memref<2x128xi32, #tpu.memory_space<vmem>>)
    %rem3A_74 = arith.constant 0 : i32
    %rem3A_75 = arith.constant 3 : i32
    %rem3A_76 = arith.remsi %rem3A_74, %rem3A_75 : i32
    %rem3A_77 = arith.constant 0 : i32
    %rem3A_78 = arith.constant 2 : i32
    %rem3A_79 = arith.remsi %rem3A_77, %rem3A_78 : i32
    %rem3A_80 = arith.constant 0 : i32
    %rem3A_81 = arith.constant 2 : i32
    %rem3A_82 = arith.remsi %rem3A_80, %rem3A_81 : i32
    %dma_start3A_83 = arith.constant 0 : i32
    %dma_start3A_84 = arith.constant 0 : i32
    %dma_start3A_85 = arith.constant 0 : i32
    %dma_start3A_86 = tpu.memref_slice %arg8[%rem3A_79, %dma_start3A_84, %dma_start3A_85] : memref<2x128x128xf32, #tpu.memory_space<vmem>> -> memref<1x128x128xf32, #tpu.memory_space<vmem>>
    %dma_start3A_87 = tpu.memref_squeeze %dma_start3A_86 : memref<1x128x128xf32, #tpu.memory_space<vmem>> -> memref<128x128xf32, #tpu.memory_space<vmem>>
    %dma_start3A_88 = arith.constant 0 : i32
    %dma_start3A_89 = tpu.memref_slice %arg7[%rem3A_76, %dma_start3A_83, %dma_start3A_88] : memref<3x2x128xi32, #tpu.memory_space<vmem>> -> memref<1x1x128xi32, #tpu.memory_space<vmem>>
    %dma_start3A_90 = tpu.memref_squeeze %dma_start3A_89 : memref<1x1x128xi32, #tpu.memory_space<vmem>> -> memref<128xi32, #tpu.memory_space<vmem>>
    %dma_start3A_91 = arith.constant 0 : i32
    %dma_start3A_92 = arith.constant 0 : i32
    %dma_start3A_93 = tpu.memref_slice %arg2[%dma_start3A_91, %dma_start3A_92] : memref<10000x128xf32, #tpu.memory_space<hbm>> -> memref<10000x128xf32, #tpu.memory_space<hbm>>
    %dma_start3A_94 = tpu.memref_slice %arg10[%rem3A_82] : memref<2x!tpu.dma_semaphore, #tpu.memory_space<semaphore_mem>> -> memref<1x!tpu.dma_semaphore, #tpu.memory_space<semaphore_mem>>
    %dma_start3A_95 = tpu.memref_squeeze %dma_start3A_94 : memref<1x!tpu.dma_semaphore, #tpu.memory_space<semaphore_mem>> -> memref<!tpu.dma_semaphore, #tpu.memory_space<semaphore_mem>>
    tpu.enqueue_indirect_dma source(%dma_start3A_93 : memref<10000x128xf32, #tpu.memory_space<hbm>>) target(%dma_start3A_87 : memref<128x128xf32, #tpu.memory_space<vmem>>) offsets(%dma_start3A_90 : memref<128xi32, #tpu.memory_space<vmem>>) semaphore(%dma_start3A_95 : memref<!tpu.dma_semaphore, #tpu.memory_space<semaphore_mem>>)
    %scan3A = arith.constant 0 : i32
    %scan3A_96 = arith.constant 0 : i32
    %scan3A_97 = arith.constant 152 : i32
    %scan3A_98 = arith.addi %scan3A_96, %scan3A_97 : i32
    %scan3A_99 = arith.constant 1 : i32
    scf.for %scan3A_102 = %scan3A_96 to %scan3A_98 step %scan3A_99  : i32 {
      %lt3A = arith.cmpi slt, %scan3A_102, %add3A_1 : i32
      %convert_element_type3A = arith.extui %lt3A : i1 to i32
      %cond3A = arith.constant 0 : i32
      %cond3A_103 = arith.cmpi ne, %convert_element_type3A, %cond3A : i32
      scf.if %cond3A_103 {
        %rem3A_120 = arith.constant 3 : i32
        %rem3A_121 = arith.remsi %scan3A_102, %rem3A_120 : i32
        %rem3A_122 = arith.constant 2 : i32
        %rem3A_123 = arith.remsi %scan3A_102, %rem3A_122 : i32
        %rem3A_124 = arith.constant 2 : i32
        %rem3A_125 = arith.remsi %scan3A_102, %rem3A_124 : i32
        %dma_wait3A_126 = arith.constant 0 : i32
        %dma_wait3A_127 = arith.constant 0 : i32
        %dma_wait3A_128 = arith.constant 0 : i32
        %dma_wait3A_129 = tpu.memref_slice %arg8[%rem3A_123, %dma_wait3A_127, %dma_wait3A_128] : memref<2x128x128xf32, #tpu.memory_space<vmem>> -> memref<1x128x128xf32, #tpu.memory_space<vmem>>
        %dma_wait3A_130 = tpu.memref_squeeze %dma_wait3A_129 : memref<1x128x128xf32, #tpu.memory_space<vmem>> -> memref<128x128xf32, #tpu.memory_space<vmem>>
        %dma_wait3A_131 = arith.constant 0 : i32
        %dma_wait3A_132 = tpu.memref_slice %arg7[%rem3A_121, %dma_wait3A_126, %dma_wait3A_131] : memref<3x2x128xi32, #tpu.memory_space<vmem>> -> memref<1x1x128xi32, #tpu.memory_space<vmem>>
        %dma_wait3A_133 = tpu.memref_squeeze %dma_wait3A_132 : memref<1x1x128xi32, #tpu.memory_space<vmem>> -> memref<128xi32, #tpu.memory_space<vmem>>
        %dma_wait3A_134 = arith.constant 0 : i32
        %dma_wait3A_135 = arith.constant 0 : i32
        %dma_wait3A_136 = tpu.memref_slice %arg2[%dma_wait3A_134, %dma_wait3A_135] : memref<10000x128xf32, #tpu.memory_space<hbm>> -> memref<10000x128xf32, #tpu.memory_space<hbm>>
        %dma_wait3A_137 = tpu.memref_slice %arg10[%rem3A_125] : memref<2x!tpu.dma_semaphore, #tpu.memory_space<semaphore_mem>> -> memref<1x!tpu.dma_semaphore, #tpu.memory_space<semaphore_mem>>
        %dma_wait3A_138 = tpu.memref_squeeze %dma_wait3A_137 : memref<1x!tpu.dma_semaphore, #tpu.memory_space<semaphore_mem>> -> memref<!tpu.dma_semaphore, #tpu.memory_space<semaphore_mem>>
        tpu.wait_indirect_dma semaphore(%dma_wait3A_138 : memref<!tpu.dma_semaphore, #tpu.memory_space<semaphore_mem>>) src(%dma_wait3A_136 : memref<10000x128xf32, #tpu.memory_space<hbm>>) dst(%dma_wait3A_130 : memref<128x128xf32, #tpu.memory_space<vmem>>)
      } else {
      }
      %add3A_104 = arith.constant 2 : i32
      %add3A_105 = arith.addi %scan3A_102, %add3A_104 : i32
      %lt3A_106 = arith.cmpi slt, %add3A_105, %add3A_1 : i32
      %convert_element_type3A_107 = arith.extui %lt3A_106 : i1 to i32
      %cond3A_108 = arith.constant 0 : i32
      %cond3A_109 = arith.cmpi ne, %convert_element_type3A_107, %cond3A_108 : i32
      scf.if %cond3A_109 {
        %add3A_120 = arith.constant 2 : i32
        %add3A_121 = arith.addi %scan3A_102, %add3A_120 : i32
        %rem3A_122 = arith.constant 3 : i32
        %rem3A_123 = arith.remsi %add3A_121, %rem3A_122 : i32
        %add3A_124 = arith.addi %add3A_5, %add3A_121 : i32
        %dma_start3A_125 = arith.constant 0 : i32
        %dma_start3A_126 = arith.constant 0 : i32
        %dma_start3A_127 = tpu.memref_slice %arg7[%rem3A_123, %dma_start3A_125, %dma_start3A_126] : memref<3x2x128xi32, #tpu.memory_space<vmem>> -> memref<1x2x128xi32, #tpu.memory_space<vmem>>
        %dma_start3A_128 = tpu.memref_squeeze %dma_start3A_127 : memref<1x2x128xi32, #tpu.memory_space<vmem>> -> memref<2x128xi32, #tpu.memory_space<vmem>>
        %dma_start3A_129 = arith.constant 0 : i32
        %dma_start3A_130 = arith.constant 0 : i32
        %dma_start3A_131 = tpu.memref_slice %arg3[%add3A_124, %dma_start3A_129, %dma_start3A_130] : memref<2560x2x128xi32, #tpu.memory_space<hbm>> -> memref<1x2x128xi32, #tpu.memory_space<hbm>>
        %dma_start3A_132 = tpu.memref_squeeze %dma_start3A_131 : memref<1x2x128xi32, #tpu.memory_space<hbm>> -> memref<2x128xi32, #tpu.memory_space<hbm>>
        %dma_start3A_133 = tpu.memref_slice %arg9[%rem3A_123] : memref<3x!tpu.dma_semaphore, #tpu.memory_space<semaphore_mem>> -> memref<1x!tpu.dma_semaphore, #tpu.memory_space<semaphore_mem>>
        %dma_start3A_134 = tpu.memref_squeeze %dma_start3A_133 : memref<1x!tpu.dma_semaphore, #tpu.memory_space<semaphore_mem>> -> memref<!tpu.dma_semaphore, #tpu.memory_space<semaphore_mem>>
        %dma_start3A_135 = arith.constant 0 : i32
        %dma_start3A_136 = arith.constant 0 : i32
        %dma_start3A_137 = tpu.memref_slice %arg7[%rem3A_123, %dma_start3A_135, %dma_start3A_136] : memref<3x2x128xi32, #tpu.memory_space<vmem>> -> memref<1x2x128xi32, #tpu.memory_space<vmem>>
        %dma_start3A_138 = tpu.memref_squeeze %dma_start3A_137 : memref<1x2x128xi32, #tpu.memory_space<vmem>> -> memref<2x128xi32, #tpu.memory_space<vmem>>
        %dma_start3A_139 = arith.constant 0 : i32
        %dma_start3A_140 = arith.constant 0 : i32
        %dma_start3A_141 = tpu.memref_slice %arg3[%add3A_124, %dma_start3A_139, %dma_start3A_140] : memref<2560x2x128xi32, #tpu.memory_space<hbm>> -> memref<1x2x128xi32, #tpu.memory_space<hbm>>
        %dma_start3A_142 = tpu.memref_squeeze %dma_start3A_141 : memref<1x2x128xi32, #tpu.memory_space<hbm>> -> memref<2x128xi32, #tpu.memory_space<hbm>>
        tpu.enqueue_dma source(%dma_start3A_142 : memref<2x128xi32, #tpu.memory_space<hbm>>) target(%dma_start3A_138 : memref<2x128xi32, #tpu.memory_space<vmem>>) target_semaphore(%dma_start3A_134 : memref<!tpu.dma_semaphore, #tpu.memory_space<semaphore_mem>>)
      } else {
      }
      %add3A_110 = arith.constant 1 : i32
      %add3A_111 = arith.addi %scan3A_102, %add3A_110 : i32
      %lt3A_112 = arith.cmpi slt, %add3A_111, %add3A_1 : i32
      %convert_element_type3A_113 = arith.extui %lt3A_112 : i1 to i32
      %cond3A_114 = arith.constant 0 : i32
      %cond3A_115 = arith.cmpi ne, %convert_element_type3A_113, %cond3A_114 : i32
      scf.if %cond3A_115 {
        %add3A_120 = arith.constant 1 : i32
        %add3A_121 = arith.addi %scan3A_102, %add3A_120 : i32
        %rem3A_122 = arith.constant 3 : i32
        %rem3A_123 = arith.remsi %add3A_121, %rem3A_122 : i32
        %add3A_124 = arith.addi %add3A_5, %add3A_121 : i32
        %dma_wait3A_125 = arith.constant 0 : i32
        %dma_wait3A_126 = arith.constant 0 : i32
        %dma_wait3A_127 = tpu.memref_slice %arg7[%rem3A_123, %dma_wait3A_125, %dma_wait3A_126] : memref<3x2x128xi32, #tpu.memory_space<vmem>> -> memref<1x2x128xi32, #tpu.memory_space<vmem>>
        %dma_wait3A_128 = tpu.memref_squeeze %dma_wait3A_127 : memref<1x2x128xi32, #tpu.memory_space<vmem>> -> memref<2x128xi32, #tpu.memory_space<vmem>>
        %dma_wait3A_129 = arith.constant 0 : i32
        %dma_wait3A_130 = arith.constant 0 : i32
        %dma_wait3A_131 = tpu.memref_slice %arg3[%add3A_124, %dma_wait3A_129, %dma_wait3A_130] : memref<2560x2x128xi32, #tpu.memory_space<hbm>> -> memref<1x2x128xi32, #tpu.memory_space<hbm>>
        %dma_wait3A_132 = tpu.memref_squeeze %dma_wait3A_131 : memref<1x2x128xi32, #tpu.memory_space<hbm>> -> memref<2x128xi32, #tpu.memory_space<hbm>>
        %dma_wait3A_133 = tpu.memref_slice %arg9[%rem3A_123] : memref<3x!tpu.dma_semaphore, #tpu.memory_space<semaphore_mem>> -> memref<1x!tpu.dma_semaphore, #tpu.memory_space<semaphore_mem>>
        %dma_wait3A_134 = tpu.memref_squeeze %dma_wait3A_133 : memref<1x!tpu.dma_semaphore, #tpu.memory_space<semaphore_mem>> -> memref<!tpu.dma_semaphore, #tpu.memory_space<semaphore_mem>>
        %dma_wait3A_135 = arith.constant 0 : i32
        %dma_wait3A_136 = arith.constant 0 : i32
        %dma_wait3A_137 = tpu.memref_slice %arg7[%rem3A_123, %dma_wait3A_135, %dma_wait3A_136] : memref<3x2x128xi32, #tpu.memory_space<vmem>> -> memref<1x2x128xi32, #tpu.memory_space<vmem>>
        %dma_wait3A_138 = tpu.memref_squeeze %dma_wait3A_137 : memref<1x2x128xi32, #tpu.memory_space<vmem>> -> memref<2x128xi32, #tpu.memory_space<vmem>>
        %dma_wait3A_139 = arith.constant 0 : i32
        %dma_wait3A_140 = arith.constant 0 : i32
        %dma_wait3A_141 = tpu.memref_slice %arg3[%add3A_124, %dma_wait3A_139, %dma_wait3A_140] : memref<2560x2x128xi32, #tpu.memory_space<hbm>> -> memref<1x2x128xi32, #tpu.memory_space<hbm>>
        %dma_wait3A_142 = tpu.memref_squeeze %dma_wait3A_141 : memref<1x2x128xi32, #tpu.memory_space<hbm>> -> memref<2x128xi32, #tpu.memory_space<hbm>>
        tpu.wait_dma2 semaphore(%dma_wait3A_134 : memref<!tpu.dma_semaphore, #tpu.memory_space<semaphore_mem>>) src(%dma_wait3A_142 : memref<2x128xi32, #tpu.memory_space<hbm>>) dst(%dma_wait3A_138 : memref<2x128xi32, #tpu.memory_space<vmem>>)
        %add3A_143 = arith.constant 1 : i32
        %add3A_144 = arith.addi %scan3A_102, %add3A_143 : i32
        %rem3A_145 = arith.constant 3 : i32
        %rem3A_146 = arith.remsi %add3A_144, %rem3A_145 : i32
        %rem3A_147 = arith.constant 2 : i32
        %rem3A_148 = arith.remsi %add3A_144, %rem3A_147 : i32
        %rem3A_149 = arith.constant 2 : i32
        %rem3A_150 = arith.remsi %add3A_144, %rem3A_149 : i32
        %dma_start3A_151 = arith.constant 0 : i32
        %dma_start3A_152 = arith.constant 0 : i32
        %dma_start3A_153 = arith.constant 0 : i32
        %dma_start3A_154 = tpu.memref_slice %arg8[%rem3A_148, %dma_start3A_152, %dma_start3A_153] : memref<2x128x128xf32, #tpu.memory_space<vmem>> -> memref<1x128x128xf32, #tpu.memory_space<vmem>>
        %dma_start3A_155 = tpu.memref_squeeze %dma_start3A_154 : memref<1x128x128xf32, #tpu.memory_space<vmem>> -> memref<128x128xf32, #tpu.memory_space<vmem>>
        %dma_start3A_156 = arith.constant 0 : i32
        %dma_start3A_157 = tpu.memref_slice %arg7[%rem3A_146, %dma_start3A_151, %dma_start3A_156] : memref<3x2x128xi32, #tpu.memory_space<vmem>> -> memref<1x1x128xi32, #tpu.memory_space<vmem>>
        %dma_start3A_158 = tpu.memref_squeeze %dma_start3A_157 : memref<1x1x128xi32, #tpu.memory_space<vmem>> -> memref<128xi32, #tpu.memory_space<vmem>>
        %dma_start3A_159 = arith.constant 0 : i32
        %dma_start3A_160 = arith.constant 0 : i32
        %dma_start3A_161 = tpu.memref_slice %arg2[%dma_start3A_159, %dma_start3A_160] : memref<10000x128xf32, #tpu.memory_space<hbm>> -> memref<10000x128xf32, #tpu.memory_space<hbm>>
        %dma_start3A_162 = tpu.memref_slice %arg10[%rem3A_150] : memref<2x!tpu.dma_semaphore, #tpu.memory_space<semaphore_mem>> -> memref<1x!tpu.dma_semaphore, #tpu.memory_space<semaphore_mem>>
        %dma_start3A_163 = tpu.memref_squeeze %dma_start3A_162 : memref<1x!tpu.dma_semaphore, #tpu.memory_space<semaphore_mem>> -> memref<!tpu.dma_semaphore, #tpu.memory_space<semaphore_mem>>
        tpu.enqueue_indirect_dma source(%dma_start3A_161 : memref<10000x128xf32, #tpu.memory_space<hbm>>) target(%dma_start3A_155 : memref<128x128xf32, #tpu.memory_space<vmem>>) offsets(%dma_start3A_158 : memref<128xi32, #tpu.memory_space<vmem>>) semaphore(%dma_start3A_163 : memref<!tpu.dma_semaphore, #tpu.memory_space<semaphore_mem>>)
      } else {
      }
      %lt3A_116 = arith.cmpi slt, %scan3A_102, %add3A_1 : i32
      %convert_element_type3A_117 = arith.extui %lt3A_116 : i1 to i32
      %cond3A_118 = arith.constant 0 : i32
      %cond3A_119 = arith.cmpi ne, %convert_element_type3A_117, %cond3A_118 : i32
      scf.if %cond3A_119 {
        %rem3A_120 = arith.constant 2 : i32
        %rem3A_121 = arith.remsi %scan3A_102, %rem3A_120 : i32
        %rem3A_122 = arith.constant 3 : i32
        %rem3A_123 = arith.remsi %scan3A_102, %rem3A_122 : i32
        %run_scoped3A = arith.constant 1 : i32
        "tpu.region"() ({
          %run_scoped3A_124 = tpu.sem_alloc : memref<!tpu.dma_semaphore, #tpu.memory_space<semaphore_mem>>
          %dma_start3A_125 = arith.constant 0 : i32
          %dma_start3A_126 = arith.constant 0 : i32
          %dma_start3A_127 = tpu.memref_slice %arg8[%rem3A_121, %dma_start3A_125, %dma_start3A_126] : memref<2x128x128xf32, #tpu.memory_space<vmem>> -> memref<1x128x128xf32, #tpu.memory_space<vmem>>
          %dma_start3A_128 = tpu.memref_squeeze %dma_start3A_127 : memref<1x128x128xf32, #tpu.memory_space<vmem>> -> memref<128x128xf32, #tpu.memory_space<vmem>>
          %dma_start3A_129 = arith.constant 0 : i32
          %dma_start3A_130 = tpu.memref_slice %arg7[%rem3A_123, %run_scoped3A, %dma_start3A_129] : memref<3x2x128xi32, #tpu.memory_space<vmem>> -> memref<1x1x128xi32, #tpu.memory_space<vmem>>
          %dma_start3A_131 = tpu.memref_squeeze %dma_start3A_130 : memref<1x1x128xi32, #tpu.memory_space<vmem>> -> memref<128xi32, #tpu.memory_space<vmem>>
          %dma_start3A_132 = arith.constant 0 : i32
          %dma_start3A_133 = arith.constant 0 : i32
          %dma_start3A_134 = tpu.memref_slice %arg6[%dma_start3A_132, %dma_start3A_133] : memref<10112x128xf32, #tpu.memory_space<vmem_shared>> -> memref<10112x128xf32, #tpu.memory_space<vmem_shared>>
          tpu.enqueue_indirect_dma source(%dma_start3A_128 : memref<128x128xf32, #tpu.memory_space<vmem>>) target(%dma_start3A_134 : memref<10112x128xf32, #tpu.memory_space<vmem_shared>>) offsets(%dma_start3A_131 : memref<128xi32, #tpu.memory_space<vmem>>) semaphore(%run_scoped3A_124 : memref<!tpu.dma_semaphore, #tpu.memory_space<semaphore_mem>>) {add = true}
          %dma_wait3A_135 = arith.constant 0 : i32
          %dma_wait3A_136 = arith.constant 0 : i32
          %dma_wait3A_137 = tpu.memref_slice %arg8[%rem3A_121, %dma_wait3A_135, %dma_wait3A_136] : memref<2x128x128xf32, #tpu.memory_space<vmem>> -> memref<1x128x128xf32, #tpu.memory_space<vmem>>
          %dma_wait3A_138 = tpu.memref_squeeze %dma_wait3A_137 : memref<1x128x128xf32, #tpu.memory_space<vmem>> -> memref<128x128xf32, #tpu.memory_space<vmem>>
          %dma_wait3A_139 = arith.constant 0 : i32
          %dma_wait3A_140 = tpu.memref_slice %arg7[%rem3A_123, %run_scoped3A, %dma_wait3A_139] : memref<3x2x128xi32, #tpu.memory_space<vmem>> -> memref<1x1x128xi32, #tpu.memory_space<vmem>>
          %dma_wait3A_141 = tpu.memref_squeeze %dma_wait3A_140 : memref<1x1x128xi32, #tpu.memory_space<vmem>> -> memref<128xi32, #tpu.memory_space<vmem>>
          %dma_wait3A_142 = arith.constant 0 : i32
          %dma_wait3A_143 = arith.constant 0 : i32
          %dma_wait3A_144 = tpu.memref_slice %arg6[%dma_wait3A_142, %dma_wait3A_143] : memref<10112x128xf32, #tpu.memory_space<vmem_shared>> -> memref<10112x128xf32, #tpu.memory_space<vmem_shared>>
          tpu.wait_indirect_dma semaphore(%run_scoped3A_124 : memref<!tpu.dma_semaphore, #tpu.memory_space<semaphore_mem>>) src(%dma_wait3A_138 : memref<128x128xf32, #tpu.memory_space<vmem>>) dst(%dma_wait3A_144 : memref<10112x128xf32, #tpu.memory_space<vmem_shared>>)
          tpu.yield
        }) : () -> ()
      } else {
      }
    }
    %scan3A_100 = arith.constant 152 : i32
    %barrier3A_101 = arith.constant 0 : index
    tpu.barrier barrier_id(%barrier3A_101)
    "tpu.region"() ({
      %run_scoped3A = tpu.sem_alloc : memref<!tpu.dma_semaphore, #tpu.memory_space<semaphore_mem>>
      %dma_start3A_102 = arith.constant 0 : i32
      %dma_start3A_103 = tpu.memref_slice %arg5[%arg0, %multiple_of3A, %dma_start3A_102] : memref<2x10112x128xf32, #tpu.memory_space<hbm>> -> memref<1x632x128xf32, #tpu.memory_space<hbm>>
      %dma_start3A_104 = tpu.memref_squeeze %dma_start3A_103 : memref<1x632x128xf32, #tpu.memory_space<hbm>> -> memref<632x128xf32, #tpu.memory_space<hbm>>
      %dma_start3A_105 = arith.constant 0 : i32
      %dma_start3A_106 = tpu.memref_slice %arg6[%multiple_of3A, %dma_start3A_105] : memref<10112x128xf32, #tpu.memory_space<vmem_shared>> -> memref<632x128xf32, #tpu.memory_space<vmem_shared>>
      tpu.enqueue_dma source(%dma_start3A_106 : memref<632x128xf32, #tpu.memory_space<vmem_shared>>) target(%dma_start3A_104 : memref<632x128xf32, #tpu.memory_space<hbm>>) target_semaphore(%run_scoped3A : memref<!tpu.dma_semaphore, #tpu.memory_space<semaphore_mem>>)
      %dma_wait3A_107 = arith.constant 0 : i32
      %dma_wait3A_108 = tpu.memref_slice %arg5[%arg0, %multiple_of3A, %dma_wait3A_107] : memref<2x10112x128xf32, #tpu.memory_space<hbm>> -> memref<1x632x128xf32, #tpu.memory_space<hbm>>
      %dma_wait3A_109 = tpu.memref_squeeze %dma_wait3A_108 : memref<1x632x128xf32, #tpu.memory_space<hbm>> -> memref<632x128xf32, #tpu.memory_space<hbm>>
      %dma_wait3A_110 = arith.constant 0 : i32
      %dma_wait3A_111 = tpu.memref_slice %arg6[%multiple_of3A, %dma_wait3A_110] : memref<10112x128xf32, #tpu.memory_space<vmem_shared>> -> memref<632x128xf32, #tpu.memory_space<vmem_shared>>
      tpu.wait_dma2 semaphore(%run_scoped3A : memref<!tpu.dma_semaphore, #tpu.memory_space<semaphore_mem>>) src(%dma_wait3A_111 : memref<632x128xf32, #tpu.memory_space<vmem_shared>>) dst(%dma_wait3A_109 : memref<632x128xf32, #tpu.memory_space<hbm>>)
      tpu.yield
    }) : () -> ()
    return
  }
}

#map = affine_map<(d0, d1) -> (0, 0)>
#map1 = affine_map<(d0, d1) -> (0, 0, 0)>
module attributes {stable_mosaic.version = 14 : i64} {
  func.func @_adj_body(%arg0: i32, %arg1: i32, %arg2: memref<10000x128xf32, #tpu.memory_space<hbm>>, %arg3: memref<2560x2x128xi32, #tpu.memory_space<hbm>>, %arg4: memref<10112x128xf32, #tpu.memory_space<hbm>>, %arg5: memref<2x10112x128xf32, #tpu.memory_space<hbm>>, %arg6: memref<10112x128xf32, #tpu.memory_space<vmem_shared>>, %arg7: memref<3x2x128xi32, #tpu.memory_space<vmem>>, %arg8: memref<2x128x128xf32, #tpu.memory_space<vmem>>, %arg9: memref<3x!tpu.dma_semaphore, #tpu.memory_space<semaphore_mem>>, %arg10: memref<2x!tpu.dma_semaphore, #tpu.memory_space<semaphore_mem>>) attributes {dimension_semantics = [#tpu.dimension_semantics<core_parallel>, #tpu.dimension_semantics<subcore_parallel>], iteration_bounds = array<i64: 2, 16>, scalar_prefetch = 0 : i64, scratch_operands = 5 : i64, tpu.core_type = #tpu.core_type<sc_vector_subcore>, window_params = [{transform_indices = #map}, {transform_indices = #map1}, {transform_indices = #map}, {transform_indices = #map1}]} {
    %mul3A = arith.constant -144 : i32
    %mul3A_0 = arith.muli %arg0, %mul3A : i32
    %add3A = arith.constant 152 : i32
    %add3A_1 = arith.addi %add3A, %mul3A_0 : i32
    %mul3A_2 = arith.constant 2432 : i32
    %mul3A_3 = arith.muli %arg0, %mul3A_2 : i32
    %mul3A_4 = arith.muli %arg1, %add3A_1 : i32
    %add3A_5 = arith.addi %mul3A_3, %mul3A_4 : i32
    %mul3A_6 = arith.constant 632 : i32
    %mul3A_7 = arith.muli %arg1, %mul3A_6 : i32
    %multiple_of3A = tpu.assume_multiple %mul3A_7, 8 : i32
    "tpu.region"() ({
      %run_scoped3A = tpu.sem_alloc : memref<!tpu.dma_semaphore, #tpu.memory_space<semaphore_mem>>
      %dma_start3A_102 = arith.constant 0 : i32
      %dma_start3A_103 = tpu.memref_slice %arg6[%multiple_of3A, %dma_start3A_102] : memref<10112x128xf32, #tpu.memory_space<vmem_shared>> -> memref<632x128xf32, #tpu.memory_space<vmem_shared>>
      %dma_start3A_104 = arith.constant 0 : i32
      %dma_start3A_105 = tpu.memref_slice %arg4[%multiple_of3A, %dma_start3A_104] : memref<10112x128xf32, #tpu.memory_space<hbm>> -> memref<632x128xf32, #tpu.memory_space<hbm>>
      tpu.enqueue_dma source(%dma_start3A_105 : memref<632x128xf32, #tpu.memory_space<hbm>>) target(%dma_start3A_103 : memref<632x128xf32, #tpu.memory_space<vmem_shared>>) target_semaphore(%run_scoped3A : memref<!tpu.dma_semaphore, #tpu.memory_space<semaphore_mem>>)
      %dma_wait3A_106 = arith.constant 0 : i32
      %dma_wait3A_107 = tpu.memref_slice %arg6[%multiple_of3A, %dma_wait3A_106] : memref<10112x128xf32, #tpu.memory_space<vmem_shared>> -> memref<632x128xf32, #tpu.memory_space<vmem_shared>>
      %dma_wait3A_108 = arith.constant 0 : i32
      %dma_wait3A_109 = tpu.memref_slice %arg4[%multiple_of3A, %dma_wait3A_108] : memref<10112x128xf32, #tpu.memory_space<hbm>> -> memref<632x128xf32, #tpu.memory_space<hbm>>
      tpu.wait_dma2 semaphore(%run_scoped3A : memref<!tpu.dma_semaphore, #tpu.memory_space<semaphore_mem>>) src(%dma_wait3A_109 : memref<632x128xf32, #tpu.memory_space<hbm>>) dst(%dma_wait3A_107 : memref<632x128xf32, #tpu.memory_space<vmem_shared>>)
      tpu.yield
    }) : () -> ()
    %barrier3A = arith.constant 0 : index
    tpu.barrier barrier_id(%barrier3A)
    %rem3A = arith.constant 0 : i32
    %rem3A_8 = arith.constant 3 : i32
    %rem3A_9 = arith.remsi %rem3A, %rem3A_8 : i32
    %add3A_10 = arith.constant 0 : i32
    %add3A_11 = arith.addi %add3A_5, %add3A_10 : i32
    %dma_start3A = arith.constant 0 : i32
    %dma_start3A_12 = arith.constant 0 : i32
    %dma_start3A_13 = tpu.memref_slice %arg7[%rem3A_9, %dma_start3A, %dma_start3A_12] : memref<3x2x128xi32, #tpu.memory_space<vmem>> -> memref<1x2x128xi32, #tpu.memory_space<vmem>>
    %dma_start3A_14 = tpu.memref_squeeze %dma_start3A_13 : memref<1x2x128xi32, #tpu.memory_space<vmem>> -> memref<2x128xi32, #tpu.memory_space<vmem>>
    %dma_start3A_15 = arith.constant 0 : i32
    %dma_start3A_16 = arith.constant 0 : i32
    %dma_start3A_17 = tpu.memref_slice %arg3[%add3A_11, %dma_start3A_15, %dma_start3A_16] : memref<2560x2x128xi32, #tpu.memory_space<hbm>> -> memref<1x2x128xi32, #tpu.memory_space<hbm>>
    %dma_start3A_18 = tpu.memref_squeeze %dma_start3A_17 : memref<1x2x128xi32, #tpu.memory_space<hbm>> -> memref<2x128xi32, #tpu.memory_space<hbm>>
    %dma_start3A_19 = tpu.memref_slice %arg9[%rem3A_9] : memref<3x!tpu.dma_semaphore, #tpu.memory_space<semaphore_mem>> -> memref<1x!tpu.dma_semaphore, #tpu.memory_space<semaphore_mem>>
    %dma_start3A_20 = tpu.memref_squeeze %dma_start3A_19 : memref<1x!tpu.dma_semaphore, #tpu.memory_space<semaphore_mem>> -> memref<!tpu.dma_semaphore, #tpu.memory_space<semaphore_mem>>
    %dma_start3A_21 = arith.constant 0 : i32
    %dma_start3A_22 = arith.constant 0 : i32
    %dma_start3A_23 = tpu.memref_slice %arg7[%rem3A_9, %dma_start3A_21, %dma_start3A_22] : memref<3x2x128xi32, #tpu.memory_space<vmem>> -> memref<1x2x128xi32, #tpu.memory_space<vmem>>
    %dma_start3A_24 = tpu.memref_squeeze %dma_start3A_23 : memref<1x2x128xi32, #tpu.memory_space<vmem>> -> memref<2x128xi32, #tpu.memory_space<vmem>>
    %dma_start3A_25 = arith.constant 0 : i32
    %dma_start3A_26 = arith.constant 0 : i32
    %dma_start3A_27 = tpu.memref_slice %arg3[%add3A_11, %dma_start3A_25, %dma_start3A_26] : memref<2560x2x128xi32, #tpu.memory_space<hbm>> -> memref<1x2x128xi32, #tpu.memory_space<hbm>>
    %dma_start3A_28 = tpu.memref_squeeze %dma_start3A_27 : memref<1x2x128xi32, #tpu.memory_space<hbm>> -> memref<2x128xi32, #tpu.memory_space<hbm>>
    tpu.enqueue_dma source(%dma_start3A_28 : memref<2x128xi32, #tpu.memory_space<hbm>>) target(%dma_start3A_24 : memref<2x128xi32, #tpu.memory_space<vmem>>) target_semaphore(%dma_start3A_20 : memref<!tpu.dma_semaphore, #tpu.memory_space<semaphore_mem>>)
    %rem3A_29 = arith.constant 1 : i32
    %rem3A_30 = arith.constant 3 : i32
    %rem3A_31 = arith.remsi %rem3A_29, %rem3A_30 : i32
    %add3A_32 = arith.constant 1 : i32
    %add3A_33 = arith.addi %add3A_5, %add3A_32 : i32
    %dma_start3A_34 = arith.constant 0 : i32
    %dma_start3A_35 = arith.constant 0 : i32
    %dma_start3A_36 = tpu.memref_slice %arg7[%rem3A_31, %dma_start3A_34, %dma_start3A_35] : memref<3x2x128xi32, #tpu.memory_space<vmem>> -> memref<1x2x128xi32, #tpu.memory_space<vmem>>
    %dma_start3A_37 = tpu.memref_squeeze %dma_start3A_36 : memref<1x2x128xi32, #tpu.memory_space<vmem>> -> memref<2x128xi32, #tpu.memory_space<vmem>>
    %dma_start3A_38 = arith.constant 0 : i32
    %dma_start3A_39 = arith.constant 0 : i32
    %dma_start3A_40 = tpu.memref_slice %arg3[%add3A_33, %dma_start3A_38, %dma_start3A_39] : memref<2560x2x128xi32, #tpu.memory_space<hbm>> -> memref<1x2x128xi32, #tpu.memory_space<hbm>>
    %dma_start3A_41 = tpu.memref_squeeze %dma_start3A_40 : memref<1x2x128xi32, #tpu.memory_space<hbm>> -> memref<2x128xi32, #tpu.memory_space<hbm>>
    %dma_start3A_42 = tpu.memref_slice %arg9[%rem3A_31] : memref<3x!tpu.dma_semaphore, #tpu.memory_space<semaphore_mem>> -> memref<1x!tpu.dma_semaphore, #tpu.memory_space<semaphore_mem>>
    %dma_start3A_43 = tpu.memref_squeeze %dma_start3A_42 : memref<1x!tpu.dma_semaphore, #tpu.memory_space<semaphore_mem>> -> memref<!tpu.dma_semaphore, #tpu.memory_space<semaphore_mem>>
    %dma_start3A_44 = arith.constant 0 : i32
    %dma_start3A_45 = arith.constant 0 : i32
    %dma_start3A_46 = tpu.memref_slice %arg7[%rem3A_31, %dma_start3A_44, %dma_start3A_45] : memref<3x2x128xi32, #tpu.memory_space<vmem>> -> memref<1x2x128xi32, #tpu.memory_space<vmem>>
    %dma_start3A_47 = tpu.memref_squeeze %dma_start3A_46 : memref<1x2x128xi32, #tpu.memory_space<vmem>> -> memref<2x128xi32, #tpu.memory_space<vmem>>
    %dma_start3A_48 = arith.constant 0 : i32
    %dma_start3A_49 = arith.constant 0 : i32
    %dma_start3A_50 = tpu.memref_slice %arg3[%add3A_33, %dma_start3A_48, %dma_start3A_49] : memref<2560x2x128xi32, #tpu.memory_space<hbm>> -> memref<1x2x128xi32, #tpu.memory_space<hbm>>
    %dma_start3A_51 = tpu.memref_squeeze %dma_start3A_50 : memref<1x2x128xi32, #tpu.memory_space<hbm>> -> memref<2x128xi32, #tpu.memory_space<hbm>>
    tpu.enqueue_dma source(%dma_start3A_51 : memref<2x128xi32, #tpu.memory_space<hbm>>) target(%dma_start3A_47 : memref<2x128xi32, #tpu.memory_space<vmem>>) target_semaphore(%dma_start3A_43 : memref<!tpu.dma_semaphore, #tpu.memory_space<semaphore_mem>>)
    %rem3A_52 = arith.constant 0 : i32
    %rem3A_53 = arith.constant 3 : i32
    %rem3A_54 = arith.remsi %rem3A_52, %rem3A_53 : i32
    %add3A_55 = arith.constant 0 : i32
    %add3A_56 = arith.addi %add3A_5, %add3A_55 : i32
    %dma_wait3A = arith.constant 0 : i32
    %dma_wait3A_57 = arith.constant 0 : i32
    %dma_wait3A_58 = tpu.memref_slice %arg7[%rem3A_54, %dma_wait3A, %dma_wait3A_57] : memref<3x2x128xi32, #tpu.memory_space<vmem>> -> memref<1x2x128xi32, #tpu.memory_space<vmem>>
    %dma_wait3A_59 = tpu.memref_squeeze %dma_wait3A_58 : memref<1x2x128xi32, #tpu.memory_space<vmem>> -> memref<2x128xi32, #tpu.memory_space<vmem>>
    %dma_wait3A_60 = arith.constant 0 : i32
    %dma_wait3A_61 = arith.constant 0 : i32
    %dma_wait3A_62 = tpu.memref_slice %arg3[%add3A_56, %dma_wait3A_60, %dma_wait3A_61] : memref<2560x2x128xi32, #tpu.memory_space<hbm>> -> memref<1x2x128xi32, #tpu.memory_space<hbm>>
    %dma_wait3A_63 = tpu.memref_squeeze %dma_wait3A_62 : memref<1x2x128xi32, #tpu.memory_space<hbm>> -> memref<2x128xi32, #tpu.memory_space<hbm>>
    %dma_wait3A_64 = tpu.memref_slice %arg9[%rem3A_54] : memref<3x!tpu.dma_semaphore, #tpu.memory_space<semaphore_mem>> -> memref<1x!tpu.dma_semaphore, #tpu.memory_space<semaphore_mem>>
    %dma_wait3A_65 = tpu.memref_squeeze %dma_wait3A_64 : memref<1x!tpu.dma_semaphore, #tpu.memory_space<semaphore_mem>> -> memref<!tpu.dma_semaphore, #tpu.memory_space<semaphore_mem>>
    %dma_wait3A_66 = arith.constant 0 : i32
    %dma_wait3A_67 = arith.constant 0 : i32
    %dma_wait3A_68 = tpu.memref_slice %arg7[%rem3A_54, %dma_wait3A_66, %dma_wait3A_67] : memref<3x2x128xi32, #tpu.memory_space<vmem>> -> memref<1x2x128xi32, #tpu.memory_space<vmem>>
    %dma_wait3A_69 = tpu.memref_squeeze %dma_wait3A_68 : memref<1x2x128xi32, #tpu.memory_space<vmem>> -> memref<2x128xi32, #tpu.memory_space<vmem>>
    %dma_wait3A_70 = arith.constant 0 : i32
    %dma_wait3A_71 = arith.constant 0 : i32
    %dma_wait3A_72 = tpu.memref_slice %arg3[%add3A_56, %dma_wait3A_70, %dma_wait3A_71] : memref<2560x2x128xi32, #tpu.memory_space<hbm>> -> memref<1x2x128xi32, #tpu.memory_space<hbm>>
    %dma_wait3A_73 = tpu.memref_squeeze %dma_wait3A_72 : memref<1x2x128xi32, #tpu.memory_space<hbm>> -> memref<2x128xi32, #tpu.memory_space<hbm>>
    tpu.wait_dma2 semaphore(%dma_wait3A_65 : memref<!tpu.dma_semaphore, #tpu.memory_space<semaphore_mem>>) src(%dma_wait3A_73 : memref<2x128xi32, #tpu.memory_space<hbm>>) dst(%dma_wait3A_69 : memref<2x128xi32, #tpu.memory_space<vmem>>)
    %rem3A_74 = arith.constant 0 : i32
    %rem3A_75 = arith.constant 3 : i32
    %rem3A_76 = arith.remsi %rem3A_74, %rem3A_75 : i32
    %rem3A_77 = arith.constant 0 : i32
    %rem3A_78 = arith.constant 2 : i32
    %rem3A_79 = arith.remsi %rem3A_77, %rem3A_78 : i32
    %rem3A_80 = arith.constant 0 : i32
    %rem3A_81 = arith.constant 2 : i32
    %rem3A_82 = arith.remsi %rem3A_80, %rem3A_81 : i32
    %dma_start3A_83 = arith.constant 0 : i32
    %dma_start3A_84 = arith.constant 0 : i32
    %dma_start3A_85 = arith.constant 0 : i32
    %dma_start3A_86 = tpu.memref_slice %arg8[%rem3A_79, %dma_start3A_84, %dma_start3A_85] : memref<2x128x128xf32, #tpu.memory_space<vmem>> -> memref<1x128x128xf32, #tpu.memory_space<vmem>>
    %dma_start3A_87 = tpu.memref_squeeze %dma_start3A_86 : memref<1x128x128xf32, #tpu.memory_space<vmem>> -> memref<128x128xf32, #tpu.memory_space<vmem>>
    %dma_start3A_88 = arith.constant 0 : i32
    %dma_start3A_89 = tpu.memref_slice %arg7[%rem3A_76, %dma_start3A_83, %dma_start3A_88] : memref<3x2x128xi32, #tpu.memory_space<vmem>> -> memref<1x1x128xi32, #tpu.memory_space<vmem>>
    %dma_start3A_90 = tpu.memref_squeeze %dma_start3A_89 : memref<1x1x128xi32, #tpu.memory_space<vmem>> -> memref<128xi32, #tpu.memory_space<vmem>>
    %dma_start3A_91 = arith.constant 0 : i32
    %dma_start3A_92 = arith.constant 0 : i32
    %dma_start3A_93 = tpu.memref_slice %arg2[%dma_start3A_91, %dma_start3A_92] : memref<10000x128xf32, #tpu.memory_space<hbm>> -> memref<10000x128xf32, #tpu.memory_space<hbm>>
    %dma_start3A_94 = tpu.memref_slice %arg10[%rem3A_82] : memref<2x!tpu.dma_semaphore, #tpu.memory_space<semaphore_mem>> -> memref<1x!tpu.dma_semaphore, #tpu.memory_space<semaphore_mem>>
    %dma_start3A_95 = tpu.memref_squeeze %dma_start3A_94 : memref<1x!tpu.dma_semaphore, #tpu.memory_space<semaphore_mem>> -> memref<!tpu.dma_semaphore, #tpu.memory_space<semaphore_mem>>
    tpu.enqueue_indirect_dma source(%dma_start3A_93 : memref<10000x128xf32, #tpu.memory_space<hbm>>) target(%dma_start3A_87 : memref<128x128xf32, #tpu.memory_space<vmem>>) offsets(%dma_start3A_90 : memref<128xi32, #tpu.memory_space<vmem>>) semaphore(%dma_start3A_95 : memref<!tpu.dma_semaphore, #tpu.memory_space<semaphore_mem>>)
    %scan3A = arith.constant 0 : i32
    %scan3A_96 = arith.constant 0 : i32
    %scan3A_97 = arith.constant 152 : i32
    %scan3A_98 = arith.addi %scan3A_96, %scan3A_97 : i32
    %scan3A_99 = arith.constant 1 : i32
    scf.for %scan3A_102 = %scan3A_96 to %scan3A_98 step %scan3A_99  : i32 {
      %lt3A = arith.cmpi slt, %scan3A_102, %add3A_1 : i32
      %convert_element_type3A = arith.extui %lt3A : i1 to i32
      %cond3A = arith.constant 0 : i32
      %cond3A_103 = arith.cmpi ne, %convert_element_type3A, %cond3A : i32
      scf.if %cond3A_103 {
        %rem3A_120 = arith.constant 3 : i32
        %rem3A_121 = arith.remsi %scan3A_102, %rem3A_120 : i32
        %rem3A_122 = arith.constant 2 : i32
        %rem3A_123 = arith.remsi %scan3A_102, %rem3A_122 : i32
        %rem3A_124 = arith.constant 2 : i32
        %rem3A_125 = arith.remsi %scan3A_102, %rem3A_124 : i32
        %dma_wait3A_126 = arith.constant 0 : i32
        %dma_wait3A_127 = arith.constant 0 : i32
        %dma_wait3A_128 = arith.constant 0 : i32
        %dma_wait3A_129 = tpu.memref_slice %arg8[%rem3A_123, %dma_wait3A_127, %dma_wait3A_128] : memref<2x128x128xf32, #tpu.memory_space<vmem>> -> memref<1x128x128xf32, #tpu.memory_space<vmem>>
        %dma_wait3A_130 = tpu.memref_squeeze %dma_wait3A_129 : memref<1x128x128xf32, #tpu.memory_space<vmem>> -> memref<128x128xf32, #tpu.memory_space<vmem>>
        %dma_wait3A_131 = arith.constant 0 : i32
        %dma_wait3A_132 = tpu.memref_slice %arg7[%rem3A_121, %dma_wait3A_126, %dma_wait3A_131] : memref<3x2x128xi32, #tpu.memory_space<vmem>> -> memref<1x1x128xi32, #tpu.memory_space<vmem>>
        %dma_wait3A_133 = tpu.memref_squeeze %dma_wait3A_132 : memref<1x1x128xi32, #tpu.memory_space<vmem>> -> memref<128xi32, #tpu.memory_space<vmem>>
        %dma_wait3A_134 = arith.constant 0 : i32
        %dma_wait3A_135 = arith.constant 0 : i32
        %dma_wait3A_136 = tpu.memref_slice %arg2[%dma_wait3A_134, %dma_wait3A_135] : memref<10000x128xf32, #tpu.memory_space<hbm>> -> memref<10000x128xf32, #tpu.memory_space<hbm>>
        %dma_wait3A_137 = tpu.memref_slice %arg10[%rem3A_125] : memref<2x!tpu.dma_semaphore, #tpu.memory_space<semaphore_mem>> -> memref<1x!tpu.dma_semaphore, #tpu.memory_space<semaphore_mem>>
        %dma_wait3A_138 = tpu.memref_squeeze %dma_wait3A_137 : memref<1x!tpu.dma_semaphore, #tpu.memory_space<semaphore_mem>> -> memref<!tpu.dma_semaphore, #tpu.memory_space<semaphore_mem>>
        tpu.wait_indirect_dma semaphore(%dma_wait3A_138 : memref<!tpu.dma_semaphore, #tpu.memory_space<semaphore_mem>>) src(%dma_wait3A_136 : memref<10000x128xf32, #tpu.memory_space<hbm>>) dst(%dma_wait3A_130 : memref<128x128xf32, #tpu.memory_space<vmem>>)
      } else {
      }
      %add3A_104 = arith.constant 2 : i32
      %add3A_105 = arith.addi %scan3A_102, %add3A_104 : i32
      %lt3A_106 = arith.cmpi slt, %add3A_105, %add3A_1 : i32
      %convert_element_type3A_107 = arith.extui %lt3A_106 : i1 to i32
      %cond3A_108 = arith.constant 0 : i32
      %cond3A_109 = arith.cmpi ne, %convert_element_type3A_107, %cond3A_108 : i32
      scf.if %cond3A_109 {
        %add3A_120 = arith.constant 2 : i32
        %add3A_121 = arith.addi %scan3A_102, %add3A_120 : i32
        %rem3A_122 = arith.constant 3 : i32
        %rem3A_123 = arith.remsi %add3A_121, %rem3A_122 : i32
        %add3A_124 = arith.addi %add3A_5, %add3A_121 : i32
        %dma_start3A_125 = arith.constant 0 : i32
        %dma_start3A_126 = arith.constant 0 : i32
        %dma_start3A_127 = tpu.memref_slice %arg7[%rem3A_123, %dma_start3A_125, %dma_start3A_126] : memref<3x2x128xi32, #tpu.memory_space<vmem>> -> memref<1x2x128xi32, #tpu.memory_space<vmem>>
        %dma_start3A_128 = tpu.memref_squeeze %dma_start3A_127 : memref<1x2x128xi32, #tpu.memory_space<vmem>> -> memref<2x128xi32, #tpu.memory_space<vmem>>
        %dma_start3A_129 = arith.constant 0 : i32
        %dma_start3A_130 = arith.constant 0 : i32
        %dma_start3A_131 = tpu.memref_slice %arg3[%add3A_124, %dma_start3A_129, %dma_start3A_130] : memref<2560x2x128xi32, #tpu.memory_space<hbm>> -> memref<1x2x128xi32, #tpu.memory_space<hbm>>
        %dma_start3A_132 = tpu.memref_squeeze %dma_start3A_131 : memref<1x2x128xi32, #tpu.memory_space<hbm>> -> memref<2x128xi32, #tpu.memory_space<hbm>>
        %dma_start3A_133 = tpu.memref_slice %arg9[%rem3A_123] : memref<3x!tpu.dma_semaphore, #tpu.memory_space<semaphore_mem>> -> memref<1x!tpu.dma_semaphore, #tpu.memory_space<semaphore_mem>>
        %dma_start3A_134 = tpu.memref_squeeze %dma_start3A_133 : memref<1x!tpu.dma_semaphore, #tpu.memory_space<semaphore_mem>> -> memref<!tpu.dma_semaphore, #tpu.memory_space<semaphore_mem>>
        %dma_start3A_135 = arith.constant 0 : i32
        %dma_start3A_136 = arith.constant 0 : i32
        %dma_start3A_137 = tpu.memref_slice %arg7[%rem3A_123, %dma_start3A_135, %dma_start3A_136] : memref<3x2x128xi32, #tpu.memory_space<vmem>> -> memref<1x2x128xi32, #tpu.memory_space<vmem>>
        %dma_start3A_138 = tpu.memref_squeeze %dma_start3A_137 : memref<1x2x128xi32, #tpu.memory_space<vmem>> -> memref<2x128xi32, #tpu.memory_space<vmem>>
        %dma_start3A_139 = arith.constant 0 : i32
        %dma_start3A_140 = arith.constant 0 : i32
        %dma_start3A_141 = tpu.memref_slice %arg3[%add3A_124, %dma_start3A_139, %dma_start3A_140] : memref<2560x2x128xi32, #tpu.memory_space<hbm>> -> memref<1x2x128xi32, #tpu.memory_space<hbm>>
        %dma_start3A_142 = tpu.memref_squeeze %dma_start3A_141 : memref<1x2x128xi32, #tpu.memory_space<hbm>> -> memref<2x128xi32, #tpu.memory_space<hbm>>
        tpu.enqueue_dma source(%dma_start3A_142 : memref<2x128xi32, #tpu.memory_space<hbm>>) target(%dma_start3A_138 : memref<2x128xi32, #tpu.memory_space<vmem>>) target_semaphore(%dma_start3A_134 : memref<!tpu.dma_semaphore, #tpu.memory_space<semaphore_mem>>)
      } else {
      }
      %add3A_110 = arith.constant 1 : i32
      %add3A_111 = arith.addi %scan3A_102, %add3A_110 : i32
      %lt3A_112 = arith.cmpi slt, %add3A_111, %add3A_1 : i32
      %convert_element_type3A_113 = arith.extui %lt3A_112 : i1 to i32
      %cond3A_114 = arith.constant 0 : i32
      %cond3A_115 = arith.cmpi ne, %convert_element_type3A_113, %cond3A_114 : i32
      scf.if %cond3A_115 {
        %add3A_120 = arith.constant 1 : i32
        %add3A_121 = arith.addi %scan3A_102, %add3A_120 : i32
        %rem3A_122 = arith.constant 3 : i32
        %rem3A_123 = arith.remsi %add3A_121, %rem3A_122 : i32
        %add3A_124 = arith.addi %add3A_5, %add3A_121 : i32
        %dma_wait3A_125 = arith.constant 0 : i32
        %dma_wait3A_126 = arith.constant 0 : i32
        %dma_wait3A_127 = tpu.memref_slice %arg7[%rem3A_123, %dma_wait3A_125, %dma_wait3A_126] : memref<3x2x128xi32, #tpu.memory_space<vmem>> -> memref<1x2x128xi32, #tpu.memory_space<vmem>>
        %dma_wait3A_128 = tpu.memref_squeeze %dma_wait3A_127 : memref<1x2x128xi32, #tpu.memory_space<vmem>> -> memref<2x128xi32, #tpu.memory_space<vmem>>
        %dma_wait3A_129 = arith.constant 0 : i32
        %dma_wait3A_130 = arith.constant 0 : i32
        %dma_wait3A_131 = tpu.memref_slice %arg3[%add3A_124, %dma_wait3A_129, %dma_wait3A_130] : memref<2560x2x128xi32, #tpu.memory_space<hbm>> -> memref<1x2x128xi32, #tpu.memory_space<hbm>>
        %dma_wait3A_132 = tpu.memref_squeeze %dma_wait3A_131 : memref<1x2x128xi32, #tpu.memory_space<hbm>> -> memref<2x128xi32, #tpu.memory_space<hbm>>
        %dma_wait3A_133 = tpu.memref_slice %arg9[%rem3A_123] : memref<3x!tpu.dma_semaphore, #tpu.memory_space<semaphore_mem>> -> memref<1x!tpu.dma_semaphore, #tpu.memory_space<semaphore_mem>>
        %dma_wait3A_134 = tpu.memref_squeeze %dma_wait3A_133 : memref<1x!tpu.dma_semaphore, #tpu.memory_space<semaphore_mem>> -> memref<!tpu.dma_semaphore, #tpu.memory_space<semaphore_mem>>
        %dma_wait3A_135 = arith.constant 0 : i32
        %dma_wait3A_136 = arith.constant 0 : i32
        %dma_wait3A_137 = tpu.memref_slice %arg7[%rem3A_123, %dma_wait3A_135, %dma_wait3A_136] : memref<3x2x128xi32, #tpu.memory_space<vmem>> -> memref<1x2x128xi32, #tpu.memory_space<vmem>>
        %dma_wait3A_138 = tpu.memref_squeeze %dma_wait3A_137 : memref<1x2x128xi32, #tpu.memory_space<vmem>> -> memref<2x128xi32, #tpu.memory_space<vmem>>
        %dma_wait3A_139 = arith.constant 0 : i32
        %dma_wait3A_140 = arith.constant 0 : i32
        %dma_wait3A_141 = tpu.memref_slice %arg3[%add3A_124, %dma_wait3A_139, %dma_wait3A_140] : memref<2560x2x128xi32, #tpu.memory_space<hbm>> -> memref<1x2x128xi32, #tpu.memory_space<hbm>>
        %dma_wait3A_142 = tpu.memref_squeeze %dma_wait3A_141 : memref<1x2x128xi32, #tpu.memory_space<hbm>> -> memref<2x128xi32, #tpu.memory_space<hbm>>
        tpu.wait_dma2 semaphore(%dma_wait3A_134 : memref<!tpu.dma_semaphore, #tpu.memory_space<semaphore_mem>>) src(%dma_wait3A_142 : memref<2x128xi32, #tpu.memory_space<hbm>>) dst(%dma_wait3A_138 : memref<2x128xi32, #tpu.memory_space<vmem>>)
        %add3A_143 = arith.constant 1 : i32
        %add3A_144 = arith.addi %scan3A_102, %add3A_143 : i32
        %rem3A_145 = arith.constant 3 : i32
        %rem3A_146 = arith.remsi %add3A_144, %rem3A_145 : i32
        %rem3A_147 = arith.constant 2 : i32
        %rem3A_148 = arith.remsi %add3A_144, %rem3A_147 : i32
        %rem3A_149 = arith.constant 2 : i32
        %rem3A_150 = arith.remsi %add3A_144, %rem3A_149 : i32
        %dma_start3A_151 = arith.constant 0 : i32
        %dma_start3A_152 = arith.constant 0 : i32
        %dma_start3A_153 = arith.constant 0 : i32
        %dma_start3A_154 = tpu.memref_slice %arg8[%rem3A_148, %dma_start3A_152, %dma_start3A_153] : memref<2x128x128xf32, #tpu.memory_space<vmem>> -> memref<1x128x128xf32, #tpu.memory_space<vmem>>
        %dma_start3A_155 = tpu.memref_squeeze %dma_start3A_154 : memref<1x128x128xf32, #tpu.memory_space<vmem>> -> memref<128x128xf32, #tpu.memory_space<vmem>>
        %dma_start3A_156 = arith.constant 0 : i32
        %dma_start3A_157 = tpu.memref_slice %arg7[%rem3A_146, %dma_start3A_151, %dma_start3A_156] : memref<3x2x128xi32, #tpu.memory_space<vmem>> -> memref<1x1x128xi32, #tpu.memory_space<vmem>>
        %dma_start3A_158 = tpu.memref_squeeze %dma_start3A_157 : memref<1x1x128xi32, #tpu.memory_space<vmem>> -> memref<128xi32, #tpu.memory_space<vmem>>
        %dma_start3A_159 = arith.constant 0 : i32
        %dma_start3A_160 = arith.constant 0 : i32
        %dma_start3A_161 = tpu.memref_slice %arg2[%dma_start3A_159, %dma_start3A_160] : memref<10000x128xf32, #tpu.memory_space<hbm>> -> memref<10000x128xf32, #tpu.memory_space<hbm>>
        %dma_start3A_162 = tpu.memref_slice %arg10[%rem3A_150] : memref<2x!tpu.dma_semaphore, #tpu.memory_space<semaphore_mem>> -> memref<1x!tpu.dma_semaphore, #tpu.memory_space<semaphore_mem>>
        %dma_start3A_163 = tpu.memref_squeeze %dma_start3A_162 : memref<1x!tpu.dma_semaphore, #tpu.memory_space<semaphore_mem>> -> memref<!tpu.dma_semaphore, #tpu.memory_space<semaphore_mem>>
        tpu.enqueue_indirect_dma source(%dma_start3A_161 : memref<10000x128xf32, #tpu.memory_space<hbm>>) target(%dma_start3A_155 : memref<128x128xf32, #tpu.memory_space<vmem>>) offsets(%dma_start3A_158 : memref<128xi32, #tpu.memory_space<vmem>>) semaphore(%dma_start3A_163 : memref<!tpu.dma_semaphore, #tpu.memory_space<semaphore_mem>>)
      } else {
      }
      %lt3A_116 = arith.cmpi slt, %scan3A_102, %add3A_1 : i32
      %convert_element_type3A_117 = arith.extui %lt3A_116 : i1 to i32
      %cond3A_118 = arith.constant 0 : i32
      %cond3A_119 = arith.cmpi ne, %convert_element_type3A_117, %cond3A_118 : i32
      scf.if %cond3A_119 {
        %rem3A_120 = arith.constant 2 : i32
        %rem3A_121 = arith.remsi %scan3A_102, %rem3A_120 : i32
        %rem3A_122 = arith.constant 3 : i32
        %rem3A_123 = arith.remsi %scan3A_102, %rem3A_122 : i32
        %run_scoped3A = arith.constant 1 : i32
        "tpu.region"() ({
          %run_scoped3A_124 = tpu.sem_alloc : memref<!tpu.dma_semaphore, #tpu.memory_space<semaphore_mem>>
          %dma_start3A_125 = arith.constant 0 : i32
          %dma_start3A_126 = arith.constant 0 : i32
          %dma_start3A_127 = tpu.memref_slice %arg8[%rem3A_121, %dma_start3A_125, %dma_start3A_126] : memref<2x128x128xf32, #tpu.memory_space<vmem>> -> memref<1x128x128xf32, #tpu.memory_space<vmem>>
          %dma_start3A_128 = tpu.memref_squeeze %dma_start3A_127 : memref<1x128x128xf32, #tpu.memory_space<vmem>> -> memref<128x128xf32, #tpu.memory_space<vmem>>
          %dma_start3A_129 = arith.constant 0 : i32
          %dma_start3A_130 = tpu.memref_slice %arg7[%rem3A_123, %run_scoped3A, %dma_start3A_129] : memref<3x2x128xi32, #tpu.memory_space<vmem>> -> memref<1x1x128xi32, #tpu.memory_space<vmem>>
          %dma_start3A_131 = tpu.memref_squeeze %dma_start3A_130 : memref<1x1x128xi32, #tpu.memory_space<vmem>> -> memref<128xi32, #tpu.memory_space<vmem>>
          %dma_start3A_132 = arith.constant 0 : i32
          %dma_start3A_133 = arith.constant 0 : i32
          %dma_start3A_134 = tpu.memref_slice %arg6[%dma_start3A_132, %dma_start3A_133] : memref<10112x128xf32, #tpu.memory_space<vmem_shared>> -> memref<10112x128xf32, #tpu.memory_space<vmem_shared>>
          tpu.enqueue_indirect_dma source(%dma_start3A_128 : memref<128x128xf32, #tpu.memory_space<vmem>>) target(%dma_start3A_134 : memref<10112x128xf32, #tpu.memory_space<vmem_shared>>) offsets(%dma_start3A_131 : memref<128xi32, #tpu.memory_space<vmem>>) semaphore(%run_scoped3A_124 : memref<!tpu.dma_semaphore, #tpu.memory_space<semaphore_mem>>) {add = true}
          %dma_wait3A_135 = arith.constant 0 : i32
          %dma_wait3A_136 = arith.constant 0 : i32
          %dma_wait3A_137 = tpu.memref_slice %arg8[%rem3A_121, %dma_wait3A_135, %dma_wait3A_136] : memref<2x128x128xf32, #tpu.memory_space<vmem>> -> memref<1x128x128xf32, #tpu.memory_space<vmem>>
          %dma_wait3A_138 = tpu.memref_squeeze %dma_wait3A_137 : memref<1x128x128xf32, #tpu.memory_space<vmem>> -> memref<128x128xf32, #tpu.memory_space<vmem>>
          %dma_wait3A_139 = arith.constant 0 : i32
          %dma_wait3A_140 = tpu.memref_slice %arg7[%rem3A_123, %run_scoped3A, %dma_wait3A_139] : memref<3x2x128xi32, #tpu.memory_space<vmem>> -> memref<1x1x128xi32, #tpu.memory_space<vmem>>
          %dma_wait3A_141 = tpu.memref_squeeze %dma_wait3A_140 : memref<1x1x128xi32, #tpu.memory_space<vmem>> -> memref<128xi32, #tpu.memory_space<vmem>>
          %dma_wait3A_142 = arith.constant 0 : i32
          %dma_wait3A_143 = arith.constant 0 : i32
          %dma_wait3A_144 = tpu.memref_slice %arg6[%dma_wait3A_142, %dma_wait3A_143] : memref<10112x128xf32, #tpu.memory_space<vmem_shared>> -> memref<10112x128xf32, #tpu.memory_space<vmem_shared>>
          tpu.wait_indirect_dma semaphore(%run_scoped3A_124 : memref<!tpu.dma_semaphore, #tpu.memory_space<semaphore_mem>>) src(%dma_wait3A_138 : memref<128x128xf32, #tpu.memory_space<vmem>>) dst(%dma_wait3A_144 : memref<10112x128xf32, #tpu.memory_space<vmem_shared>>)
          tpu.yield
        }) : () -> ()
      } else {
      }
    }
    %scan3A_100 = arith.constant 152 : i32
    %barrier3A_101 = arith.constant 0 : index
    tpu.barrier barrier_id(%barrier3A_101)
    "tpu.region"() ({
      %run_scoped3A = tpu.sem_alloc : memref<!tpu.dma_semaphore, #tpu.memory_space<semaphore_mem>>
      %dma_start3A_102 = arith.constant 0 : i32
      %dma_start3A_103 = tpu.memref_slice %arg5[%arg0, %multiple_of3A, %dma_start3A_102] : memref<2x10112x128xf32, #tpu.memory_space<hbm>> -> memref<1x632x128xf32, #tpu.memory_space<hbm>>
      %dma_start3A_104 = tpu.memref_squeeze %dma_start3A_103 : memref<1x632x128xf32, #tpu.memory_space<hbm>> -> memref<632x128xf32, #tpu.memory_space<hbm>>
      %dma_start3A_105 = arith.constant 0 : i32
      %dma_start3A_106 = tpu.memref_slice %arg6[%multiple_of3A, %dma_start3A_105] : memref<10112x128xf32, #tpu.memory_space<vmem_shared>> -> memref<632x128xf32, #tpu.memory_space<vmem_shared>>
      tpu.enqueue_dma source(%dma_start3A_106 : memref<632x128xf32, #tpu.memory_space<vmem_shared>>) target(%dma_start3A_104 : memref<632x128xf32, #tpu.memory_space<hbm>>) target_semaphore(%run_scoped3A : memref<!tpu.dma_semaphore, #tpu.memory_space<semaphore_mem>>)
      %dma_wait3A_107 = arith.constant 0 : i32
      %dma_wait3A_108 = tpu.memref_slice %arg5[%arg0, %multiple_of3A, %dma_wait3A_107] : memref<2x10112x128xf32, #tpu.memory_space<hbm>> -> memref<1x632x128xf32, #tpu.memory_space<hbm>>
      %dma_wait3A_109 = tpu.memref_squeeze %dma_wait3A_108 : memref<1x632x128xf32, #tpu.memory_space<hbm>> -> memref<632x128xf32, #tpu.memory_space<hbm>>
      %dma_wait3A_110 = arith.constant 0 : i32
      %dma_wait3A_111 = tpu.memref_slice %arg6[%multiple_of3A, %dma_wait3A_110] : memref<10112x128xf32, #tpu.memory_space<vmem_shared>> -> memref<632x128xf32, #tpu.memory_space<vmem_shared>>
      tpu.wait_dma2 semaphore(%run_scoped3A : memref<!tpu.dma_semaphore, #tpu.memory_space<semaphore_mem>>) src(%dma_wait3A_111 : memref<632x128xf32, #tpu.memory_space<vmem_shared>>) dst(%dma_wait3A_109 : memref<632x128xf32, #tpu.memory_space<hbm>>)
      tpu.yield
    }) : () -> ()
    return
  }
}

#map = affine_map<(d0, d1) -> (0, 0)>
#map1 = affine_map<(d0, d1) -> (0, 0, 0)>
module attributes {stable_mosaic.version = 14 : i64} {
  func.func @_adj_body(%arg0: i32, %arg1: i32, %arg2: memref<10000x128xf32, #tpu.memory_space<hbm>>, %arg3: memref<2560x2x128xi32, #tpu.memory_space<hbm>>, %arg4: memref<10112x128xf32, #tpu.memory_space<hbm>>, %arg5: memref<2x10112x128xf32, #tpu.memory_space<hbm>>, %arg6: memref<10112x128xf32, #tpu.memory_space<vmem_shared>>, %arg7: memref<3x2x128xi32, #tpu.memory_space<vmem>>, %arg8: memref<2x128x128xf32, #tpu.memory_space<vmem>>, %arg9: memref<3x!tpu.dma_semaphore, #tpu.memory_space<semaphore_mem>>, %arg10: memref<2x!tpu.dma_semaphore, #tpu.memory_space<semaphore_mem>>) attributes {dimension_semantics = [#tpu.dimension_semantics<core_parallel>, #tpu.dimension_semantics<subcore_parallel>], iteration_bounds = array<i64: 2, 16>, scalar_prefetch = 0 : i64, scratch_operands = 5 : i64, tpu.core_type = #tpu.core_type<sc_vector_subcore>, window_params = [{transform_indices = #map}, {transform_indices = #map1}, {transform_indices = #map}, {transform_indices = #map1}]} {
    %mul3A = arith.constant -144 : i32
    %mul3A_0 = arith.muli %arg0, %mul3A : i32
    %add3A = arith.constant 152 : i32
    %add3A_1 = arith.addi %add3A, %mul3A_0 : i32
    %mul3A_2 = arith.constant 2432 : i32
    %mul3A_3 = arith.muli %arg0, %mul3A_2 : i32
    %mul3A_4 = arith.muli %arg1, %add3A_1 : i32
    %add3A_5 = arith.addi %mul3A_3, %mul3A_4 : i32
    %mul3A_6 = arith.constant 632 : i32
    %mul3A_7 = arith.muli %arg1, %mul3A_6 : i32
    %multiple_of3A = tpu.assume_multiple %mul3A_7, 8 : i32
    "tpu.region"() ({
      %run_scoped3A = tpu.sem_alloc : memref<!tpu.dma_semaphore, #tpu.memory_space<semaphore_mem>>
      %dma_start3A_102 = arith.constant 0 : i32
      %dma_start3A_103 = tpu.memref_slice %arg6[%multiple_of3A, %dma_start3A_102] : memref<10112x128xf32, #tpu.memory_space<vmem_shared>> -> memref<632x128xf32, #tpu.memory_space<vmem_shared>>
      %dma_start3A_104 = arith.constant 0 : i32
      %dma_start3A_105 = tpu.memref_slice %arg4[%multiple_of3A, %dma_start3A_104] : memref<10112x128xf32, #tpu.memory_space<hbm>> -> memref<632x128xf32, #tpu.memory_space<hbm>>
      tpu.enqueue_dma source(%dma_start3A_105 : memref<632x128xf32, #tpu.memory_space<hbm>>) target(%dma_start3A_103 : memref<632x128xf32, #tpu.memory_space<vmem_shared>>) target_semaphore(%run_scoped3A : memref<!tpu.dma_semaphore, #tpu.memory_space<semaphore_mem>>)
      %dma_wait3A_106 = arith.constant 0 : i32
      %dma_wait3A_107 = tpu.memref_slice %arg6[%multiple_of3A, %dma_wait3A_106] : memref<10112x128xf32, #tpu.memory_space<vmem_shared>> -> memref<632x128xf32, #tpu.memory_space<vmem_shared>>
      %dma_wait3A_108 = arith.constant 0 : i32
      %dma_wait3A_109 = tpu.memref_slice %arg4[%multiple_of3A, %dma_wait3A_108] : memref<10112x128xf32, #tpu.memory_space<hbm>> -> memref<632x128xf32, #tpu.memory_space<hbm>>
      tpu.wait_dma2 semaphore(%run_scoped3A : memref<!tpu.dma_semaphore, #tpu.memory_space<semaphore_mem>>) src(%dma_wait3A_109 : memref<632x128xf32, #tpu.memory_space<hbm>>) dst(%dma_wait3A_107 : memref<632x128xf32, #tpu.memory_space<vmem_shared>>)
      tpu.yield
    }) : () -> ()
    %barrier3A = arith.constant 0 : index
    tpu.barrier barrier_id(%barrier3A)
    %rem3A = arith.constant 0 : i32
    %rem3A_8 = arith.constant 3 : i32
    %rem3A_9 = arith.remsi %rem3A, %rem3A_8 : i32
    %add3A_10 = arith.constant 0 : i32
    %add3A_11 = arith.addi %add3A_5, %add3A_10 : i32
    %dma_start3A = arith.constant 0 : i32
    %dma_start3A_12 = arith.constant 0 : i32
    %dma_start3A_13 = tpu.memref_slice %arg7[%rem3A_9, %dma_start3A, %dma_start3A_12] : memref<3x2x128xi32, #tpu.memory_space<vmem>> -> memref<1x2x128xi32, #tpu.memory_space<vmem>>
    %dma_start3A_14 = tpu.memref_squeeze %dma_start3A_13 : memref<1x2x128xi32, #tpu.memory_space<vmem>> -> memref<2x128xi32, #tpu.memory_space<vmem>>
    %dma_start3A_15 = arith.constant 0 : i32
    %dma_start3A_16 = arith.constant 0 : i32
    %dma_start3A_17 = tpu.memref_slice %arg3[%add3A_11, %dma_start3A_15, %dma_start3A_16] : memref<2560x2x128xi32, #tpu.memory_space<hbm>> -> memref<1x2x128xi32, #tpu.memory_space<hbm>>
    %dma_start3A_18 = tpu.memref_squeeze %dma_start3A_17 : memref<1x2x128xi32, #tpu.memory_space<hbm>> -> memref<2x128xi32, #tpu.memory_space<hbm>>
    %dma_start3A_19 = tpu.memref_slice %arg9[%rem3A_9] : memref<3x!tpu.dma_semaphore, #tpu.memory_space<semaphore_mem>> -> memref<1x!tpu.dma_semaphore, #tpu.memory_space<semaphore_mem>>
    %dma_start3A_20 = tpu.memref_squeeze %dma_start3A_19 : memref<1x!tpu.dma_semaphore, #tpu.memory_space<semaphore_mem>> -> memref<!tpu.dma_semaphore, #tpu.memory_space<semaphore_mem>>
    %dma_start3A_21 = arith.constant 0 : i32
    %dma_start3A_22 = arith.constant 0 : i32
    %dma_start3A_23 = tpu.memref_slice %arg7[%rem3A_9, %dma_start3A_21, %dma_start3A_22] : memref<3x2x128xi32, #tpu.memory_space<vmem>> -> memref<1x2x128xi32, #tpu.memory_space<vmem>>
    %dma_start3A_24 = tpu.memref_squeeze %dma_start3A_23 : memref<1x2x128xi32, #tpu.memory_space<vmem>> -> memref<2x128xi32, #tpu.memory_space<vmem>>
    %dma_start3A_25 = arith.constant 0 : i32
    %dma_start3A_26 = arith.constant 0 : i32
    %dma_start3A_27 = tpu.memref_slice %arg3[%add3A_11, %dma_start3A_25, %dma_start3A_26] : memref<2560x2x128xi32, #tpu.memory_space<hbm>> -> memref<1x2x128xi32, #tpu.memory_space<hbm>>
    %dma_start3A_28 = tpu.memref_squeeze %dma_start3A_27 : memref<1x2x128xi32, #tpu.memory_space<hbm>> -> memref<2x128xi32, #tpu.memory_space<hbm>>
    tpu.enqueue_dma source(%dma_start3A_28 : memref<2x128xi32, #tpu.memory_space<hbm>>) target(%dma_start3A_24 : memref<2x128xi32, #tpu.memory_space<vmem>>) target_semaphore(%dma_start3A_20 : memref<!tpu.dma_semaphore, #tpu.memory_space<semaphore_mem>>)
    %rem3A_29 = arith.constant 1 : i32
    %rem3A_30 = arith.constant 3 : i32
    %rem3A_31 = arith.remsi %rem3A_29, %rem3A_30 : i32
    %add3A_32 = arith.constant 1 : i32
    %add3A_33 = arith.addi %add3A_5, %add3A_32 : i32
    %dma_start3A_34 = arith.constant 0 : i32
    %dma_start3A_35 = arith.constant 0 : i32
    %dma_start3A_36 = tpu.memref_slice %arg7[%rem3A_31, %dma_start3A_34, %dma_start3A_35] : memref<3x2x128xi32, #tpu.memory_space<vmem>> -> memref<1x2x128xi32, #tpu.memory_space<vmem>>
    %dma_start3A_37 = tpu.memref_squeeze %dma_start3A_36 : memref<1x2x128xi32, #tpu.memory_space<vmem>> -> memref<2x128xi32, #tpu.memory_space<vmem>>
    %dma_start3A_38 = arith.constant 0 : i32
    %dma_start3A_39 = arith.constant 0 : i32
    %dma_start3A_40 = tpu.memref_slice %arg3[%add3A_33, %dma_start3A_38, %dma_start3A_39] : memref<2560x2x128xi32, #tpu.memory_space<hbm>> -> memref<1x2x128xi32, #tpu.memory_space<hbm>>
    %dma_start3A_41 = tpu.memref_squeeze %dma_start3A_40 : memref<1x2x128xi32, #tpu.memory_space<hbm>> -> memref<2x128xi32, #tpu.memory_space<hbm>>
    %dma_start3A_42 = tpu.memref_slice %arg9[%rem3A_31] : memref<3x!tpu.dma_semaphore, #tpu.memory_space<semaphore_mem>> -> memref<1x!tpu.dma_semaphore, #tpu.memory_space<semaphore_mem>>
    %dma_start3A_43 = tpu.memref_squeeze %dma_start3A_42 : memref<1x!tpu.dma_semaphore, #tpu.memory_space<semaphore_mem>> -> memref<!tpu.dma_semaphore, #tpu.memory_space<semaphore_mem>>
    %dma_start3A_44 = arith.constant 0 : i32
    %dma_start3A_45 = arith.constant 0 : i32
    %dma_start3A_46 = tpu.memref_slice %arg7[%rem3A_31, %dma_start3A_44, %dma_start3A_45] : memref<3x2x128xi32, #tpu.memory_space<vmem>> -> memref<1x2x128xi32, #tpu.memory_space<vmem>>
    %dma_start3A_47 = tpu.memref_squeeze %dma_start3A_46 : memref<1x2x128xi32, #tpu.memory_space<vmem>> -> memref<2x128xi32, #tpu.memory_space<vmem>>
    %dma_start3A_48 = arith.constant 0 : i32
    %dma_start3A_49 = arith.constant 0 : i32
    %dma_start3A_50 = tpu.memref_slice %arg3[%add3A_33, %dma_start3A_48, %dma_start3A_49] : memref<2560x2x128xi32, #tpu.memory_space<hbm>> -> memref<1x2x128xi32, #tpu.memory_space<hbm>>
    %dma_start3A_51 = tpu.memref_squeeze %dma_start3A_50 : memref<1x2x128xi32, #tpu.memory_space<hbm>> -> memref<2x128xi32, #tpu.memory_space<hbm>>
    tpu.enqueue_dma source(%dma_start3A_51 : memref<2x128xi32, #tpu.memory_space<hbm>>) target(%dma_start3A_47 : memref<2x128xi32, #tpu.memory_space<vmem>>) target_semaphore(%dma_start3A_43 : memref<!tpu.dma_semaphore, #tpu.memory_space<semaphore_mem>>)
    %rem3A_52 = arith.constant 0 : i32
    %rem3A_53 = arith.constant 3 : i32
    %rem3A_54 = arith.remsi %rem3A_52, %rem3A_53 : i32
    %add3A_55 = arith.constant 0 : i32
    %add3A_56 = arith.addi %add3A_5, %add3A_55 : i32
    %dma_wait3A = arith.constant 0 : i32
    %dma_wait3A_57 = arith.constant 0 : i32
    %dma_wait3A_58 = tpu.memref_slice %arg7[%rem3A_54, %dma_wait3A, %dma_wait3A_57] : memref<3x2x128xi32, #tpu.memory_space<vmem>> -> memref<1x2x128xi32, #tpu.memory_space<vmem>>
    %dma_wait3A_59 = tpu.memref_squeeze %dma_wait3A_58 : memref<1x2x128xi32, #tpu.memory_space<vmem>> -> memref<2x128xi32, #tpu.memory_space<vmem>>
    %dma_wait3A_60 = arith.constant 0 : i32
    %dma_wait3A_61 = arith.constant 0 : i32
    %dma_wait3A_62 = tpu.memref_slice %arg3[%add3A_56, %dma_wait3A_60, %dma_wait3A_61] : memref<2560x2x128xi32, #tpu.memory_space<hbm>> -> memref<1x2x128xi32, #tpu.memory_space<hbm>>
    %dma_wait3A_63 = tpu.memref_squeeze %dma_wait3A_62 : memref<1x2x128xi32, #tpu.memory_space<hbm>> -> memref<2x128xi32, #tpu.memory_space<hbm>>
    %dma_wait3A_64 = tpu.memref_slice %arg9[%rem3A_54] : memref<3x!tpu.dma_semaphore, #tpu.memory_space<semaphore_mem>> -> memref<1x!tpu.dma_semaphore, #tpu.memory_space<semaphore_mem>>
    %dma_wait3A_65 = tpu.memref_squeeze %dma_wait3A_64 : memref<1x!tpu.dma_semaphore, #tpu.memory_space<semaphore_mem>> -> memref<!tpu.dma_semaphore, #tpu.memory_space<semaphore_mem>>
    %dma_wait3A_66 = arith.constant 0 : i32
    %dma_wait3A_67 = arith.constant 0 : i32
    %dma_wait3A_68 = tpu.memref_slice %arg7[%rem3A_54, %dma_wait3A_66, %dma_wait3A_67] : memref<3x2x128xi32, #tpu.memory_space<vmem>> -> memref<1x2x128xi32, #tpu.memory_space<vmem>>
    %dma_wait3A_69 = tpu.memref_squeeze %dma_wait3A_68 : memref<1x2x128xi32, #tpu.memory_space<vmem>> -> memref<2x128xi32, #tpu.memory_space<vmem>>
    %dma_wait3A_70 = arith.constant 0 : i32
    %dma_wait3A_71 = arith.constant 0 : i32
    %dma_wait3A_72 = tpu.memref_slice %arg3[%add3A_56, %dma_wait3A_70, %dma_wait3A_71] : memref<2560x2x128xi32, #tpu.memory_space<hbm>> -> memref<1x2x128xi32, #tpu.memory_space<hbm>>
    %dma_wait3A_73 = tpu.memref_squeeze %dma_wait3A_72 : memref<1x2x128xi32, #tpu.memory_space<hbm>> -> memref<2x128xi32, #tpu.memory_space<hbm>>
    tpu.wait_dma2 semaphore(%dma_wait3A_65 : memref<!tpu.dma_semaphore, #tpu.memory_space<semaphore_mem>>) src(%dma_wait3A_73 : memref<2x128xi32, #tpu.memory_space<hbm>>) dst(%dma_wait3A_69 : memref<2x128xi32, #tpu.memory_space<vmem>>)
    %rem3A_74 = arith.constant 0 : i32
    %rem3A_75 = arith.constant 3 : i32
    %rem3A_76 = arith.remsi %rem3A_74, %rem3A_75 : i32
    %rem3A_77 = arith.constant 0 : i32
    %rem3A_78 = arith.constant 2 : i32
    %rem3A_79 = arith.remsi %rem3A_77, %rem3A_78 : i32
    %rem3A_80 = arith.constant 0 : i32
    %rem3A_81 = arith.constant 2 : i32
    %rem3A_82 = arith.remsi %rem3A_80, %rem3A_81 : i32
    %dma_start3A_83 = arith.constant 0 : i32
    %dma_start3A_84 = arith.constant 0 : i32
    %dma_start3A_85 = arith.constant 0 : i32
    %dma_start3A_86 = tpu.memref_slice %arg8[%rem3A_79, %dma_start3A_84, %dma_start3A_85] : memref<2x128x128xf32, #tpu.memory_space<vmem>> -> memref<1x128x128xf32, #tpu.memory_space<vmem>>
    %dma_start3A_87 = tpu.memref_squeeze %dma_start3A_86 : memref<1x128x128xf32, #tpu.memory_space<vmem>> -> memref<128x128xf32, #tpu.memory_space<vmem>>
    %dma_start3A_88 = arith.constant 0 : i32
    %dma_start3A_89 = tpu.memref_slice %arg7[%rem3A_76, %dma_start3A_83, %dma_start3A_88] : memref<3x2x128xi32, #tpu.memory_space<vmem>> -> memref<1x1x128xi32, #tpu.memory_space<vmem>>
    %dma_start3A_90 = tpu.memref_squeeze %dma_start3A_89 : memref<1x1x128xi32, #tpu.memory_space<vmem>> -> memref<128xi32, #tpu.memory_space<vmem>>
    %dma_start3A_91 = arith.constant 0 : i32
    %dma_start3A_92 = arith.constant 0 : i32
    %dma_start3A_93 = tpu.memref_slice %arg2[%dma_start3A_91, %dma_start3A_92] : memref<10000x128xf32, #tpu.memory_space<hbm>> -> memref<10000x128xf32, #tpu.memory_space<hbm>>
    %dma_start3A_94 = tpu.memref_slice %arg10[%rem3A_82] : memref<2x!tpu.dma_semaphore, #tpu.memory_space<semaphore_mem>> -> memref<1x!tpu.dma_semaphore, #tpu.memory_space<semaphore_mem>>
    %dma_start3A_95 = tpu.memref_squeeze %dma_start3A_94 : memref<1x!tpu.dma_semaphore, #tpu.memory_space<semaphore_mem>> -> memref<!tpu.dma_semaphore, #tpu.memory_space<semaphore_mem>>
    tpu.enqueue_indirect_dma source(%dma_start3A_93 : memref<10000x128xf32, #tpu.memory_space<hbm>>) target(%dma_start3A_87 : memref<128x128xf32, #tpu.memory_space<vmem>>) offsets(%dma_start3A_90 : memref<128xi32, #tpu.memory_space<vmem>>) semaphore(%dma_start3A_95 : memref<!tpu.dma_semaphore, #tpu.memory_space<semaphore_mem>>)
    %scan3A = arith.constant 0 : i32
    %scan3A_96 = arith.constant 0 : i32
    %scan3A_97 = arith.constant 152 : i32
    %scan3A_98 = arith.addi %scan3A_96, %scan3A_97 : i32
    %scan3A_99 = arith.constant 1 : i32
    scf.for %scan3A_102 = %scan3A_96 to %scan3A_98 step %scan3A_99  : i32 {
      %lt3A = arith.cmpi slt, %scan3A_102, %add3A_1 : i32
      %convert_element_type3A = arith.extui %lt3A : i1 to i32
      %cond3A = arith.constant 0 : i32
      %cond3A_103 = arith.cmpi ne, %convert_element_type3A, %cond3A : i32
      scf.if %cond3A_103 {
        %rem3A_120 = arith.constant 3 : i32
        %rem3A_121 = arith.remsi %scan3A_102, %rem3A_120 : i32
        %rem3A_122 = arith.constant 2 : i32
        %rem3A_123 = arith.remsi %scan3A_102, %rem3A_122 : i32
        %rem3A_124 = arith.constant 2 : i32
        %rem3A_125 = arith.remsi %scan3A_102, %rem3A_124 : i32
        %dma_wait3A_126 = arith.constant 0 : i32
        %dma_wait3A_127 = arith.constant 0 : i32
        %dma_wait3A_128 = arith.constant 0 : i32
        %dma_wait3A_129 = tpu.memref_slice %arg8[%rem3A_123, %dma_wait3A_127, %dma_wait3A_128] : memref<2x128x128xf32, #tpu.memory_space<vmem>> -> memref<1x128x128xf32, #tpu.memory_space<vmem>>
        %dma_wait3A_130 = tpu.memref_squeeze %dma_wait3A_129 : memref<1x128x128xf32, #tpu.memory_space<vmem>> -> memref<128x128xf32, #tpu.memory_space<vmem>>
        %dma_wait3A_131 = arith.constant 0 : i32
        %dma_wait3A_132 = tpu.memref_slice %arg7[%rem3A_121, %dma_wait3A_126, %dma_wait3A_131] : memref<3x2x128xi32, #tpu.memory_space<vmem>> -> memref<1x1x128xi32, #tpu.memory_space<vmem>>
        %dma_wait3A_133 = tpu.memref_squeeze %dma_wait3A_132 : memref<1x1x128xi32, #tpu.memory_space<vmem>> -> memref<128xi32, #tpu.memory_space<vmem>>
        %dma_wait3A_134 = arith.constant 0 : i32
        %dma_wait3A_135 = arith.constant 0 : i32
        %dma_wait3A_136 = tpu.memref_slice %arg2[%dma_wait3A_134, %dma_wait3A_135] : memref<10000x128xf32, #tpu.memory_space<hbm>> -> memref<10000x128xf32, #tpu.memory_space<hbm>>
        %dma_wait3A_137 = tpu.memref_slice %arg10[%rem3A_125] : memref<2x!tpu.dma_semaphore, #tpu.memory_space<semaphore_mem>> -> memref<1x!tpu.dma_semaphore, #tpu.memory_space<semaphore_mem>>
        %dma_wait3A_138 = tpu.memref_squeeze %dma_wait3A_137 : memref<1x!tpu.dma_semaphore, #tpu.memory_space<semaphore_mem>> -> memref<!tpu.dma_semaphore, #tpu.memory_space<semaphore_mem>>
        tpu.wait_indirect_dma semaphore(%dma_wait3A_138 : memref<!tpu.dma_semaphore, #tpu.memory_space<semaphore_mem>>) src(%dma_wait3A_136 : memref<10000x128xf32, #tpu.memory_space<hbm>>) dst(%dma_wait3A_130 : memref<128x128xf32, #tpu.memory_space<vmem>>)
      } else {
      }
      %add3A_104 = arith.constant 2 : i32
      %add3A_105 = arith.addi %scan3A_102, %add3A_104 : i32
      %lt3A_106 = arith.cmpi slt, %add3A_105, %add3A_1 : i32
      %convert_element_type3A_107 = arith.extui %lt3A_106 : i1 to i32
      %cond3A_108 = arith.constant 0 : i32
      %cond3A_109 = arith.cmpi ne, %convert_element_type3A_107, %cond3A_108 : i32
      scf.if %cond3A_109 {
        %add3A_120 = arith.constant 2 : i32
        %add3A_121 = arith.addi %scan3A_102, %add3A_120 : i32
        %rem3A_122 = arith.constant 3 : i32
        %rem3A_123 = arith.remsi %add3A_121, %rem3A_122 : i32
        %add3A_124 = arith.addi %add3A_5, %add3A_121 : i32
        %dma_start3A_125 = arith.constant 0 : i32
        %dma_start3A_126 = arith.constant 0 : i32
        %dma_start3A_127 = tpu.memref_slice %arg7[%rem3A_123, %dma_start3A_125, %dma_start3A_126] : memref<3x2x128xi32, #tpu.memory_space<vmem>> -> memref<1x2x128xi32, #tpu.memory_space<vmem>>
        %dma_start3A_128 = tpu.memref_squeeze %dma_start3A_127 : memref<1x2x128xi32, #tpu.memory_space<vmem>> -> memref<2x128xi32, #tpu.memory_space<vmem>>
        %dma_start3A_129 = arith.constant 0 : i32
        %dma_start3A_130 = arith.constant 0 : i32
        %dma_start3A_131 = tpu.memref_slice %arg3[%add3A_124, %dma_start3A_129, %dma_start3A_130] : memref<2560x2x128xi32, #tpu.memory_space<hbm>> -> memref<1x2x128xi32, #tpu.memory_space<hbm>>
        %dma_start3A_132 = tpu.memref_squeeze %dma_start3A_131 : memref<1x2x128xi32, #tpu.memory_space<hbm>> -> memref<2x128xi32, #tpu.memory_space<hbm>>
        %dma_start3A_133 = tpu.memref_slice %arg9[%rem3A_123] : memref<3x!tpu.dma_semaphore, #tpu.memory_space<semaphore_mem>> -> memref<1x!tpu.dma_semaphore, #tpu.memory_space<semaphore_mem>>
        %dma_start3A_134 = tpu.memref_squeeze %dma_start3A_133 : memref<1x!tpu.dma_semaphore, #tpu.memory_space<semaphore_mem>> -> memref<!tpu.dma_semaphore, #tpu.memory_space<semaphore_mem>>
        %dma_start3A_135 = arith.constant 0 : i32
        %dma_start3A_136 = arith.constant 0 : i32
        %dma_start3A_137 = tpu.memref_slice %arg7[%rem3A_123, %dma_start3A_135, %dma_start3A_136] : memref<3x2x128xi32, #tpu.memory_space<vmem>> -> memref<1x2x128xi32, #tpu.memory_space<vmem>>
        %dma_start3A_138 = tpu.memref_squeeze %dma_start3A_137 : memref<1x2x128xi32, #tpu.memory_space<vmem>> -> memref<2x128xi32, #tpu.memory_space<vmem>>
        %dma_start3A_139 = arith.constant 0 : i32
        %dma_start3A_140 = arith.constant 0 : i32
        %dma_start3A_141 = tpu.memref_slice %arg3[%add3A_124, %dma_start3A_139, %dma_start3A_140] : memref<2560x2x128xi32, #tpu.memory_space<hbm>> -> memref<1x2x128xi32, #tpu.memory_space<hbm>>
        %dma_start3A_142 = tpu.memref_squeeze %dma_start3A_141 : memref<1x2x128xi32, #tpu.memory_space<hbm>> -> memref<2x128xi32, #tpu.memory_space<hbm>>
        tpu.enqueue_dma source(%dma_start3A_142 : memref<2x128xi32, #tpu.memory_space<hbm>>) target(%dma_start3A_138 : memref<2x128xi32, #tpu.memory_space<vmem>>) target_semaphore(%dma_start3A_134 : memref<!tpu.dma_semaphore, #tpu.memory_space<semaphore_mem>>)
      } else {
      }
      %add3A_110 = arith.constant 1 : i32
      %add3A_111 = arith.addi %scan3A_102, %add3A_110 : i32
      %lt3A_112 = arith.cmpi slt, %add3A_111, %add3A_1 : i32
      %convert_element_type3A_113 = arith.extui %lt3A_112 : i1 to i32
      %cond3A_114 = arith.constant 0 : i32
      %cond3A_115 = arith.cmpi ne, %convert_element_type3A_113, %cond3A_114 : i32
      scf.if %cond3A_115 {
        %add3A_120 = arith.constant 1 : i32
        %add3A_121 = arith.addi %scan3A_102, %add3A_120 : i32
        %rem3A_122 = arith.constant 3 : i32
        %rem3A_123 = arith.remsi %add3A_121, %rem3A_122 : i32
        %add3A_124 = arith.addi %add3A_5, %add3A_121 : i32
        %dma_wait3A_125 = arith.constant 0 : i32
        %dma_wait3A_126 = arith.constant 0 : i32
        %dma_wait3A_127 = tpu.memref_slice %arg7[%rem3A_123, %dma_wait3A_125, %dma_wait3A_126] : memref<3x2x128xi32, #tpu.memory_space<vmem>> -> memref<1x2x128xi32, #tpu.memory_space<vmem>>
        %dma_wait3A_128 = tpu.memref_squeeze %dma_wait3A_127 : memref<1x2x128xi32, #tpu.memory_space<vmem>> -> memref<2x128xi32, #tpu.memory_space<vmem>>
        %dma_wait3A_129 = arith.constant 0 : i32
        %dma_wait3A_130 = arith.constant 0 : i32
        %dma_wait3A_131 = tpu.memref_slice %arg3[%add3A_124, %dma_wait3A_129, %dma_wait3A_130] : memref<2560x2x128xi32, #tpu.memory_space<hbm>> -> memref<1x2x128xi32, #tpu.memory_space<hbm>>
        %dma_wait3A_132 = tpu.memref_squeeze %dma_wait3A_131 : memref<1x2x128xi32, #tpu.memory_space<hbm>> -> memref<2x128xi32, #tpu.memory_space<hbm>>
        %dma_wait3A_133 = tpu.memref_slice %arg9[%rem3A_123] : memref<3x!tpu.dma_semaphore, #tpu.memory_space<semaphore_mem>> -> memref<1x!tpu.dma_semaphore, #tpu.memory_space<semaphore_mem>>
        %dma_wait3A_134 = tpu.memref_squeeze %dma_wait3A_133 : memref<1x!tpu.dma_semaphore, #tpu.memory_space<semaphore_mem>> -> memref<!tpu.dma_semaphore, #tpu.memory_space<semaphore_mem>>
        %dma_wait3A_135 = arith.constant 0 : i32
        %dma_wait3A_136 = arith.constant 0 : i32
        %dma_wait3A_137 = tpu.memref_slice %arg7[%rem3A_123, %dma_wait3A_135, %dma_wait3A_136] : memref<3x2x128xi32, #tpu.memory_space<vmem>> -> memref<1x2x128xi32, #tpu.memory_space<vmem>>
        %dma_wait3A_138 = tpu.memref_squeeze %dma_wait3A_137 : memref<1x2x128xi32, #tpu.memory_space<vmem>> -> memref<2x128xi32, #tpu.memory_space<vmem>>
        %dma_wait3A_139 = arith.constant 0 : i32
        %dma_wait3A_140 = arith.constant 0 : i32
        %dma_wait3A_141 = tpu.memref_slice %arg3[%add3A_124, %dma_wait3A_139, %dma_wait3A_140] : memref<2560x2x128xi32, #tpu.memory_space<hbm>> -> memref<1x2x128xi32, #tpu.memory_space<hbm>>
        %dma_wait3A_142 = tpu.memref_squeeze %dma_wait3A_141 : memref<1x2x128xi32, #tpu.memory_space<hbm>> -> memref<2x128xi32, #tpu.memory_space<hbm>>
        tpu.wait_dma2 semaphore(%dma_wait3A_134 : memref<!tpu.dma_semaphore, #tpu.memory_space<semaphore_mem>>) src(%dma_wait3A_142 : memref<2x128xi32, #tpu.memory_space<hbm>>) dst(%dma_wait3A_138 : memref<2x128xi32, #tpu.memory_space<vmem>>)
        %add3A_143 = arith.constant 1 : i32
        %add3A_144 = arith.addi %scan3A_102, %add3A_143 : i32
        %rem3A_145 = arith.constant 3 : i32
        %rem3A_146 = arith.remsi %add3A_144, %rem3A_145 : i32
        %rem3A_147 = arith.constant 2 : i32
        %rem3A_148 = arith.remsi %add3A_144, %rem3A_147 : i32
        %rem3A_149 = arith.constant 2 : i32
        %rem3A_150 = arith.remsi %add3A_144, %rem3A_149 : i32
        %dma_start3A_151 = arith.constant 0 : i32
        %dma_start3A_152 = arith.constant 0 : i32
        %dma_start3A_153 = arith.constant 0 : i32
        %dma_start3A_154 = tpu.memref_slice %arg8[%rem3A_148, %dma_start3A_152, %dma_start3A_153] : memref<2x128x128xf32, #tpu.memory_space<vmem>> -> memref<1x128x128xf32, #tpu.memory_space<vmem>>
        %dma_start3A_155 = tpu.memref_squeeze %dma_start3A_154 : memref<1x128x128xf32, #tpu.memory_space<vmem>> -> memref<128x128xf32, #tpu.memory_space<vmem>>
        %dma_start3A_156 = arith.constant 0 : i32
        %dma_start3A_157 = tpu.memref_slice %arg7[%rem3A_146, %dma_start3A_151, %dma_start3A_156] : memref<3x2x128xi32, #tpu.memory_space<vmem>> -> memref<1x1x128xi32, #tpu.memory_space<vmem>>
        %dma_start3A_158 = tpu.memref_squeeze %dma_start3A_157 : memref<1x1x128xi32, #tpu.memory_space<vmem>> -> memref<128xi32, #tpu.memory_space<vmem>>
        %dma_start3A_159 = arith.constant 0 : i32
        %dma_start3A_160 = arith.constant 0 : i32
        %dma_start3A_161 = tpu.memref_slice %arg2[%dma_start3A_159, %dma_start3A_160] : memref<10000x128xf32, #tpu.memory_space<hbm>> -> memref<10000x128xf32, #tpu.memory_space<hbm>>
        %dma_start3A_162 = tpu.memref_slice %arg10[%rem3A_150] : memref<2x!tpu.dma_semaphore, #tpu.memory_space<semaphore_mem>> -> memref<1x!tpu.dma_semaphore, #tpu.memory_space<semaphore_mem>>
        %dma_start3A_163 = tpu.memref_squeeze %dma_start3A_162 : memref<1x!tpu.dma_semaphore, #tpu.memory_space<semaphore_mem>> -> memref<!tpu.dma_semaphore, #tpu.memory_space<semaphore_mem>>
        tpu.enqueue_indirect_dma source(%dma_start3A_161 : memref<10000x128xf32, #tpu.memory_space<hbm>>) target(%dma_start3A_155 : memref<128x128xf32, #tpu.memory_space<vmem>>) offsets(%dma_start3A_158 : memref<128xi32, #tpu.memory_space<vmem>>) semaphore(%dma_start3A_163 : memref<!tpu.dma_semaphore, #tpu.memory_space<semaphore_mem>>)
      } else {
      }
      %lt3A_116 = arith.cmpi slt, %scan3A_102, %add3A_1 : i32
      %convert_element_type3A_117 = arith.extui %lt3A_116 : i1 to i32
      %cond3A_118 = arith.constant 0 : i32
      %cond3A_119 = arith.cmpi ne, %convert_element_type3A_117, %cond3A_118 : i32
      scf.if %cond3A_119 {
        %rem3A_120 = arith.constant 2 : i32
        %rem3A_121 = arith.remsi %scan3A_102, %rem3A_120 : i32
        %rem3A_122 = arith.constant 3 : i32
        %rem3A_123 = arith.remsi %scan3A_102, %rem3A_122 : i32
        %run_scoped3A = arith.constant 1 : i32
        "tpu.region"() ({
          %run_scoped3A_124 = tpu.sem_alloc : memref<!tpu.dma_semaphore, #tpu.memory_space<semaphore_mem>>
          %dma_start3A_125 = arith.constant 0 : i32
          %dma_start3A_126 = arith.constant 0 : i32
          %dma_start3A_127 = tpu.memref_slice %arg8[%rem3A_121, %dma_start3A_125, %dma_start3A_126] : memref<2x128x128xf32, #tpu.memory_space<vmem>> -> memref<1x128x128xf32, #tpu.memory_space<vmem>>
          %dma_start3A_128 = tpu.memref_squeeze %dma_start3A_127 : memref<1x128x128xf32, #tpu.memory_space<vmem>> -> memref<128x128xf32, #tpu.memory_space<vmem>>
          %dma_start3A_129 = arith.constant 0 : i32
          %dma_start3A_130 = tpu.memref_slice %arg7[%rem3A_123, %run_scoped3A, %dma_start3A_129] : memref<3x2x128xi32, #tpu.memory_space<vmem>> -> memref<1x1x128xi32, #tpu.memory_space<vmem>>
          %dma_start3A_131 = tpu.memref_squeeze %dma_start3A_130 : memref<1x1x128xi32, #tpu.memory_space<vmem>> -> memref<128xi32, #tpu.memory_space<vmem>>
          %dma_start3A_132 = arith.constant 0 : i32
          %dma_start3A_133 = arith.constant 0 : i32
          %dma_start3A_134 = tpu.memref_slice %arg6[%dma_start3A_132, %dma_start3A_133] : memref<10112x128xf32, #tpu.memory_space<vmem_shared>> -> memref<10112x128xf32, #tpu.memory_space<vmem_shared>>
          tpu.enqueue_indirect_dma source(%dma_start3A_128 : memref<128x128xf32, #tpu.memory_space<vmem>>) target(%dma_start3A_134 : memref<10112x128xf32, #tpu.memory_space<vmem_shared>>) offsets(%dma_start3A_131 : memref<128xi32, #tpu.memory_space<vmem>>) semaphore(%run_scoped3A_124 : memref<!tpu.dma_semaphore, #tpu.memory_space<semaphore_mem>>) {add = true}
          %dma_wait3A_135 = arith.constant 0 : i32
          %dma_wait3A_136 = arith.constant 0 : i32
          %dma_wait3A_137 = tpu.memref_slice %arg8[%rem3A_121, %dma_wait3A_135, %dma_wait3A_136] : memref<2x128x128xf32, #tpu.memory_space<vmem>> -> memref<1x128x128xf32, #tpu.memory_space<vmem>>
          %dma_wait3A_138 = tpu.memref_squeeze %dma_wait3A_137 : memref<1x128x128xf32, #tpu.memory_space<vmem>> -> memref<128x128xf32, #tpu.memory_space<vmem>>
          %dma_wait3A_139 = arith.constant 0 : i32
          %dma_wait3A_140 = tpu.memref_slice %arg7[%rem3A_123, %run_scoped3A, %dma_wait3A_139] : memref<3x2x128xi32, #tpu.memory_space<vmem>> -> memref<1x1x128xi32, #tpu.memory_space<vmem>>
          %dma_wait3A_141 = tpu.memref_squeeze %dma_wait3A_140 : memref<1x1x128xi32, #tpu.memory_space<vmem>> -> memref<128xi32, #tpu.memory_space<vmem>>
          %dma_wait3A_142 = arith.constant 0 : i32
          %dma_wait3A_143 = arith.constant 0 : i32
          %dma_wait3A_144 = tpu.memref_slice %arg6[%dma_wait3A_142, %dma_wait3A_143] : memref<10112x128xf32, #tpu.memory_space<vmem_shared>> -> memref<10112x128xf32, #tpu.memory_space<vmem_shared>>
          tpu.wait_indirect_dma semaphore(%run_scoped3A_124 : memref<!tpu.dma_semaphore, #tpu.memory_space<semaphore_mem>>) src(%dma_wait3A_138 : memref<128x128xf32, #tpu.memory_space<vmem>>) dst(%dma_wait3A_144 : memref<10112x128xf32, #tpu.memory_space<vmem_shared>>)
          tpu.yield
        }) : () -> ()
      } else {
      }
    }
    %scan3A_100 = arith.constant 152 : i32
    %barrier3A_101 = arith.constant 0 : index
    tpu.barrier barrier_id(%barrier3A_101)
    "tpu.region"() ({
      %run_scoped3A = tpu.sem_alloc : memref<!tpu.dma_semaphore, #tpu.memory_space<semaphore_mem>>
      %dma_start3A_102 = arith.constant 0 : i32
      %dma_start3A_103 = tpu.memref_slice %arg5[%arg0, %multiple_of3A, %dma_start3A_102] : memref<2x10112x128xf32, #tpu.memory_space<hbm>> -> memref<1x632x128xf32, #tpu.memory_space<hbm>>
      %dma_start3A_104 = tpu.memref_squeeze %dma_start3A_103 : memref<1x632x128xf32, #tpu.memory_space<hbm>> -> memref<632x128xf32, #tpu.memory_space<hbm>>
      %dma_start3A_105 = arith.constant 0 : i32
      %dma_start3A_106 = tpu.memref_slice %arg6[%multiple_of3A, %dma_start3A_105] : memref<10112x128xf32, #tpu.memory_space<vmem_shared>> -> memref<632x128xf32, #tpu.memory_space<vmem_shared>>
      tpu.enqueue_dma source(%dma_start3A_106 : memref<632x128xf32, #tpu.memory_space<vmem_shared>>) target(%dma_start3A_104 : memref<632x128xf32, #tpu.memory_space<hbm>>) target_semaphore(%run_scoped3A : memref<!tpu.dma_semaphore, #tpu.memory_space<semaphore_mem>>)
      %dma_wait3A_107 = arith.constant 0 : i32
      %dma_wait3A_108 = tpu.memref_slice %arg5[%arg0, %multiple_of3A, %dma_wait3A_107] : memref<2x10112x128xf32, #tpu.memory_space<hbm>> -> memref<1x632x128xf32, #tpu.memory_space<hbm>>
      %dma_wait3A_109 = tpu.memref_squeeze %dma_wait3A_108 : memref<1x632x128xf32, #tpu.memory_space<hbm>> -> memref<632x128xf32, #tpu.memory_space<hbm>>
      %dma_wait3A_110 = arith.constant 0 : i32
      %dma_wait3A_111 = tpu.memref_slice %arg6[%multiple_of3A, %dma_wait3A_110] : memref<10112x128xf32, #tpu.memory_space<vmem_shared>> -> memref<632x128xf32, #tpu.memory_space<vmem_shared>>
      tpu.wait_dma2 semaphore(%run_scoped3A : memref<!tpu.dma_semaphore, #tpu.memory_space<semaphore_mem>>) src(%dma_wait3A_111 : memref<632x128xf32, #tpu.memory_space<vmem_shared>>) dst(%dma_wait3A_109 : memref<632x128xf32, #tpu.memory_space<hbm>>)
      tpu.yield
    }) : () -> ()
    return
  }
}

#map = affine_map<(d0, d1) -> (0, 0)>
#map1 = affine_map<(d0, d1) -> (0, 0, 0)>
module attributes {stable_mosaic.version = 14 : i64} {
  func.func @_adj_body(%arg0: i32, %arg1: i32, %arg2: memref<10000x128xf32, #tpu.memory_space<hbm>>, %arg3: memref<2560x2x128xi32, #tpu.memory_space<hbm>>, %arg4: memref<10112x128xf32, #tpu.memory_space<hbm>>, %arg5: memref<2x10112x128xf32, #tpu.memory_space<hbm>>, %arg6: memref<10112x128xf32, #tpu.memory_space<vmem_shared>>, %arg7: memref<3x2x128xi32, #tpu.memory_space<vmem>>, %arg8: memref<2x128x128xf32, #tpu.memory_space<vmem>>, %arg9: memref<3x!tpu.dma_semaphore, #tpu.memory_space<semaphore_mem>>, %arg10: memref<2x!tpu.dma_semaphore, #tpu.memory_space<semaphore_mem>>) attributes {dimension_semantics = [#tpu.dimension_semantics<core_parallel>, #tpu.dimension_semantics<subcore_parallel>], iteration_bounds = array<i64: 2, 16>, scalar_prefetch = 0 : i64, scratch_operands = 5 : i64, tpu.core_type = #tpu.core_type<sc_vector_subcore>, window_params = [{transform_indices = #map}, {transform_indices = #map1}, {transform_indices = #map}, {transform_indices = #map1}]} {
    %mul3A = arith.constant -144 : i32
    %mul3A_0 = arith.muli %arg0, %mul3A : i32
    %add3A = arith.constant 152 : i32
    %add3A_1 = arith.addi %add3A, %mul3A_0 : i32
    %mul3A_2 = arith.constant 2432 : i32
    %mul3A_3 = arith.muli %arg0, %mul3A_2 : i32
    %mul3A_4 = arith.muli %arg1, %add3A_1 : i32
    %add3A_5 = arith.addi %mul3A_3, %mul3A_4 : i32
    %mul3A_6 = arith.constant 632 : i32
    %mul3A_7 = arith.muli %arg1, %mul3A_6 : i32
    %multiple_of3A = tpu.assume_multiple %mul3A_7, 8 : i32
    "tpu.region"() ({
      %run_scoped3A = tpu.sem_alloc : memref<!tpu.dma_semaphore, #tpu.memory_space<semaphore_mem>>
      %dma_start3A_102 = arith.constant 0 : i32
      %dma_start3A_103 = tpu.memref_slice %arg6[%multiple_of3A, %dma_start3A_102] : memref<10112x128xf32, #tpu.memory_space<vmem_shared>> -> memref<632x128xf32, #tpu.memory_space<vmem_shared>>
      %dma_start3A_104 = arith.constant 0 : i32
      %dma_start3A_105 = tpu.memref_slice %arg4[%multiple_of3A, %dma_start3A_104] : memref<10112x128xf32, #tpu.memory_space<hbm>> -> memref<632x128xf32, #tpu.memory_space<hbm>>
      tpu.enqueue_dma source(%dma_start3A_105 : memref<632x128xf32, #tpu.memory_space<hbm>>) target(%dma_start3A_103 : memref<632x128xf32, #tpu.memory_space<vmem_shared>>) target_semaphore(%run_scoped3A : memref<!tpu.dma_semaphore, #tpu.memory_space<semaphore_mem>>)
      %dma_wait3A_106 = arith.constant 0 : i32
      %dma_wait3A_107 = tpu.memref_slice %arg6[%multiple_of3A, %dma_wait3A_106] : memref<10112x128xf32, #tpu.memory_space<vmem_shared>> -> memref<632x128xf32, #tpu.memory_space<vmem_shared>>
      %dma_wait3A_108 = arith.constant 0 : i32
      %dma_wait3A_109 = tpu.memref_slice %arg4[%multiple_of3A, %dma_wait3A_108] : memref<10112x128xf32, #tpu.memory_space<hbm>> -> memref<632x128xf32, #tpu.memory_space<hbm>>
      tpu.wait_dma2 semaphore(%run_scoped3A : memref<!tpu.dma_semaphore, #tpu.memory_space<semaphore_mem>>) src(%dma_wait3A_109 : memref<632x128xf32, #tpu.memory_space<hbm>>) dst(%dma_wait3A_107 : memref<632x128xf32, #tpu.memory_space<vmem_shared>>)
      tpu.yield
    }) : () -> ()
    %barrier3A = arith.constant 0 : index
    tpu.barrier barrier_id(%barrier3A)
    %rem3A = arith.constant 0 : i32
    %rem3A_8 = arith.constant 3 : i32
    %rem3A_9 = arith.remsi %rem3A, %rem3A_8 : i32
    %add3A_10 = arith.constant 0 : i32
    %add3A_11 = arith.addi %add3A_5, %add3A_10 : i32
    %dma_start3A = arith.constant 0 : i32
    %dma_start3A_12 = arith.constant 0 : i32
    %dma_start3A_13 = tpu.memref_slice %arg7[%rem3A_9, %dma_start3A, %dma_start3A_12] : memref<3x2x128xi32, #tpu.memory_space<vmem>> -> memref<1x2x128xi32, #tpu.memory_space<vmem>>
    %dma_start3A_14 = tpu.memref_squeeze %dma_start3A_13 : memref<1x2x128xi32, #tpu.memory_space<vmem>> -> memref<2x128xi32, #tpu.memory_space<vmem>>
    %dma_start3A_15 = arith.constant 0 : i32
    %dma_start3A_16 = arith.constant 0 : i32
    %dma_start3A_17 = tpu.memref_slice %arg3[%add3A_11, %dma_start3A_15, %dma_start3A_16] : memref<2560x2x128xi32, #tpu.memory_space<hbm>> -> memref<1x2x128xi32, #tpu.memory_space<hbm>>
    %dma_start3A_18 = tpu.memref_squeeze %dma_start3A_17 : memref<1x2x128xi32, #tpu.memory_space<hbm>> -> memref<2x128xi32, #tpu.memory_space<hbm>>
    %dma_start3A_19 = tpu.memref_slice %arg9[%rem3A_9] : memref<3x!tpu.dma_semaphore, #tpu.memory_space<semaphore_mem>> -> memref<1x!tpu.dma_semaphore, #tpu.memory_space<semaphore_mem>>
    %dma_start3A_20 = tpu.memref_squeeze %dma_start3A_19 : memref<1x!tpu.dma_semaphore, #tpu.memory_space<semaphore_mem>> -> memref<!tpu.dma_semaphore, #tpu.memory_space<semaphore_mem>>
    %dma_start3A_21 = arith.constant 0 : i32
    %dma_start3A_22 = arith.constant 0 : i32
    %dma_start3A_23 = tpu.memref_slice %arg7[%rem3A_9, %dma_start3A_21, %dma_start3A_22] : memref<3x2x128xi32, #tpu.memory_space<vmem>> -> memref<1x2x128xi32, #tpu.memory_space<vmem>>
    %dma_start3A_24 = tpu.memref_squeeze %dma_start3A_23 : memref<1x2x128xi32, #tpu.memory_space<vmem>> -> memref<2x128xi32, #tpu.memory_space<vmem>>
    %dma_start3A_25 = arith.constant 0 : i32
    %dma_start3A_26 = arith.constant 0 : i32
    %dma_start3A_27 = tpu.memref_slice %arg3[%add3A_11, %dma_start3A_25, %dma_start3A_26] : memref<2560x2x128xi32, #tpu.memory_space<hbm>> -> memref<1x2x128xi32, #tpu.memory_space<hbm>>
    %dma_start3A_28 = tpu.memref_squeeze %dma_start3A_27 : memref<1x2x128xi32, #tpu.memory_space<hbm>> -> memref<2x128xi32, #tpu.memory_space<hbm>>
    tpu.enqueue_dma source(%dma_start3A_28 : memref<2x128xi32, #tpu.memory_space<hbm>>) target(%dma_start3A_24 : memref<2x128xi32, #tpu.memory_space<vmem>>) target_semaphore(%dma_start3A_20 : memref<!tpu.dma_semaphore, #tpu.memory_space<semaphore_mem>>)
    %rem3A_29 = arith.constant 1 : i32
    %rem3A_30 = arith.constant 3 : i32
    %rem3A_31 = arith.remsi %rem3A_29, %rem3A_30 : i32
    %add3A_32 = arith.constant 1 : i32
    %add3A_33 = arith.addi %add3A_5, %add3A_32 : i32
    %dma_start3A_34 = arith.constant 0 : i32
    %dma_start3A_35 = arith.constant 0 : i32
    %dma_start3A_36 = tpu.memref_slice %arg7[%rem3A_31, %dma_start3A_34, %dma_start3A_35] : memref<3x2x128xi32, #tpu.memory_space<vmem>> -> memref<1x2x128xi32, #tpu.memory_space<vmem>>
    %dma_start3A_37 = tpu.memref_squeeze %dma_start3A_36 : memref<1x2x128xi32, #tpu.memory_space<vmem>> -> memref<2x128xi32, #tpu.memory_space<vmem>>
    %dma_start3A_38 = arith.constant 0 : i32
    %dma_start3A_39 = arith.constant 0 : i32
    %dma_start3A_40 = tpu.memref_slice %arg3[%add3A_33, %dma_start3A_38, %dma_start3A_39] : memref<2560x2x128xi32, #tpu.memory_space<hbm>> -> memref<1x2x128xi32, #tpu.memory_space<hbm>>
    %dma_start3A_41 = tpu.memref_squeeze %dma_start3A_40 : memref<1x2x128xi32, #tpu.memory_space<hbm>> -> memref<2x128xi32, #tpu.memory_space<hbm>>
    %dma_start3A_42 = tpu.memref_slice %arg9[%rem3A_31] : memref<3x!tpu.dma_semaphore, #tpu.memory_space<semaphore_mem>> -> memref<1x!tpu.dma_semaphore, #tpu.memory_space<semaphore_mem>>
    %dma_start3A_43 = tpu.memref_squeeze %dma_start3A_42 : memref<1x!tpu.dma_semaphore, #tpu.memory_space<semaphore_mem>> -> memref<!tpu.dma_semaphore, #tpu.memory_space<semaphore_mem>>
    %dma_start3A_44 = arith.constant 0 : i32
    %dma_start3A_45 = arith.constant 0 : i32
    %dma_start3A_46 = tpu.memref_slice %arg7[%rem3A_31, %dma_start3A_44, %dma_start3A_45] : memref<3x2x128xi32, #tpu.memory_space<vmem>> -> memref<1x2x128xi32, #tpu.memory_space<vmem>>
    %dma_start3A_47 = tpu.memref_squeeze %dma_start3A_46 : memref<1x2x128xi32, #tpu.memory_space<vmem>> -> memref<2x128xi32, #tpu.memory_space<vmem>>
    %dma_start3A_48 = arith.constant 0 : i32
    %dma_start3A_49 = arith.constant 0 : i32
    %dma_start3A_50 = tpu.memref_slice %arg3[%add3A_33, %dma_start3A_48, %dma_start3A_49] : memref<2560x2x128xi32, #tpu.memory_space<hbm>> -> memref<1x2x128xi32, #tpu.memory_space<hbm>>
    %dma_start3A_51 = tpu.memref_squeeze %dma_start3A_50 : memref<1x2x128xi32, #tpu.memory_space<hbm>> -> memref<2x128xi32, #tpu.memory_space<hbm>>
    tpu.enqueue_dma source(%dma_start3A_51 : memref<2x128xi32, #tpu.memory_space<hbm>>) target(%dma_start3A_47 : memref<2x128xi32, #tpu.memory_space<vmem>>) target_semaphore(%dma_start3A_43 : memref<!tpu.dma_semaphore, #tpu.memory_space<semaphore_mem>>)
    %rem3A_52 = arith.constant 0 : i32
    %rem3A_53 = arith.constant 3 : i32
    %rem3A_54 = arith.remsi %rem3A_52, %rem3A_53 : i32
    %add3A_55 = arith.constant 0 : i32
    %add3A_56 = arith.addi %add3A_5, %add3A_55 : i32
    %dma_wait3A = arith.constant 0 : i32
    %dma_wait3A_57 = arith.constant 0 : i32
    %dma_wait3A_58 = tpu.memref_slice %arg7[%rem3A_54, %dma_wait3A, %dma_wait3A_57] : memref<3x2x128xi32, #tpu.memory_space<vmem>> -> memref<1x2x128xi32, #tpu.memory_space<vmem>>
    %dma_wait3A_59 = tpu.memref_squeeze %dma_wait3A_58 : memref<1x2x128xi32, #tpu.memory_space<vmem>> -> memref<2x128xi32, #tpu.memory_space<vmem>>
    %dma_wait3A_60 = arith.constant 0 : i32
    %dma_wait3A_61 = arith.constant 0 : i32
    %dma_wait3A_62 = tpu.memref_slice %arg3[%add3A_56, %dma_wait3A_60, %dma_wait3A_61] : memref<2560x2x128xi32, #tpu.memory_space<hbm>> -> memref<1x2x128xi32, #tpu.memory_space<hbm>>
    %dma_wait3A_63 = tpu.memref_squeeze %dma_wait3A_62 : memref<1x2x128xi32, #tpu.memory_space<hbm>> -> memref<2x128xi32, #tpu.memory_space<hbm>>
    %dma_wait3A_64 = tpu.memref_slice %arg9[%rem3A_54] : memref<3x!tpu.dma_semaphore, #tpu.memory_space<semaphore_mem>> -> memref<1x!tpu.dma_semaphore, #tpu.memory_space<semaphore_mem>>
    %dma_wait3A_65 = tpu.memref_squeeze %dma_wait3A_64 : memref<1x!tpu.dma_semaphore, #tpu.memory_space<semaphore_mem>> -> memref<!tpu.dma_semaphore, #tpu.memory_space<semaphore_mem>>
    %dma_wait3A_66 = arith.constant 0 : i32
    %dma_wait3A_67 = arith.constant 0 : i32
    %dma_wait3A_68 = tpu.memref_slice %arg7[%rem3A_54, %dma_wait3A_66, %dma_wait3A_67] : memref<3x2x128xi32, #tpu.memory_space<vmem>> -> memref<1x2x128xi32, #tpu.memory_space<vmem>>
    %dma_wait3A_69 = tpu.memref_squeeze %dma_wait3A_68 : memref<1x2x128xi32, #tpu.memory_space<vmem>> -> memref<2x128xi32, #tpu.memory_space<vmem>>
    %dma_wait3A_70 = arith.constant 0 : i32
    %dma_wait3A_71 = arith.constant 0 : i32
    %dma_wait3A_72 = tpu.memref_slice %arg3[%add3A_56, %dma_wait3A_70, %dma_wait3A_71] : memref<2560x2x128xi32, #tpu.memory_space<hbm>> -> memref<1x2x128xi32, #tpu.memory_space<hbm>>
    %dma_wait3A_73 = tpu.memref_squeeze %dma_wait3A_72 : memref<1x2x128xi32, #tpu.memory_space<hbm>> -> memref<2x128xi32, #tpu.memory_space<hbm>>
    tpu.wait_dma2 semaphore(%dma_wait3A_65 : memref<!tpu.dma_semaphore, #tpu.memory_space<semaphore_mem>>) src(%dma_wait3A_73 : memref<2x128xi32, #tpu.memory_space<hbm>>) dst(%dma_wait3A_69 : memref<2x128xi32, #tpu.memory_space<vmem>>)
    %rem3A_74 = arith.constant 0 : i32
    %rem3A_75 = arith.constant 3 : i32
    %rem3A_76 = arith.remsi %rem3A_74, %rem3A_75 : i32
    %rem3A_77 = arith.constant 0 : i32
    %rem3A_78 = arith.constant 2 : i32
    %rem3A_79 = arith.remsi %rem3A_77, %rem3A_78 : i32
    %rem3A_80 = arith.constant 0 : i32
    %rem3A_81 = arith.constant 2 : i32
    %rem3A_82 = arith.remsi %rem3A_80, %rem3A_81 : i32
    %dma_start3A_83 = arith.constant 0 : i32
    %dma_start3A_84 = arith.constant 0 : i32
    %dma_start3A_85 = arith.constant 0 : i32
    %dma_start3A_86 = tpu.memref_slice %arg8[%rem3A_79, %dma_start3A_84, %dma_start3A_85] : memref<2x128x128xf32, #tpu.memory_space<vmem>> -> memref<1x128x128xf32, #tpu.memory_space<vmem>>
    %dma_start3A_87 = tpu.memref_squeeze %dma_start3A_86 : memref<1x128x128xf32, #tpu.memory_space<vmem>> -> memref<128x128xf32, #tpu.memory_space<vmem>>
    %dma_start3A_88 = arith.constant 0 : i32
    %dma_start3A_89 = tpu.memref_slice %arg7[%rem3A_76, %dma_start3A_83, %dma_start3A_88] : memref<3x2x128xi32, #tpu.memory_space<vmem>> -> memref<1x1x128xi32, #tpu.memory_space<vmem>>
    %dma_start3A_90 = tpu.memref_squeeze %dma_start3A_89 : memref<1x1x128xi32, #tpu.memory_space<vmem>> -> memref<128xi32, #tpu.memory_space<vmem>>
    %dma_start3A_91 = arith.constant 0 : i32
    %dma_start3A_92 = arith.constant 0 : i32
    %dma_start3A_93 = tpu.memref_slice %arg2[%dma_start3A_91, %dma_start3A_92] : memref<10000x128xf32, #tpu.memory_space<hbm>> -> memref<10000x128xf32, #tpu.memory_space<hbm>>
    %dma_start3A_94 = tpu.memref_slice %arg10[%rem3A_82] : memref<2x!tpu.dma_semaphore, #tpu.memory_space<semaphore_mem>> -> memref<1x!tpu.dma_semaphore, #tpu.memory_space<semaphore_mem>>
    %dma_start3A_95 = tpu.memref_squeeze %dma_start3A_94 : memref<1x!tpu.dma_semaphore, #tpu.memory_space<semaphore_mem>> -> memref<!tpu.dma_semaphore, #tpu.memory_space<semaphore_mem>>
    tpu.enqueue_indirect_dma source(%dma_start3A_93 : memref<10000x128xf32, #tpu.memory_space<hbm>>) target(%dma_start3A_87 : memref<128x128xf32, #tpu.memory_space<vmem>>) offsets(%dma_start3A_90 : memref<128xi32, #tpu.memory_space<vmem>>) semaphore(%dma_start3A_95 : memref<!tpu.dma_semaphore, #tpu.memory_space<semaphore_mem>>)
    %scan3A = arith.constant 0 : i32
    %scan3A_96 = arith.constant 0 : i32
    %scan3A_97 = arith.constant 152 : i32
    %scan3A_98 = arith.addi %scan3A_96, %scan3A_97 : i32
    %scan3A_99 = arith.constant 1 : i32
    scf.for %scan3A_102 = %scan3A_96 to %scan3A_98 step %scan3A_99  : i32 {
      %lt3A = arith.cmpi slt, %scan3A_102, %add3A_1 : i32
      %convert_element_type3A = arith.extui %lt3A : i1 to i32
      %cond3A = arith.constant 0 : i32
      %cond3A_103 = arith.cmpi ne, %convert_element_type3A, %cond3A : i32
      scf.if %cond3A_103 {
        %rem3A_120 = arith.constant 3 : i32
        %rem3A_121 = arith.remsi %scan3A_102, %rem3A_120 : i32
        %rem3A_122 = arith.constant 2 : i32
        %rem3A_123 = arith.remsi %scan3A_102, %rem3A_122 : i32
        %rem3A_124 = arith.constant 2 : i32
        %rem3A_125 = arith.remsi %scan3A_102, %rem3A_124 : i32
        %dma_wait3A_126 = arith.constant 0 : i32
        %dma_wait3A_127 = arith.constant 0 : i32
        %dma_wait3A_128 = arith.constant 0 : i32
        %dma_wait3A_129 = tpu.memref_slice %arg8[%rem3A_123, %dma_wait3A_127, %dma_wait3A_128] : memref<2x128x128xf32, #tpu.memory_space<vmem>> -> memref<1x128x128xf32, #tpu.memory_space<vmem>>
        %dma_wait3A_130 = tpu.memref_squeeze %dma_wait3A_129 : memref<1x128x128xf32, #tpu.memory_space<vmem>> -> memref<128x128xf32, #tpu.memory_space<vmem>>
        %dma_wait3A_131 = arith.constant 0 : i32
        %dma_wait3A_132 = tpu.memref_slice %arg7[%rem3A_121, %dma_wait3A_126, %dma_wait3A_131] : memref<3x2x128xi32, #tpu.memory_space<vmem>> -> memref<1x1x128xi32, #tpu.memory_space<vmem>>
        %dma_wait3A_133 = tpu.memref_squeeze %dma_wait3A_132 : memref<1x1x128xi32, #tpu.memory_space<vmem>> -> memref<128xi32, #tpu.memory_space<vmem>>
        %dma_wait3A_134 = arith.constant 0 : i32
        %dma_wait3A_135 = arith.constant 0 : i32
        %dma_wait3A_136 = tpu.memref_slice %arg2[%dma_wait3A_134, %dma_wait3A_135] : memref<10000x128xf32, #tpu.memory_space<hbm>> -> memref<10000x128xf32, #tpu.memory_space<hbm>>
        %dma_wait3A_137 = tpu.memref_slice %arg10[%rem3A_125] : memref<2x!tpu.dma_semaphore, #tpu.memory_space<semaphore_mem>> -> memref<1x!tpu.dma_semaphore, #tpu.memory_space<semaphore_mem>>
        %dma_wait3A_138 = tpu.memref_squeeze %dma_wait3A_137 : memref<1x!tpu.dma_semaphore, #tpu.memory_space<semaphore_mem>> -> memref<!tpu.dma_semaphore, #tpu.memory_space<semaphore_mem>>
        tpu.wait_indirect_dma semaphore(%dma_wait3A_138 : memref<!tpu.dma_semaphore, #tpu.memory_space<semaphore_mem>>) src(%dma_wait3A_136 : memref<10000x128xf32, #tpu.memory_space<hbm>>) dst(%dma_wait3A_130 : memref<128x128xf32, #tpu.memory_space<vmem>>)
      } else {
      }
      %add3A_104 = arith.constant 2 : i32
      %add3A_105 = arith.addi %scan3A_102, %add3A_104 : i32
      %lt3A_106 = arith.cmpi slt, %add3A_105, %add3A_1 : i32
      %convert_element_type3A_107 = arith.extui %lt3A_106 : i1 to i32
      %cond3A_108 = arith.constant 0 : i32
      %cond3A_109 = arith.cmpi ne, %convert_element_type3A_107, %cond3A_108 : i32
      scf.if %cond3A_109 {
        %add3A_120 = arith.constant 2 : i32
        %add3A_121 = arith.addi %scan3A_102, %add3A_120 : i32
        %rem3A_122 = arith.constant 3 : i32
        %rem3A_123 = arith.remsi %add3A_121, %rem3A_122 : i32
        %add3A_124 = arith.addi %add3A_5, %add3A_121 : i32
        %dma_start3A_125 = arith.constant 0 : i32
        %dma_start3A_126 = arith.constant 0 : i32
        %dma_start3A_127 = tpu.memref_slice %arg7[%rem3A_123, %dma_start3A_125, %dma_start3A_126] : memref<3x2x128xi32, #tpu.memory_space<vmem>> -> memref<1x2x128xi32, #tpu.memory_space<vmem>>
        %dma_start3A_128 = tpu.memref_squeeze %dma_start3A_127 : memref<1x2x128xi32, #tpu.memory_space<vmem>> -> memref<2x128xi32, #tpu.memory_space<vmem>>
        %dma_start3A_129 = arith.constant 0 : i32
        %dma_start3A_130 = arith.constant 0 : i32
        %dma_start3A_131 = tpu.memref_slice %arg3[%add3A_124, %dma_start3A_129, %dma_start3A_130] : memref<2560x2x128xi32, #tpu.memory_space<hbm>> -> memref<1x2x128xi32, #tpu.memory_space<hbm>>
        %dma_start3A_132 = tpu.memref_squeeze %dma_start3A_131 : memref<1x2x128xi32, #tpu.memory_space<hbm>> -> memref<2x128xi32, #tpu.memory_space<hbm>>
        %dma_start3A_133 = tpu.memref_slice %arg9[%rem3A_123] : memref<3x!tpu.dma_semaphore, #tpu.memory_space<semaphore_mem>> -> memref<1x!tpu.dma_semaphore, #tpu.memory_space<semaphore_mem>>
        %dma_start3A_134 = tpu.memref_squeeze %dma_start3A_133 : memref<1x!tpu.dma_semaphore, #tpu.memory_space<semaphore_mem>> -> memref<!tpu.dma_semaphore, #tpu.memory_space<semaphore_mem>>
        %dma_start3A_135 = arith.constant 0 : i32
        %dma_start3A_136 = arith.constant 0 : i32
        %dma_start3A_137 = tpu.memref_slice %arg7[%rem3A_123, %dma_start3A_135, %dma_start3A_136] : memref<3x2x128xi32, #tpu.memory_space<vmem>> -> memref<1x2x128xi32, #tpu.memory_space<vmem>>
        %dma_start3A_138 = tpu.memref_squeeze %dma_start3A_137 : memref<1x2x128xi32, #tpu.memory_space<vmem>> -> memref<2x128xi32, #tpu.memory_space<vmem>>
        %dma_start3A_139 = arith.constant 0 : i32
        %dma_start3A_140 = arith.constant 0 : i32
        %dma_start3A_141 = tpu.memref_slice %arg3[%add3A_124, %dma_start3A_139, %dma_start3A_140] : memref<2560x2x128xi32, #tpu.memory_space<hbm>> -> memref<1x2x128xi32, #tpu.memory_space<hbm>>
        %dma_start3A_142 = tpu.memref_squeeze %dma_start3A_141 : memref<1x2x128xi32, #tpu.memory_space<hbm>> -> memref<2x128xi32, #tpu.memory_space<hbm>>
        tpu.enqueue_dma source(%dma_start3A_142 : memref<2x128xi32, #tpu.memory_space<hbm>>) target(%dma_start3A_138 : memref<2x128xi32, #tpu.memory_space<vmem>>) target_semaphore(%dma_start3A_134 : memref<!tpu.dma_semaphore, #tpu.memory_space<semaphore_mem>>)
      } else {
      }
      %add3A_110 = arith.constant 1 : i32
      %add3A_111 = arith.addi %scan3A_102, %add3A_110 : i32
      %lt3A_112 = arith.cmpi slt, %add3A_111, %add3A_1 : i32
      %convert_element_type3A_113 = arith.extui %lt3A_112 : i1 to i32
      %cond3A_114 = arith.constant 0 : i32
      %cond3A_115 = arith.cmpi ne, %convert_element_type3A_113, %cond3A_114 : i32
      scf.if %cond3A_115 {
        %add3A_120 = arith.constant 1 : i32
        %add3A_121 = arith.addi %scan3A_102, %add3A_120 : i32
        %rem3A_122 = arith.constant 3 : i32
        %rem3A_123 = arith.remsi %add3A_121, %rem3A_122 : i32
        %add3A_124 = arith.addi %add3A_5, %add3A_121 : i32
        %dma_wait3A_125 = arith.constant 0 : i32
        %dma_wait3A_126 = arith.constant 0 : i32
        %dma_wait3A_127 = tpu.memref_slice %arg7[%rem3A_123, %dma_wait3A_125, %dma_wait3A_126] : memref<3x2x128xi32, #tpu.memory_space<vmem>> -> memref<1x2x128xi32, #tpu.memory_space<vmem>>
        %dma_wait3A_128 = tpu.memref_squeeze %dma_wait3A_127 : memref<1x2x128xi32, #tpu.memory_space<vmem>> -> memref<2x128xi32, #tpu.memory_space<vmem>>
        %dma_wait3A_129 = arith.constant 0 : i32
        %dma_wait3A_130 = arith.constant 0 : i32
        %dma_wait3A_131 = tpu.memref_slice %arg3[%add3A_124, %dma_wait3A_129, %dma_wait3A_130] : memref<2560x2x128xi32, #tpu.memory_space<hbm>> -> memref<1x2x128xi32, #tpu.memory_space<hbm>>
        %dma_wait3A_132 = tpu.memref_squeeze %dma_wait3A_131 : memref<1x2x128xi32, #tpu.memory_space<hbm>> -> memref<2x128xi32, #tpu.memory_space<hbm>>
        %dma_wait3A_133 = tpu.memref_slice %arg9[%rem3A_123] : memref<3x!tpu.dma_semaphore, #tpu.memory_space<semaphore_mem>> -> memref<1x!tpu.dma_semaphore, #tpu.memory_space<semaphore_mem>>
        %dma_wait3A_134 = tpu.memref_squeeze %dma_wait3A_133 : memref<1x!tpu.dma_semaphore, #tpu.memory_space<semaphore_mem>> -> memref<!tpu.dma_semaphore, #tpu.memory_space<semaphore_mem>>
        %dma_wait3A_135 = arith.constant 0 : i32
        %dma_wait3A_136 = arith.constant 0 : i32
        %dma_wait3A_137 = tpu.memref_slice %arg7[%rem3A_123, %dma_wait3A_135, %dma_wait3A_136] : memref<3x2x128xi32, #tpu.memory_space<vmem>> -> memref<1x2x128xi32, #tpu.memory_space<vmem>>
        %dma_wait3A_138 = tpu.memref_squeeze %dma_wait3A_137 : memref<1x2x128xi32, #tpu.memory_space<vmem>> -> memref<2x128xi32, #tpu.memory_space<vmem>>
        %dma_wait3A_139 = arith.constant 0 : i32
        %dma_wait3A_140 = arith.constant 0 : i32
        %dma_wait3A_141 = tpu.memref_slice %arg3[%add3A_124, %dma_wait3A_139, %dma_wait3A_140] : memref<2560x2x128xi32, #tpu.memory_space<hbm>> -> memref<1x2x128xi32, #tpu.memory_space<hbm>>
        %dma_wait3A_142 = tpu.memref_squeeze %dma_wait3A_141 : memref<1x2x128xi32, #tpu.memory_space<hbm>> -> memref<2x128xi32, #tpu.memory_space<hbm>>
        tpu.wait_dma2 semaphore(%dma_wait3A_134 : memref<!tpu.dma_semaphore, #tpu.memory_space<semaphore_mem>>) src(%dma_wait3A_142 : memref<2x128xi32, #tpu.memory_space<hbm>>) dst(%dma_wait3A_138 : memref<2x128xi32, #tpu.memory_space<vmem>>)
        %add3A_143 = arith.constant 1 : i32
        %add3A_144 = arith.addi %scan3A_102, %add3A_143 : i32
        %rem3A_145 = arith.constant 3 : i32
        %rem3A_146 = arith.remsi %add3A_144, %rem3A_145 : i32
        %rem3A_147 = arith.constant 2 : i32
        %rem3A_148 = arith.remsi %add3A_144, %rem3A_147 : i32
        %rem3A_149 = arith.constant 2 : i32
        %rem3A_150 = arith.remsi %add3A_144, %rem3A_149 : i32
        %dma_start3A_151 = arith.constant 0 : i32
        %dma_start3A_152 = arith.constant 0 : i32
        %dma_start3A_153 = arith.constant 0 : i32
        %dma_start3A_154 = tpu.memref_slice %arg8[%rem3A_148, %dma_start3A_152, %dma_start3A_153] : memref<2x128x128xf32, #tpu.memory_space<vmem>> -> memref<1x128x128xf32, #tpu.memory_space<vmem>>
        %dma_start3A_155 = tpu.memref_squeeze %dma_start3A_154 : memref<1x128x128xf32, #tpu.memory_space<vmem>> -> memref<128x128xf32, #tpu.memory_space<vmem>>
        %dma_start3A_156 = arith.constant 0 : i32
        %dma_start3A_157 = tpu.memref_slice %arg7[%rem3A_146, %dma_start3A_151, %dma_start3A_156] : memref<3x2x128xi32, #tpu.memory_space<vmem>> -> memref<1x1x128xi32, #tpu.memory_space<vmem>>
        %dma_start3A_158 = tpu.memref_squeeze %dma_start3A_157 : memref<1x1x128xi32, #tpu.memory_space<vmem>> -> memref<128xi32, #tpu.memory_space<vmem>>
        %dma_start3A_159 = arith.constant 0 : i32
        %dma_start3A_160 = arith.constant 0 : i32
        %dma_start3A_161 = tpu.memref_slice %arg2[%dma_start3A_159, %dma_start3A_160] : memref<10000x128xf32, #tpu.memory_space<hbm>> -> memref<10000x128xf32, #tpu.memory_space<hbm>>
        %dma_start3A_162 = tpu.memref_slice %arg10[%rem3A_150] : memref<2x!tpu.dma_semaphore, #tpu.memory_space<semaphore_mem>> -> memref<1x!tpu.dma_semaphore, #tpu.memory_space<semaphore_mem>>
        %dma_start3A_163 = tpu.memref_squeeze %dma_start3A_162 : memref<1x!tpu.dma_semaphore, #tpu.memory_space<semaphore_mem>> -> memref<!tpu.dma_semaphore, #tpu.memory_space<semaphore_mem>>
        tpu.enqueue_indirect_dma source(%dma_start3A_161 : memref<10000x128xf32, #tpu.memory_space<hbm>>) target(%dma_start3A_155 : memref<128x128xf32, #tpu.memory_space<vmem>>) offsets(%dma_start3A_158 : memref<128xi32, #tpu.memory_space<vmem>>) semaphore(%dma_start3A_163 : memref<!tpu.dma_semaphore, #tpu.memory_space<semaphore_mem>>)
      } else {
      }
      %lt3A_116 = arith.cmpi slt, %scan3A_102, %add3A_1 : i32
      %convert_element_type3A_117 = arith.extui %lt3A_116 : i1 to i32
      %cond3A_118 = arith.constant 0 : i32
      %cond3A_119 = arith.cmpi ne, %convert_element_type3A_117, %cond3A_118 : i32
      scf.if %cond3A_119 {
        %rem3A_120 = arith.constant 2 : i32
        %rem3A_121 = arith.remsi %scan3A_102, %rem3A_120 : i32
        %rem3A_122 = arith.constant 3 : i32
        %rem3A_123 = arith.remsi %scan3A_102, %rem3A_122 : i32
        %run_scoped3A = arith.constant 1 : i32
        "tpu.region"() ({
          %run_scoped3A_124 = tpu.sem_alloc : memref<!tpu.dma_semaphore, #tpu.memory_space<semaphore_mem>>
          %dma_start3A_125 = arith.constant 0 : i32
          %dma_start3A_126 = arith.constant 0 : i32
          %dma_start3A_127 = tpu.memref_slice %arg8[%rem3A_121, %dma_start3A_125, %dma_start3A_126] : memref<2x128x128xf32, #tpu.memory_space<vmem>> -> memref<1x128x128xf32, #tpu.memory_space<vmem>>
          %dma_start3A_128 = tpu.memref_squeeze %dma_start3A_127 : memref<1x128x128xf32, #tpu.memory_space<vmem>> -> memref<128x128xf32, #tpu.memory_space<vmem>>
          %dma_start3A_129 = arith.constant 0 : i32
          %dma_start3A_130 = tpu.memref_slice %arg7[%rem3A_123, %run_scoped3A, %dma_start3A_129] : memref<3x2x128xi32, #tpu.memory_space<vmem>> -> memref<1x1x128xi32, #tpu.memory_space<vmem>>
          %dma_start3A_131 = tpu.memref_squeeze %dma_start3A_130 : memref<1x1x128xi32, #tpu.memory_space<vmem>> -> memref<128xi32, #tpu.memory_space<vmem>>
          %dma_start3A_132 = arith.constant 0 : i32
          %dma_start3A_133 = arith.constant 0 : i32
          %dma_start3A_134 = tpu.memref_slice %arg6[%dma_start3A_132, %dma_start3A_133] : memref<10112x128xf32, #tpu.memory_space<vmem_shared>> -> memref<10112x128xf32, #tpu.memory_space<vmem_shared>>
          tpu.enqueue_indirect_dma source(%dma_start3A_128 : memref<128x128xf32, #tpu.memory_space<vmem>>) target(%dma_start3A_134 : memref<10112x128xf32, #tpu.memory_space<vmem_shared>>) offsets(%dma_start3A_131 : memref<128xi32, #tpu.memory_space<vmem>>) semaphore(%run_scoped3A_124 : memref<!tpu.dma_semaphore, #tpu.memory_space<semaphore_mem>>) {add = true}
          %dma_wait3A_135 = arith.constant 0 : i32
          %dma_wait3A_136 = arith.constant 0 : i32
          %dma_wait3A_137 = tpu.memref_slice %arg8[%rem3A_121, %dma_wait3A_135, %dma_wait3A_136] : memref<2x128x128xf32, #tpu.memory_space<vmem>> -> memref<1x128x128xf32, #tpu.memory_space<vmem>>
          %dma_wait3A_138 = tpu.memref_squeeze %dma_wait3A_137 : memref<1x128x128xf32, #tpu.memory_space<vmem>> -> memref<128x128xf32, #tpu.memory_space<vmem>>
          %dma_wait3A_139 = arith.constant 0 : i32
          %dma_wait3A_140 = tpu.memref_slice %arg7[%rem3A_123, %run_scoped3A, %dma_wait3A_139] : memref<3x2x128xi32, #tpu.memory_space<vmem>> -> memref<1x1x128xi32, #tpu.memory_space<vmem>>
          %dma_wait3A_141 = tpu.memref_squeeze %dma_wait3A_140 : memref<1x1x128xi32, #tpu.memory_space<vmem>> -> memref<128xi32, #tpu.memory_space<vmem>>
          %dma_wait3A_142 = arith.constant 0 : i32
          %dma_wait3A_143 = arith.constant 0 : i32
          %dma_wait3A_144 = tpu.memref_slice %arg6[%dma_wait3A_142, %dma_wait3A_143] : memref<10112x128xf32, #tpu.memory_space<vmem_shared>> -> memref<10112x128xf32, #tpu.memory_space<vmem_shared>>
          tpu.wait_indirect_dma semaphore(%run_scoped3A_124 : memref<!tpu.dma_semaphore, #tpu.memory_space<semaphore_mem>>) src(%dma_wait3A_138 : memref<128x128xf32, #tpu.memory_space<vmem>>) dst(%dma_wait3A_144 : memref<10112x128xf32, #tpu.memory_space<vmem_shared>>)
          tpu.yield
        }) : () -> ()
      } else {
      }
    }
    %scan3A_100 = arith.constant 152 : i32
    %barrier3A_101 = arith.constant 0 : index
    tpu.barrier barrier_id(%barrier3A_101)
    "tpu.region"() ({
      %run_scoped3A = tpu.sem_alloc : memref<!tpu.dma_semaphore, #tpu.memory_space<semaphore_mem>>
      %dma_start3A_102 = arith.constant 0 : i32
      %dma_start3A_103 = tpu.memref_slice %arg5[%arg0, %multiple_of3A, %dma_start3A_102] : memref<2x10112x128xf32, #tpu.memory_space<hbm>> -> memref<1x632x128xf32, #tpu.memory_space<hbm>>
      %dma_start3A_104 = tpu.memref_squeeze %dma_start3A_103 : memref<1x632x128xf32, #tpu.memory_space<hbm>> -> memref<632x128xf32, #tpu.memory_space<hbm>>
      %dma_start3A_105 = arith.constant 0 : i32
      %dma_start3A_106 = tpu.memref_slice %arg6[%multiple_of3A, %dma_start3A_105] : memref<10112x128xf32, #tpu.memory_space<vmem_shared>> -> memref<632x128xf32, #tpu.memory_space<vmem_shared>>
      tpu.enqueue_dma source(%dma_start3A_106 : memref<632x128xf32, #tpu.memory_space<vmem_shared>>) target(%dma_start3A_104 : memref<632x128xf32, #tpu.memory_space<hbm>>) target_semaphore(%run_scoped3A : memref<!tpu.dma_semaphore, #tpu.memory_space<semaphore_mem>>)
      %dma_wait3A_107 = arith.constant 0 : i32
      %dma_wait3A_108 = tpu.memref_slice %arg5[%arg0, %multiple_of3A, %dma_wait3A_107] : memref<2x10112x128xf32, #tpu.memory_space<hbm>> -> memref<1x632x128xf32, #tpu.memory_space<hbm>>
      %dma_wait3A_109 = tpu.memref_squeeze %dma_wait3A_108 : memref<1x632x128xf32, #tpu.memory_space<hbm>> -> memref<632x128xf32, #tpu.memory_space<hbm>>
      %dma_wait3A_110 = arith.constant 0 : i32
      %dma_wait3A_111 = tpu.memref_slice %arg6[%multiple_of3A, %dma_wait3A_110] : memref<10112x128xf32, #tpu.memory_space<vmem_shared>> -> memref<632x128xf32, #tpu.memory_space<vmem_shared>>
      tpu.wait_dma2 semaphore(%run_scoped3A : memref<!tpu.dma_semaphore, #tpu.memory_space<semaphore_mem>>) src(%dma_wait3A_111 : memref<632x128xf32, #tpu.memory_space<vmem_shared>>) dst(%dma_wait3A_109 : memref<632x128xf32, #tpu.memory_space<hbm>>)
      tpu.yield
    }) : () -> ()
    return
  }
}

module attributes {stable_mosaic.version = 14 : i64} {
  func.func @_pre_body(%arg0: memref<2x10112x128xf32, #tpu.memory_space<vmem>>, %arg1: memref<10000x128xf32, #tpu.memory_space<vmem>>, %arg2: memref<10000x1xf32, #tpu.memory_space<vmem>>, %arg3: memref<10000x128xf32, #tpu.memory_space<vmem>>) attributes {dimension_semantics = [], scalar_prefetch = 0 : i64, scratch_operands = 0 : i64, tpu.core_type = #tpu.core_type<tc>} {
    %get3A = arith.constant 0 : index
    %get3A_0 = arith.constant 0 : index
    %get3A_1 = arith.constant 0 : index
    %get3A_2 = vector.load %arg0[%get3A, %get3A_0, %get3A_1] : memref<2x10112x128xf32, #tpu.memory_space<vmem>>, vector<1x10000x1xf32>
    %get3A_3 = vector.shape_cast %get3A_2 : vector<1x10000x1xf32> to vector<10000x1xf32>
    %get3A_4 = arith.constant 1 : index
    %get3A_5 = arith.constant 0 : index
    %get3A_6 = arith.constant 0 : index
    %get3A_7 = vector.load %arg0[%get3A_4, %get3A_5, %get3A_6] : memref<2x10112x128xf32, #tpu.memory_space<vmem>>, vector<1x10000x1xf32>
    %get3A_8 = vector.shape_cast %get3A_7 : vector<1x10000x1xf32> to vector<10000x1xf32>
    %add3A = arith.addf %get3A_3, %get3A_8 : vector<10000x1xf32>
    %add3A_9 = arith.constant 1.000000e+00 : f32
    %add3A_10 = vector.broadcast %add3A_9 : f32 to vector<10000x1xf32>
    %add3A_11 = arith.addf %add3A, %add3A_10 : vector<10000x1xf32>
    %max3A = arith.constant 9.99999996E-13 : f32
    %max3A_12 = vector.broadcast %max3A : f32 to vector<10000x1xf32>
    %max3A_13 = arith.maximumf %add3A_11, %max3A_12 : vector<10000x1xf32>
    %rsqrt3A = math.rsqrt %max3A_13 : vector<10000x1xf32>
    %swap3A = arith.constant 0 : index
    %swap3A_14 = arith.constant 0 : index
    %swap3A_15 = vector.load %arg2[%swap3A, %swap3A_14] : memref<10000x1xf32, #tpu.memory_space<vmem>>, vector<10000x1xf32>
    tpu.vector_store %arg2[%swap3A, %swap3A_14], %rsqrt3A {strides = array<i32>} : memref<10000x1xf32, #tpu.memory_space<vmem>>, vector<10000x1xf32>,
    %get3A_16 = arith.constant 0 : index
    %get3A_17 = arith.constant 0 : index
    %get3A_18 = vector.load %arg1[%get3A_16, %get3A_17] : memref<10000x128xf32, #tpu.memory_space<vmem>>, vector<10000x128xf32>
    %mul3A = vector.broadcast %rsqrt3A : vector<10000x1xf32> to vector<10000x128xf32>
    %mul3A_19 = arith.mulf %get3A_18, %mul3A : vector<10000x128xf32>
    %swap3A_20 = arith.constant 0 : index
    %swap3A_21 = arith.constant 0 : index
    %swap3A_22 = vector.load %arg3[%swap3A_20, %swap3A_21] : memref<10000x128xf32, #tpu.memory_space<vmem>>, vector<10000x128xf32>
    tpu.vector_store %arg3[%swap3A_20, %swap3A_21], %mul3A_19 {strides = array<i32>} : memref<10000x128xf32, #tpu.memory_space<vmem>>, vector<10000x128xf32>,
    return
  }
}

module attributes {stable_mosaic.version = 14 : i64} {
  func.func @_stage_body(%arg0: memref<2x10112x128xf32, #tpu.memory_space<vmem>>, %arg1: memref<10000x128xf32, #tpu.memory_space<vmem>>, %arg2: memref<10000x1xf32, #tpu.memory_space<vmem>>, %arg3: memref<10000x128xf32, #tpu.memory_space<vmem>>, %arg4: memref<128x128xf32, #tpu.memory_space<vmem>>, %arg5: memref<1x128xf32, #tpu.memory_space<vmem>>, %arg6: memref<10000x128xf32, #tpu.memory_space<vmem>>, %arg7: memref<10000x128xf32, #tpu.memory_space<vmem>>) attributes {dimension_semantics = [], scalar_prefetch = 0 : i64, scratch_operands = 0 : i64, tpu.core_type = #tpu.core_type<tc>} {
    %get3A = arith.constant 0 : index
    %get3A_0 = arith.constant 0 : index
    %get3A_1 = vector.load %arg2[%get3A, %get3A_0] : memref<10000x1xf32, #tpu.memory_space<vmem>>, vector<10000x1xf32>
    %get3A_2 = arith.constant 0 : index
    %get3A_3 = arith.constant 0 : index
    %get3A_4 = arith.constant 0 : index
    %get3A_5 = vector.load %arg0[%get3A_2, %get3A_3, %get3A_4] : memref<2x10112x128xf32, #tpu.memory_space<vmem>>, vector<1x10000x128xf32>
    %get3A_6 = vector.shape_cast %get3A_5 : vector<1x10000x128xf32> to vector<10000x128xf32>
    %get3A_7 = arith.constant 1 : index
    %get3A_8 = arith.constant 0 : index
    %get3A_9 = arith.constant 0 : index
    %get3A_10 = vector.load %arg0[%get3A_7, %get3A_8, %get3A_9] : memref<2x10112x128xf32, #tpu.memory_space<vmem>>, vector<1x10000x128xf32>
    %get3A_11 = vector.shape_cast %get3A_10 : vector<1x10000x128xf32> to vector<10000x128xf32>
    %add3A = arith.addf %get3A_6, %get3A_11 : vector<10000x128xf32>
    %get3A_12 = arith.constant 0 : index
    %get3A_13 = arith.constant 0 : index
    %get3A_14 = vector.load %arg1[%get3A_12, %get3A_13] : memref<10000x128xf32, #tpu.memory_space<vmem>>, vector<10000x128xf32>
    %add3A_15 = arith.addf %add3A, %get3A_14 : vector<10000x128xf32>
    %mul3A = vector.broadcast %get3A_1 : vector<10000x1xf32> to vector<10000x128xf32>
    %mul3A_16 = arith.mulf %mul3A, %add3A_15 : vector<10000x128xf32>
    %get3A_17 = arith.constant 0 : index
    %get3A_18 = arith.constant 0 : index
    %get3A_19 = vector.load %arg3[%get3A_17, %get3A_18] : memref<10000x128xf32, #tpu.memory_space<vmem>>, vector<10000x128xf32>
    %add3A_20 = arith.addf %mul3A_16, %get3A_19 : vector<10000x128xf32>
    %get3A_21 = arith.constant 0 : index
    %get3A_22 = arith.constant 0 : index
    %get3A_23 = vector.load %arg4[%get3A_21, %get3A_22] : memref<128x128xf32, #tpu.memory_space<vmem>>, vector<128x128xf32>
    %dot_general3A = arith.constant dense<0.000000e+00> : vector<10000x128xf32>
    %dot_general3A_24 = tpu.matmul %add3A_20, %get3A_23, %dot_general3A {dimension_numbers = #tpu.dot_dimension_numbers<[1], [0], [0], [1], [0, 0, 1, 1], [], []>, transpose_lhs_hint = false} : vector<10000x128xf32>, vector<128x128xf32>, vector<10000x128xf32> -> vector<10000x128xf32>
    %get3A_25 = arith.constant 0 : index
    %get3A_26 = arith.constant 0 : index
    %get3A_27 = vector.load %arg5[%get3A_25, %get3A_26] : memref<1x128xf32, #tpu.memory_space<vmem>>, vector<1x128xf32>
    %mul3A_28 = arith.constant 1.000000e+00 : f32
    %mul3A_29 = vector.broadcast %mul3A_28 : f32 to vector<1x128xf32>
    %mul3A_30 = arith.mulf %mul3A_29, %get3A_27 : vector<1x128xf32>
    %add3A_31 = vector.broadcast %mul3A_30 : vector<1x128xf32> to vector<10000x128xf32>
    %add3A_32 = arith.addf %dot_general3A_24, %add3A_31 : vector<10000x128xf32>
    %max3A = arith.constant 0.000000e+00 : f32
    %max3A_33 = vector.broadcast %max3A : f32 to vector<10000x128xf32>
    %max3A_34 = arith.maximumf %add3A_32, %max3A_33 : vector<10000x128xf32>
    %mul3A_35 = vector.broadcast %get3A_1 : vector<10000x1xf32> to vector<10000x128xf32>
    %mul3A_36 = arith.mulf %mul3A_35, %max3A_34 : vector<10000x128xf32>
    %swap3A = arith.constant 0 : index
    %swap3A_37 = arith.constant 0 : index
    %swap3A_38 = vector.load %arg6[%swap3A, %swap3A_37] : memref<10000x128xf32, #tpu.memory_space<vmem>>, vector<10000x128xf32>
    tpu.vector_store %arg6[%swap3A, %swap3A_37], %mul3A_36 {strides = array<i32>} : memref<10000x128xf32, #tpu.memory_space<vmem>>, vector<10000x128xf32>,
    %swap3A_39 = arith.constant 0 : index
    %swap3A_40 = arith.constant 0 : index
    %swap3A_41 = vector.load %arg7[%swap3A_39, %swap3A_40] : memref<10000x128xf32, #tpu.memory_space<vmem>>, vector<10000x128xf32>
    tpu.vector_store %arg7[%swap3A_39, %swap3A_40], %add3A_20 {strides = array<i32>} : memref<10000x128xf32, #tpu.memory_space<vmem>>, vector<10000x128xf32>,
    return
  }
}

module attributes {stable_mosaic.version = 14 : i64} {
  func.func @_stage_body(%arg0: memref<2x10112x128xf32, #tpu.memory_space<vmem>>, %arg1: memref<10000x128xf32, #tpu.memory_space<vmem>>, %arg2: memref<10000x1xf32, #tpu.memory_space<vmem>>, %arg3: memref<10000x128xf32, #tpu.memory_space<vmem>>, %arg4: memref<128x128xf32, #tpu.memory_space<vmem>>, %arg5: memref<1x128xf32, #tpu.memory_space<vmem>>, %arg6: memref<10000x128xf32, #tpu.memory_space<vmem>>, %arg7: memref<10000x128xf32, #tpu.memory_space<vmem>>) attributes {dimension_semantics = [], scalar_prefetch = 0 : i64, scratch_operands = 0 : i64, tpu.core_type = #tpu.core_type<tc>} {
    %get3A = arith.constant 0 : index
    %get3A_0 = arith.constant 0 : index
    %get3A_1 = vector.load %arg2[%get3A, %get3A_0] : memref<10000x1xf32, #tpu.memory_space<vmem>>, vector<10000x1xf32>
    %get3A_2 = arith.constant 0 : index
    %get3A_3 = arith.constant 0 : index
    %get3A_4 = arith.constant 0 : index
    %get3A_5 = vector.load %arg0[%get3A_2, %get3A_3, %get3A_4] : memref<2x10112x128xf32, #tpu.memory_space<vmem>>, vector<1x10000x128xf32>
    %get3A_6 = vector.shape_cast %get3A_5 : vector<1x10000x128xf32> to vector<10000x128xf32>
    %get3A_7 = arith.constant 1 : index
    %get3A_8 = arith.constant 0 : index
    %get3A_9 = arith.constant 0 : index
    %get3A_10 = vector.load %arg0[%get3A_7, %get3A_8, %get3A_9] : memref<2x10112x128xf32, #tpu.memory_space<vmem>>, vector<1x10000x128xf32>
    %get3A_11 = vector.shape_cast %get3A_10 : vector<1x10000x128xf32> to vector<10000x128xf32>
    %add3A = arith.addf %get3A_6, %get3A_11 : vector<10000x128xf32>
    %get3A_12 = arith.constant 0 : index
    %get3A_13 = arith.constant 0 : index
    %get3A_14 = vector.load %arg1[%get3A_12, %get3A_13] : memref<10000x128xf32, #tpu.memory_space<vmem>>, vector<10000x128xf32>
    %add3A_15 = arith.addf %add3A, %get3A_14 : vector<10000x128xf32>
    %mul3A = vector.broadcast %get3A_1 : vector<10000x1xf32> to vector<10000x128xf32>
    %mul3A_16 = arith.mulf %mul3A, %add3A_15 : vector<10000x128xf32>
    %get3A_17 = arith.constant 0 : index
    %get3A_18 = arith.constant 0 : index
    %get3A_19 = vector.load %arg3[%get3A_17, %get3A_18] : memref<10000x128xf32, #tpu.memory_space<vmem>>, vector<10000x128xf32>
    %add3A_20 = arith.addf %mul3A_16, %get3A_19 : vector<10000x128xf32>
    %get3A_21 = arith.constant 0 : index
    %get3A_22 = arith.constant 0 : index
    %get3A_23 = vector.load %arg4[%get3A_21, %get3A_22] : memref<128x128xf32, #tpu.memory_space<vmem>>, vector<128x128xf32>
    %dot_general3A = arith.constant dense<0.000000e+00> : vector<10000x128xf32>
    %dot_general3A_24 = tpu.matmul %add3A_20, %get3A_23, %dot_general3A {dimension_numbers = #tpu.dot_dimension_numbers<[1], [0], [0], [1], [0, 0, 1, 1], [], []>, transpose_lhs_hint = false} : vector<10000x128xf32>, vector<128x128xf32>, vector<10000x128xf32> -> vector<10000x128xf32>
    %get3A_25 = arith.constant 0 : index
    %get3A_26 = arith.constant 0 : index
    %get3A_27 = vector.load %arg5[%get3A_25, %get3A_26] : memref<1x128xf32, #tpu.memory_space<vmem>>, vector<1x128xf32>
    %mul3A_28 = arith.constant 1.000000e+00 : f32
    %mul3A_29 = vector.broadcast %mul3A_28 : f32 to vector<1x128xf32>
    %mul3A_30 = arith.mulf %mul3A_29, %get3A_27 : vector<1x128xf32>
    %add3A_31 = vector.broadcast %mul3A_30 : vector<1x128xf32> to vector<10000x128xf32>
    %add3A_32 = arith.addf %dot_general3A_24, %add3A_31 : vector<10000x128xf32>
    %max3A = arith.constant 0.000000e+00 : f32
    %max3A_33 = vector.broadcast %max3A : f32 to vector<10000x128xf32>
    %max3A_34 = arith.maximumf %add3A_32, %max3A_33 : vector<10000x128xf32>
    %mul3A_35 = vector.broadcast %get3A_1 : vector<10000x1xf32> to vector<10000x128xf32>
    %mul3A_36 = arith.mulf %mul3A_35, %max3A_34 : vector<10000x128xf32>
    %swap3A = arith.constant 0 : index
    %swap3A_37 = arith.constant 0 : index
    %swap3A_38 = vector.load %arg6[%swap3A, %swap3A_37] : memref<10000x128xf32, #tpu.memory_space<vmem>>, vector<10000x128xf32>
    tpu.vector_store %arg6[%swap3A, %swap3A_37], %mul3A_36 {strides = array<i32>} : memref<10000x128xf32, #tpu.memory_space<vmem>>, vector<10000x128xf32>,
    %swap3A_39 = arith.constant 0 : index
    %swap3A_40 = arith.constant 0 : index
    %swap3A_41 = vector.load %arg7[%swap3A_39, %swap3A_40] : memref<10000x128xf32, #tpu.memory_space<vmem>>, vector<10000x128xf32>
    tpu.vector_store %arg7[%swap3A_39, %swap3A_40], %add3A_20 {strides = array<i32>} : memref<10000x128xf32, #tpu.memory_space<vmem>>, vector<10000x128xf32>,
    return
  }
}

module attributes {stable_mosaic.version = 14 : i64} {
  func.func @_stage_body(%arg0: memref<2x10112x128xf32, #tpu.memory_space<vmem>>, %arg1: memref<10000x128xf32, #tpu.memory_space<vmem>>, %arg2: memref<10000x1xf32, #tpu.memory_space<vmem>>, %arg3: memref<10000x128xf32, #tpu.memory_space<vmem>>, %arg4: memref<128x128xf32, #tpu.memory_space<vmem>>, %arg5: memref<1x128xf32, #tpu.memory_space<vmem>>, %arg6: memref<10000x128xf32, #tpu.memory_space<vmem>>, %arg7: memref<10000x128xf32, #tpu.memory_space<vmem>>) attributes {dimension_semantics = [], scalar_prefetch = 0 : i64, scratch_operands = 0 : i64, tpu.core_type = #tpu.core_type<tc>} {
    %get3A = arith.constant 0 : index
    %get3A_0 = arith.constant 0 : index
    %get3A_1 = vector.load %arg2[%get3A, %get3A_0] : memref<10000x1xf32, #tpu.memory_space<vmem>>, vector<10000x1xf32>
    %get3A_2 = arith.constant 0 : index
    %get3A_3 = arith.constant 0 : index
    %get3A_4 = arith.constant 0 : index
    %get3A_5 = vector.load %arg0[%get3A_2, %get3A_3, %get3A_4] : memref<2x10112x128xf32, #tpu.memory_space<vmem>>, vector<1x10000x128xf32>
    %get3A_6 = vector.shape_cast %get3A_5 : vector<1x10000x128xf32> to vector<10000x128xf32>
    %get3A_7 = arith.constant 1 : index
    %get3A_8 = arith.constant 0 : index
    %get3A_9 = arith.constant 0 : index
    %get3A_10 = vector.load %arg0[%get3A_7, %get3A_8, %get3A_9] : memref<2x10112x128xf32, #tpu.memory_space<vmem>>, vector<1x10000x128xf32>
    %get3A_11 = vector.shape_cast %get3A_10 : vector<1x10000x128xf32> to vector<10000x128xf32>
    %add3A = arith.addf %get3A_6, %get3A_11 : vector<10000x128xf32>
    %get3A_12 = arith.constant 0 : index
    %get3A_13 = arith.constant 0 : index
    %get3A_14 = vector.load %arg1[%get3A_12, %get3A_13] : memref<10000x128xf32, #tpu.memory_space<vmem>>, vector<10000x128xf32>
    %add3A_15 = arith.addf %add3A, %get3A_14 : vector<10000x128xf32>
    %mul3A = vector.broadcast %get3A_1 : vector<10000x1xf32> to vector<10000x128xf32>
    %mul3A_16 = arith.mulf %mul3A, %add3A_15 : vector<10000x128xf32>
    %get3A_17 = arith.constant 0 : index
    %get3A_18 = arith.constant 0 : index
    %get3A_19 = vector.load %arg3[%get3A_17, %get3A_18] : memref<10000x128xf32, #tpu.memory_space<vmem>>, vector<10000x128xf32>
    %add3A_20 = arith.addf %mul3A_16, %get3A_19 : vector<10000x128xf32>
    %get3A_21 = arith.constant 0 : index
    %get3A_22 = arith.constant 0 : index
    %get3A_23 = vector.load %arg4[%get3A_21, %get3A_22] : memref<128x128xf32, #tpu.memory_space<vmem>>, vector<128x128xf32>
    %dot_general3A = arith.constant dense<0.000000e+00> : vector<10000x128xf32>
    %dot_general3A_24 = tpu.matmul %add3A_20, %get3A_23, %dot_general3A {dimension_numbers = #tpu.dot_dimension_numbers<[1], [0], [0], [1], [0, 0, 1, 1], [], []>, transpose_lhs_hint = false} : vector<10000x128xf32>, vector<128x128xf32>, vector<10000x128xf32> -> vector<10000x128xf32>
    %get3A_25 = arith.constant 0 : index
    %get3A_26 = arith.constant 0 : index
    %get3A_27 = vector.load %arg5[%get3A_25, %get3A_26] : memref<1x128xf32, #tpu.memory_space<vmem>>, vector<1x128xf32>
    %mul3A_28 = arith.constant 2.000000e+00 : f32
    %mul3A_29 = vector.broadcast %mul3A_28 : f32 to vector<1x128xf32>
    %mul3A_30 = arith.mulf %mul3A_29, %get3A_27 : vector<1x128xf32>
    %add3A_31 = vector.broadcast %mul3A_30 : vector<1x128xf32> to vector<10000x128xf32>
    %add3A_32 = arith.addf %dot_general3A_24, %add3A_31 : vector<10000x128xf32>
    %max3A = arith.constant 0.000000e+00 : f32
    %max3A_33 = vector.broadcast %max3A : f32 to vector<10000x128xf32>
    %max3A_34 = arith.maximumf %add3A_32, %max3A_33 : vector<10000x128xf32>
    %mul3A_35 = vector.broadcast %get3A_1 : vector<10000x1xf32> to vector<10000x128xf32>
    %mul3A_36 = arith.mulf %mul3A_35, %max3A_34 : vector<10000x128xf32>
    %swap3A = arith.constant 0 : index
    %swap3A_37 = arith.constant 0 : index
    %swap3A_38 = vector.load %arg6[%swap3A, %swap3A_37] : memref<10000x128xf32, #tpu.memory_space<vmem>>, vector<10000x128xf32>
    tpu.vector_store %arg6[%swap3A, %swap3A_37], %mul3A_36 {strides = array<i32>} : memref<10000x128xf32, #tpu.memory_space<vmem>>, vector<10000x128xf32>,
    %swap3A_39 = arith.constant 0 : index
    %swap3A_40 = arith.constant 0 : index
    %swap3A_41 = vector.load %arg7[%swap3A_39, %swap3A_40] : memref<10000x128xf32, #tpu.memory_space<vmem>>, vector<10000x128xf32>
    tpu.vector_store %arg7[%swap3A_39, %swap3A_40], %add3A_20 {strides = array<i32>} : memref<10000x128xf32, #tpu.memory_space<vmem>>, vector<10000x128xf32>,
    return
  }
}

module attributes {stable_mosaic.version = 14 : i64} {
  func.func @_final_body(%arg0: memref<2x10112x128xf32, #tpu.memory_space<vmem>>, %arg1: memref<10000x128xf32, #tpu.memory_space<vmem>>, %arg2: memref<10000x1xf32, #tpu.memory_space<vmem>>, %arg3: memref<10000x128xf32, #tpu.memory_space<vmem>>, %arg4: memref<128x128xf32, #tpu.memory_space<vmem>>, %arg5: memref<1x128xf32, #tpu.memory_space<vmem>>, %arg6: memref<128x40xf32, #tpu.memory_space<vmem>>, %arg7: memref<1x40xf32, #tpu.memory_space<vmem>>, %arg8: memref<10000x40xf32, #tpu.memory_space<vmem>>) attributes {dimension_semantics = [], scalar_prefetch = 0 : i64, scratch_operands = 0 : i64, tpu.core_type = #tpu.core_type<tc>} {
    %get3A = arith.constant 0 : index
    %get3A_0 = arith.constant 0 : index
    %get3A_1 = vector.load %arg2[%get3A, %get3A_0] : memref<10000x1xf32, #tpu.memory_space<vmem>>, vector<10000x1xf32>
    %get3A_2 = arith.constant 0 : index
    %get3A_3 = arith.constant 0 : index
    %get3A_4 = arith.constant 0 : index
    %get3A_5 = vector.load %arg0[%get3A_2, %get3A_3, %get3A_4] : memref<2x10112x128xf32, #tpu.memory_space<vmem>>, vector<1x10000x128xf32>
    %get3A_6 = vector.shape_cast %get3A_5 : vector<1x10000x128xf32> to vector<10000x128xf32>
    %get3A_7 = arith.constant 1 : index
    %get3A_8 = arith.constant 0 : index
    %get3A_9 = arith.constant 0 : index
    %get3A_10 = vector.load %arg0[%get3A_7, %get3A_8, %get3A_9] : memref<2x10112x128xf32, #tpu.memory_space<vmem>>, vector<1x10000x128xf32>
    %get3A_11 = vector.shape_cast %get3A_10 : vector<1x10000x128xf32> to vector<10000x128xf32>
    %add3A = arith.addf %get3A_6, %get3A_11 : vector<10000x128xf32>
    %get3A_12 = arith.constant 0 : index
    %get3A_13 = arith.constant 0 : index
    %get3A_14 = vector.load %arg1[%get3A_12, %get3A_13] : memref<10000x128xf32, #tpu.memory_space<vmem>>, vector<10000x128xf32>
    %add3A_15 = arith.addf %add3A, %get3A_14 : vector<10000x128xf32>
    %mul3A = vector.broadcast %get3A_1 : vector<10000x1xf32> to vector<10000x128xf32>
    %mul3A_16 = arith.mulf %mul3A, %add3A_15 : vector<10000x128xf32>
    %get3A_17 = arith.constant 0 : index
    %get3A_18 = arith.constant 0 : index
    %get3A_19 = vector.load %arg3[%get3A_17, %get3A_18] : memref<10000x128xf32, #tpu.memory_space<vmem>>, vector<10000x128xf32>
    %add3A_20 = arith.addf %mul3A_16, %get3A_19 : vector<10000x128xf32>
    %get3A_21 = arith.constant 0 : index
    %get3A_22 = arith.constant 0 : index
    %get3A_23 = vector.load %arg4[%get3A_21, %get3A_22] : memref<128x128xf32, #tpu.memory_space<vmem>>, vector<128x128xf32>
    %dot_general3A = arith.constant dense<0.000000e+00> : vector<10000x128xf32>
    %dot_general3A_24 = tpu.matmul %add3A_20, %get3A_23, %dot_general3A {dimension_numbers = #tpu.dot_dimension_numbers<[1], [0], [0], [1], [0, 0, 1, 1], [], []>, transpose_lhs_hint = false} : vector<10000x128xf32>, vector<128x128xf32>, vector<10000x128xf32> -> vector<10000x128xf32>
    %get3A_25 = arith.constant 0 : index
    %get3A_26 = arith.constant 0 : index
    %get3A_27 = vector.load %arg5[%get3A_25, %get3A_26] : memref<1x128xf32, #tpu.memory_space<vmem>>, vector<1x128xf32>
    %mul3A_28 = arith.constant 3.000000e+00 : f32
    %mul3A_29 = vector.broadcast %mul3A_28 : f32 to vector<1x128xf32>
    %mul3A_30 = arith.mulf %mul3A_29, %get3A_27 : vector<1x128xf32>
    %add3A_31 = vector.broadcast %mul3A_30 : vector<1x128xf32> to vector<10000x128xf32>
    %add3A_32 = arith.addf %dot_general3A_24, %add3A_31 : vector<10000x128xf32>
    %reduce_max3A = arith.constant dense<0xFF800000> : vector<10000xf32>
    %reduce_max3A_33 = vector.multi_reduction <maximumf>, %add3A_32, %reduce_max3A [1] : vector<10000x128xf32> to vector<10000xf32>
    %broadcast_in_dim3A = vector.shape_cast %reduce_max3A_33 : vector<10000xf32> to vector<10000x1xf32>
    %sub3A = vector.broadcast %broadcast_in_dim3A : vector<10000x1xf32> to vector<10000x128xf32>
    %sub3A_34 = arith.subf %add3A_32, %sub3A : vector<10000x128xf32>
    %exp3A = math.exp %sub3A_34 : vector<10000x128xf32>
    %reduce_sum3A = arith.constant dense<0.000000e+00> : vector<10000xf32>
    %reduce_sum3A_35 = vector.multi_reduction <add>, %exp3A, %reduce_sum3A [1] : vector<10000x128xf32> to vector<10000xf32>
    %broadcast_in_dim3A_36 = vector.shape_cast %reduce_sum3A_35 : vector<10000xf32> to vector<10000x1xf32>
    %log3A = math.log %broadcast_in_dim3A_36 : vector<10000x1xf32>
    %sub3A_37 = vector.broadcast %broadcast_in_dim3A : vector<10000x1xf32> to vector<10000x128xf32>
    %sub3A_38 = arith.subf %add3A_32, %sub3A_37 : vector<10000x128xf32>
    %sub3A_39 = vector.broadcast %log3A : vector<10000x1xf32> to vector<10000x128xf32>
    %sub3A_40 = arith.subf %sub3A_38, %sub3A_39 : vector<10000x128xf32>
    %get3A_41 = arith.constant 0 : index
    %get3A_42 = arith.constant 0 : index
    %get3A_43 = vector.load %arg6[%get3A_41, %get3A_42] : memref<128x40xf32, #tpu.memory_space<vmem>>, vector<128x40xf32>
    %dot_general3A_44 = arith.constant dense<0.000000e+00> : vector<10000x40xf32>
    %dot_general3A_45 = tpu.matmul %sub3A_40, %get3A_43, %dot_general3A_44 {dimension_numbers = #tpu.dot_dimension_numbers<[1], [0], [0], [1], [0, 0, 1, 1], [], []>, transpose_lhs_hint = false} : vector<10000x128xf32>, vector<128x40xf32>, vector<10000x40xf32> -> vector<10000x40xf32>
    %get3A_46 = arith.constant 0 : index
    %get3A_47 = arith.constant 0 : index
    %get3A_48 = vector.load %arg7[%get3A_46, %get3A_47] : memref<1x40xf32, #tpu.memory_space<vmem>>, vector<1x40xf32>
    %add3A_49 = vector.broadcast %get3A_48 : vector<1x40xf32> to vector<10000x40xf32>
    %add3A_50 = arith.addf %dot_general3A_45, %add3A_49 : vector<10000x40xf32>
    %swap3A = arith.constant 0 : index
    %swap3A_51 = arith.constant 0 : index
    %swap3A_52 = vector.load %arg8[%swap3A, %swap3A_51] : memref<10000x40xf32, #tpu.memory_space<vmem>>, vector<10000x40xf32>
    tpu.vector_store %arg8[%swap3A, %swap3A_51], %add3A_50 {strides = array<i32>} : memref<10000x40xf32, #tpu.memory_space<vmem>>, vector<10000x40xf32>,
    return
  }
}

</mosaic_0001>

<sc_bundles>
// kernel: gather_offload_async_start
scs
__scs_entry_jumppad:
0x0: {  	(pc) =	sbr.rel $0x88, $3  }
0x1: {  	(tag) =	ssettag $0x0;
	lr =	simm.s32 $0x1  }
0x2: {  	[smem:$0x3F93] =	sst lr;
	_ =	strace $0xD0000000  }
0x3: {  	_ = 	snop  }
0x4: {  	_ = 	snop  }
0x5: {  	_ = 	snop  }
0x6: {  	_ = 	snop  }
0x7: {  	_ = 	snop  }
__scs_overlays_trampoline_lowered:
0x8: {  	[smem:$0x3FA2] =	sst s0  }
0x9: {  	[smem:$0x3FA3] =	sst s1  }
0xa: {  	[smem:$0x3FA4] =	sst s2  }
0xb: {  	[smem:$0x3FA5] =	sst s3  }
0xc: {  	[smem:$0x3FA6] =	sst s4  }
0xd: {  	[smem:$0x3FA7] =	sst s5  }
0xe: {  	[smem:$0x3FA8] =	sst s6  }
0xf: {  	[smem:$0x3FA9] =	sst s7  }
0x10: {  	[smem:$0x3FAA] =	sst s8  }
0x11: {  	[smem:$0x3FAB] =	sst s9;
	s0 =	simm.s32 @!p0 $0x0  }
0x12: {  	s1 =	sld [smem:$0x3F91];
	s0 =	simm.s32 @p0 $0x1  }
0x13: {  	[smem:$0x3FAC] =	sst s0;
	s0 =	simm.s32 @!p1 $0x0  }
0x14: {  	s2 =	sld [smem:$0x3F90];
	s0 =	simm.s32 @p1 $0x1  }
0x15: {  	[smem:$0x3FAD] =	sst s0;
	s0 =	simm.s32 @!p2 $0x0  }
0x16: {  	s3 =	sld [smem:$0x3FDB];
	s0 =	simm.s32 @p2 $0x1  }
0x17: {  	s4 =	simm.s32 $0x1BF5;
	[smem:$0x3FAF] =	sst s0  }
0x18: {  	s0 =	sld [smem:$0x3F92];
	_ =	swait.ge [sflag:s4], $0x0  }
0x19: {  	s7 =	sld [smem:$0x3F93]  }
0x1a: {  	s8 =	sadd.s32 $0xFFFFE003, lr  }
0x1b: {  	s9 =	sadd.s32 $0xFFFFFEF7, lr;
	s5 =	simm.s32 $0xFFFFFFFF;
	p2 =	slt.u32 s8, $0xFFFFF086  }
0x1c: {  	p1 =	slt.u32 s9, $0xF7A;
	s5 =	simm.s32 @!p2 $0x0  }
0x1d: {  	s5 =	simm.s32 @p1 $0x1;
	p0 =	seq.s32 s7, s2  }
0x1e: {  	s7 =	smul.u32 @!p0 $0xF7A, s2;
	p2 =	seq.s32 @!p0 s5, $0x0  }
0x1f: {  	s9 =	smul.u32 $0xF7A, s1;
	s8 =	simm.s32 @!p0 $0x1BF5;
	p2 =	por !p2, p0  }
0x20: {  	[sflag:s8] =	ssyncset.s32 @!p0 $0xFFFFF086;
	s6 =	sadd.s32 @!p0 s3, s7;
	s7 =	simm.s32 @!p0 $0x108  }
0x21: {  	s3 =	sadd.s32 s3, s9;
	s6 =	sadd.s32 @!p0 $0x88, s6;
	s7 =	simm.s32 @p2 $0x1082  }
0x22: {  	[simem:s7], [sflag:s8] =	dma.local @!p0 [hbm:s6], $0xF7A  }
0x23: {  	s9 =	sor.u32 $0xD0000000, s2;
	s6 =	simm.s32 $0x108;
	_ =	swait.ge @!p0 [sflag:s8], $0x0  }
0x24: {  	s3 =	sadd.s32 $0x88, s3;
	s6 =	simm.s32 @!p1 $0x1082;
	[sflag:s4] =	ssyncset.s32 $0xFFFFF086  }
0x25: {  	[simem:s6], [sflag:s4] =	dma.local [hbm:s3], $0xF7A  }
0x26: {  	[smem:$0x3F93] =	sst s1;
	(tag) =	ssettag s2;
	_ =	strace s9  }
0x27: {  	s1 =	sld [smem:$0x3FA3]  }
0x28: {  	s2 =	sld [smem:$0x3FA4]  }
0x29: {  	s4 =	sld [smem:$0x3FA6]  }
0x2a: {  	p0 =	seq.s32 s5, $0x0;
	s5 =	sld [smem:$0x3FA7]  }
0x2b: {  	s6 =	sld [smem:$0x3FA8]  }
0x2c: {  	s7 =	sld [smem:$0x3FA9]  }
0x2d: {  	s3 =	simm.s32 $0x108;
	s8 =	sld [smem:$0x3FAA]  }
0x2e: {  	s3 =	simm.s32 @!p0 $0x1082;
	s9 =	sld [smem:$0x3FAB]  }
0x2f: {  	lr =	sadd.s32 s0, s3;
	s0 =	sld [smem:$0x3FA2]  }
0x30: {  	s3 =	sld [smem:$0x3FA5]  }
0x31: {  	[smem:$0x3FAE] =	sst s10  }
0x32: {  	s10 =	sld [smem:$0x3FAC];
	_ =	sdelay $0x3  }
0x33: {  	p0 =	seq.s32 s10, $0x1;
	s10 =	sld [smem:$0x3FAE];
	_ =	sdelay $0x3  }
0x34: {  	[smem:$0x3FAE] =	sst s10  }
0x35: {  	s10 =	sld [smem:$0x3FAD];
	_ =	sdelay $0x3  }
0x36: {  	p1 =	seq.s32 s10, $0x1;
	s10 =	sld [smem:$0x3FAE];
	_ =	sdelay $0x3  }
0x37: {  	[smem:$0x3FAE] =	sst s10  }
0x38: {  	s10 =	sld [smem:$0x3FAF]  }
0x39: {  	_ = 	snop;
	(pc) =	sbr.ind lr, $3  }
0x3a: {  	_ = 	snop  }
0x3b: {  	_ = 	snop  }
0x3c: {  	p2 =	seq.s32 s10, $0x1;
	s10 =	sld [smem:$0x3FAE]  }
0x3d: {  	_ =	shalt  }
0x3e: {  	_ =	shalt  }
0x3f: {  	_ =	shalt  }
0x40: {  	_ =	shalt  }
0x41: {  	_ =	shalt  }
0x42: {  	_ =	shalt  }
0x43: {  	_ =	shalt  }
0x44: {  	_ =	shalt  }
0x45: {  	_ =	shalt  }
0x46: {  	_ =	shalt  }
0x47: {  	_ =	shalt  }
0x48: {  	_ =	shalt  }
0x49: {  	_ =	shalt  }
0x4a: {  	_ =	shalt  }
0x4b: {  	_ =	shalt  }
0x4c: {  	_ =	shalt  }
0x4d: {  	_ =	shalt  }
0x4e: {  	_ =	shalt  }
0x4f: {  	_ =	shalt  }
0x50: {  	_ =	shalt  }
0x51: {  	_ =	shalt  }
0x52: {  	_ =	shalt  }
0x53: {  	_ =	shalt  }
0x54: {  	_ =	shalt  }
0x55: {  	_ =	shalt  }
0x56: {  	_ =	shalt  }
0x57: {  	_ =	shalt  }
0x58: {  	_ =	shalt  }
0x59: {  	_ =	shalt  }
0x5a: {  	_ =	shalt  }
0x5b: {  	_ =	shalt  }
0x5c: {  	_ =	shalt  }
0x5d: {  	_ =	shalt  }
0x5e: {  	_ =	shalt  }
0x5f: {  	_ =	shalt  }
0x60: {  	_ =	shalt  }
0x61: {  	_ =	shalt  }
0x62: {  	_ =	shalt  }
0x63: {  	_ =	shalt  }
0x64: {  	_ =	shalt  }
0x65: {  	_ =	shalt  }
0x66: {  	_ =	shalt  }
0x67: {  	_ =	shalt  }
0x68: {  	_ =	shalt  }
0x69: {  	_ =	shalt  }
0x6a: {  	_ =	shalt  }
0x6b: {  	_ =	shalt  }
0x6c: {  	_ =	shalt  }
0x6d: {  	_ =	shalt  }
0x6e: {  	_ =	shalt  }
0x6f: {  	_ =	shalt  }
0x70: {  	_ =	shalt  }
0x71: {  	_ =	shalt  }
0x72: {  	_ =	shalt  }
0x73: {  	_ =	shalt  }
0x74: {  	_ =	shalt  }
0x75: {  	_ =	shalt  }
0x76: {  	_ =	shalt  }
0x77: {  	_ =	shalt  }
0x78: {  	_ =	shalt  }
0x79: {  	_ =	shalt  }
0x7a: {  	_ =	shalt  }
0x7b: {  	_ =	shalt  }
0x7c: {  	_ =	shalt  }
0x7d: {  	_ =	shalt  }
0x7e: {  	_ =	shalt  }
0x7f: {  	_ =	shalt  }
0x80: {  	_ =	shalt  }
0x81: {  	_ =	shalt  }
0x82: {  	_ =	shalt  }
0x83: {  	_ =	shalt  }
0x84: {  	_ =	shalt  }
0x85: {  	_ =	shalt  }
0x86: {  	_ =	shalt  }
0x87: {  	_ =	shalt  }
.Lfunc_end0:
.L_simem_size_0:
called_computation_lowered:
.L_overlay_start_0:
0x88: {  	s0 =	sld [smem:$0x3FD9]  }
0x89: {  	s1 =	sld [smem:$0x3FFE];
	_ =	sdelay $0x3  }
0x8a: {  	s0 =	sadd.s32 s1, s0  }
0x8b: {  	[smem:$0x3FBA] =	sst s0  }
0x8c: {  	_ = 	snop  }
0x8d: {  	s0 =	sld [smem:$0x3FD0];
	_ =	sdelay $0x2  }
0x8e: {  	s13 =	simm.s32 $0xA;
	s2 =	simm.s32 $0x10  }
0x8f: {  	[smem:s2], [sflag:s13] =	dma.local [hbm:s0], $0x1  }
0x90: {  	_ =	swait.eq [sflag:s13], $0x1  }
0x91: {  	[sflag:s13] =	ssyncset.done $0x0  }
0x92: {  	[sflag:s13] =	ssyncadd.s32 $0xFFFFFFFF  }
0x93: {  	s14 =	sld [smem:$0x11];
	(tm) =	ssettm $0x1  }
0x94: {  	s15 =	sld [smem:$0x3FFB];
	_ =	sdelay $0x3  }
0x95: {  	_ =	strace s15  }
0x96: {  	s1 =	sld [smem:$0x3FFC];
	_ =	sdelay $0x3  }
0x97: {  	_ =	strace s1  }
0x98: {  	s1 =	sld [smem:$0x3FFD];
	_ =	sdelay $0x3  }
0x99: {  	_ =	strace s1  }
0x9a: {  	_ =	strace $0x8FFFFFFF  }
0x9b: {  	s16 =	sld [smem:$0x3FDB];
	_ =	sdelay $0x1  }
0x9c: {  	s17 =	simm.s32 $_scs_section_size  }
0x9d: {  	s3 =	simm.s32 $_size__tile_overlayer_lowered;
	s4 =	simm.s32 $_tile_overlayer_lowered  }
0x9e: {  	s20 =	simm.s32 $0x1BFF;
	s19 =	sshll.u32 s4, $0x1;
	s1 =	sadd.s32 s17, s16  }
0x9f: {  	s5 =	simm.s32 $0x0;
	s18 =	sshll.u32 s3, $0x1;
	s3 =	sadd.s32 s19, s1  }
0xa0: {  	[timem:s5], [sflag:s20] =	dma.local [hbm:s3], s18  }
0xa1: {  	_ =	swait.ge [sflag:s20], s18  }
0xa2: {  	s2 =	ssub.s32 $0x0, s18;
	[sflag:s20] =	ssyncset.done $0x0  }
0xa3: {  	[sflag:s20] =	ssyncadd.s32 s2;
	_ =	sdelay $0x1  }
0xa4: {  	s21 =	simm.s32 $0x1B8B  }
0xa5: {  	_ =	swait.ge [sflag:s21], $0x1  }
0xa6: {  	[sflag:s21] =	ssyncset.done $0x0  }
0xa7: {  	s23 =	simm.s32 $0x1B8E;
	s22 =	sld [smem:$0x3FFE];
	[sflag:s21] =	ssyncadd.s32 $0xFFFFFFFF  }
0xa8: {  	s24 =	simm.s32 $execute0_lowered;
	[smem:$0x3FD2] =	sst s23  }
0xa9: {  	s3 =	sshll.u32 s24, $0x1;
	_ =	strace $0x80000055;
	[dreg:$0x1] =	wrdreg $0xFFFFFFFF  }
0xaa: {  	s25 =	simm.s32 $_size_execute0_lowered;
	s1 =	sadd.s32 s1, s3;
	[dreg:$0x0] =	wrdreg $0x0  }
0xab: {  	s3 =	sshll.u32 s25, $0x1;
	[dreg:$0x2] =	wrdreg s1  }
0xac: {  	[dreg:$0x3] =	wrdreg s3  }
0xad: {  	[dreg:$0x4] =	wrdreg $0xC0  }
0xae: {  	_ =	task [dreg:s5], $0x5FFFF  }
0xaf: {  	[dreg:$0x1] =	wrdreg $0xFFFFFFFF  }
0xb0: {  	[dreg:$0x0] =	wrdreg $0x60  }
0xb1: {  	[dreg:$0x2] =	wrdreg s22  }
0xb2: {  	[dreg:$0x3] =	wrdreg s14  }
0xb3: {  	[dreg:$0x4] =	wrdreg $0x9  }
0xb4: {  	_ =	task.clear_ibuf [dreg:s5], $0x5FFFF;
	_ =	strace $0x90000055  }
0xb5: {  	s26 =	simm.s32 $0x9;
	_ =	strace $0x80000057  }
0xb6: {  	_ =	swait.ge [sflag:s26], $0x1  }
0xb7: {  	[sflag:s26] =	ssyncadd.s32 $0xFFFFFFFF  }
0xb8: {  	_ =	strace $0x90000057  }
0xb9: {  	_ =	sfence  }
0xba: {  	s28 =	sld [smem:$0x0];
	_ =	sdelay $0x1  }
0xbb: {  	s29 =	srdreg.scid  }
0xbc: {  	s30 =	sshll.u32 s29, $0xD;
	s31 =	sshrl.u32 s29, $0x2  }
0xbd: {  	s2 =	sand.u32 $0x4000, s30;
	s1 =	sand.u32 $0x1, s29;
	s0 =	sadd.s32 s31, s28  }
0xbe: {  	s1 =	sor.u32 s2, s1;
	s0 =	sshll.u32 s0, $0x11  }
0xbf: {  	s0 =	sor.u32 s0, s1  }
0xc0: {  	s0 =	sadd.s32 $0x8F2B, s0  }
0xc1: {  	[sflag:s0] =	ssyncadd.remote.s32 $0x1  }
0xc2: {  	_ =	sfence.sel $0xFFFF  }
0xc3: {  	[dreg:$0x0] =	wrdreg $0xFFFFFFFF;
	(pc) =	sbr.abs _section_cstart, $3  }
0xc4: {  	[dreg:$0x1] =	wrdreg $0xFFFFFFFF  }
0xc5: {  	_ =	task.clear_ibuf [dreg:s5], $0x2FFFF;
	_ =	strace $0x9FFFFFFF  }
0xc6: {  	(tm) =	ssettm $0x7FFFFFFF  }
0xc7: {  	_ =	shalt  }
tec
execute0_lowered:
.L_overlay_start_1:
0x0: {  	(tag) =	ssettag $0x1  }
0x1: {  	s0 =	stileid.u32  }
0x2: {  	s1 =	smin.u32 s0, $0x9  }
0x3: {  	s1 =	sadd.s32 s0, s1  }
0x4: {  	s2 =	simm.s32 $0x320;
	p0 =	slt.u32 s0, $0x9;
	s1 =	smul.u32 $0x190, s1  }
0x5: {  	s2 =	simm.s32 @!p0 $0x190  }
0x6: {  	s2 =	sadd.s32 s2, s1  }
0x7: {  	s3 =	smin.u32 s2, $0x2710  }
0x8: {  	s7 =	ssub.s32 s3, s1  }
0x9: {  	p0 =	sgt.s32 s7, $0x0  }
0xa: {  	s7 =	simm.s32 @!p0 $0x0  }
0xb: {  	s31 =	sand.u32 $0xFFF0, s7  }
0xc: {  	s2 =	sshrl.u32 s31, $0x4  }
0xd: {  	s9 =	rddreg [dreg:$0x0];
	s2 =	smul.u32 $0xA3E, s2  }
0xe: {  	s4 =	rddreg [dreg:$0x1];
	s6 =	simm.s32 $0x1  }
0xf: {  	s11 =	simm.s32 $0x3;
	s13 =	simm.s32 $0x0;
	s8 =	sshrl.u32 s2, $0x10  }
0x10: {  	s12 =	simm.s32 $0x0;
	s5 =	sadd.s32 $0x5200, s9;
	s10 =	smul.u32 $0x190, s8  }
.Ltmp0:
0x11: {  	s9 =	sadd.s32 $0x2C400, s9;
	s2 =	rddreg [dreg:$0x2];
	(pc) =	sbr.rel .LBB2_1-.Ltmp0, $4  }
0x12: {  	_ =	strace $0x80000056;
	p0 =	sne.s32 s7, s10;
	s10 =	simm.s32 $0x1  }
0x13: {  	[sflag:s6] =	ssyncpa.u1 $0x0;
	s7 =	simm.s32 $0x2;
	s10 =	simm.s32 @!p0 $0x0  }
0x14: {  	[sflag:s7] =	ssyncpa.u1 $0x0;
	p0 =	por $0x0, $0x0;
	s8 =	sadd.s32 s8, s10  }
0x15: {  	vm0 =	vmmov $0xff;
	vm1 =	vcmask $0x3F20;
	[sflag:s11] =	ssyncpa.u1 $0x0;
	s11 =	smov.u32 s1;
	s10 =	sadd.s32 $0x1, s8  }
.LBB2_6:
0x16: {  	[hbm:s17] =	stream.linear.scatter [tilespmem:s14], [sflag:$0x3], $0x400, $0x38;
	[tilespmem:$0x19320] =	vst v63  }
.LBB2_7:
0x17: {  	s13 =	sadd.s32 $0x190, s11  }
0x18: {  	s15 =	smov.u32 s1;
	p2 =	slt.s32 s13, s3  }
0x19: {  	s15 =	smov.u32 @p2 s13;
	p2 =	sne.s32 s12, s10  }
.Ltmp1:
0x1a: {  	p1 =	slt.u32 s12, $0x2;
	(pc) =	sbr.rel @!p2 .LBB2_8-.Ltmp1, $4  }
0x1b: {  	s14 =	simm.s32 @!p1 $0x3  }
0x1c: {  	s16 =	sadd.s32 $0x1, s12;
	_ =	swait.ge @!p1 [sflag:s14], $0xC800  }
0x1d: {  	p0 =	por !p0, !p0;
	s13 =	smov.u32 s11;
	[sflag:s14] =	ssyncset.done @!p1 $0x0  }
0x1e: {  	s12 =	smov.u32 s16;
	s11 =	smov.u32 s15;
	[sflag:s14] =	ssyncadd.s32 @!p1 $0xFFFF3800  }
.LBB2_1:
0x1f: {  	p1 =	sge.u32 s12, s8  }
0x20: {  	s14 =	sxor.u32 @!p1 $0xFFFFFFFF, s12  }
0x21: {  	s14 =	sand.u32 @!p1 $0x1, s14  }
0x22: {  	s14 =	smul.u32 @!p1 $0x640, s14  }
0x23: {  	s31 =	sadd.s32 $0xFFFFFFFF, s12;
	s15 =	sshrl.u32 @!p1 s11, $0x3  }
0x24: {  	s16 =	sand.u32 @!p1 $0x7, s11;
	s15 =	sadd.s32 @!p1 s4, s15;
	s14 =	sshrl.u32 @!p1 s14, $0x2  }
0x25: {  	[tilespmem:s14], [sflag:$0x2] =	stream.linear.gather @!p1 [hbm4b:s15+s16], $0x190, $0x38;
	[tilespmem:$0x19320] =	vst v63  }
0x26: {  	p1 =	sge.u32 s31, s8  }
.Ltmp2:
0x27: {  	_ = 	snop;
	(pc) =	sbr.rel @p1 .LBB2_7-.Ltmp2, $1  }
0x28: {  	_ =	sdelay $0x3  }
0x29: {  	s14 =	simm.s32 $0x1  }
0x2a: {  	s14 =	simm.s32 @!p0 $0x0  }
0x2b: {  	s15 =	smul.u32 $0x640, s14  }
0x2c: {  	_ =	swait.ge [sflag:s7], $0x190  }
0x2d: {  	[sflag:s7] =	ssyncset.done $0x0;
	s16 =	sshrl.u32 s15, $0x2  }
0x2e: {  	[sflag:s7] =	ssyncadd.s32 $0xFFFFFE70;
	s15 =	sadd.s32 $0x0, s16  }
0x2f: {  	v0 =	vld.msk [tilespmem:s15+$0x0 ss:$0x1], $0xffff;
	_ =	sdelay $0x4  }
0x30: {  	vm2 =	vgt.s32 v0, $0x0  }
0x31: {  	v0 =	vnsel vm2, $0x0, v0  }
0x32: {  	v0 =	vmin.u32 v0, $0x270F  }
0x33: {  	v0 =	vshll.u32 v0, $0x4  }
0x34: {  	s14 =	smul.u32 $0x32000, s14;
	_ =	sdelay $0x1  }
0x35: {  	s14 =	sshrl.u32 s14, $0x2  }
0x36: {  	s14 =	sor.u32 $0x320, s14  }
0x37: {  	[tilespmem:s14], [sflag:$0x1] =	stream.indirect_vreg.gather [hbm:s5], $0x80, v0, vm0, $0x38;
	[tilespmem:$0x19320] =	vst v63  }
0x38: {  	s17 =	sadd.s32 $0x10, s16;
	s15 =	sadd.s32 $0x400, s14  }
0x39: {  	[tilespmem:s15], [sflag:$0x1] =	stream.indirect_vreg.gather [hbm:s5], $0x80, v0, vm1, $0x38;
	[tilespmem:$0x19320] =	vst v63  }
0x3a: {  	s18 =	simm.s32 $0x80;
	v0 =	vld.msk [tilespmem:s17+$0x0 ss:$0x1], $0xffff;
	s17 =	smov.u32 s14  }
.LBB2_3:
0x3b: {  	p1 =	sne.s32 s18, $0x600;
	_ =	sdelay $0x4  }
0x3c: {  	vm2 =	vgt.s32 v0, $0x0  }
0x3d: {  	v0 =	vnsel vm2, $0x0, v0  }
0x3e: {  	v0 =	vmin.u32 v0, $0x270F  }
0x3f: {  	v0 =	vshll.u32 v0, $0x4;
	_ =	sdelay $0x3  }
.Ltmp3:
0x40: {  	s19 =	sshra.s32 s18, $0x2;
	s17 =	sadd.s32 $0x800, s17;
	(pc) =	sbr.rel @p1 .LBB2_3-.Ltmp3, $4  }
0x41: {  	[tilespmem:s17], [sflag:$0x1] =	stream.indirect_vreg.gather [hbm:s5], $0x80, v0, vm0, $0x38;
	[tilespmem:$0x19320] =	vst v63  }
0x42: {  	s19 =	sadd.s32 s19, s16;
	s20 =	sadd.s32 $0x400, s17  }
0x43: {  	[tilespmem:s20], [sflag:$0x1] =	stream.indirect_vreg.gather [hbm:s5], $0x80, v0, vm1, $0x38;
	[tilespmem:$0x19320] =	vst v63  }
0x44: {  	s18 =	sadd.s32 $0x40, s18;
	v0 =	vld.msk [tilespmem:s19+$0x0 ss:$0x1], $0xffff  }
0x45: {  	_ =	sdelay $0x3  }
0x46: {  	vm2 =	vgt.s32 v0, $0x0  }
0x47: {  	v0 =	vnsel vm2, $0x0, v0  }
0x48: {  	v0 =	vmin.u32 v0, $0x270F  }
0x49: {  	v0 =	vshll.u32 v0, $0x4;
	_ =	sdelay $0x3  }
0x4a: {  	s16 =	sadd.s32 $0x800, s17  }
0x4b: {  	[tilespmem:s16], [sflag:$0x1] =	stream.indirect_vreg.gather [hbm:s5], $0x80, v0, vm0, $0x38;
	[tilespmem:$0x19320] =	vst v63  }
0x4c: {  	s16 =	sadd.s32 $0x400, s16  }
0x4d: {  	[tilespmem:s16], [sflag:$0x1] =	stream.indirect_vreg.gather [hbm:s5], $0x80, v0, vm1, $0x38;
	[tilespmem:$0x19320] =	vst v63  }
0x4e: {  	s13 =	sshll.u32 s13, $0x4;
	_ =	swait.ge [sflag:s6], $0xC800  }
0x4f: {  	s13 =	sadd.s32 s13, s9;
	[sflag:s6] =	ssyncset.done $0x0  }
0x50: {  	s17 =	sadd.s32 $0x0, s13;
	s16 =	simm.s32 $0x80;
	[sflag:s6] =	ssyncadd.s32 $0xFFFF3800  }
.LBB2_5:
0x51: {  	[hbm:s17] =	stream.linear.scatter [tilespmem:s14], [sflag:$0x3], $0x400, $0x38;
	[tilespmem:$0x19320] =	vst v63  }
0x52: {  	s17 =	smov.u32 s16;
	s14 =	smov.u32 s15;
	p1 =	sne.s32 s16, $0x1880  }
.Ltmp4:
0x53: {  	s16 =	sadd.s32 $0x80, s16;
	(pc) =	sbr.rel @p1 .LBB2_5-.Ltmp4, $2  }
0x54: {  	_ =	sdelay $0x2  }
0x55: {  	s15 =	sadd.s32 $0x400, s15;
	s17 =	sadd.s32 s17, s13  }
.Ltmp5:
0x56: {  	_ = 	snop;
	(pc) =	sbr.rel .LBB2_6-.Ltmp5, $1  }
0x57: {  	_ =	sdelay $0x3  }
.LBB2_8:
0x58: {  	_ =	sfence.sel $0x180000  }
0x59: {  	s1 =	simm.s32 $0x2;
	[bflag:$0x0] =	sbarrier.arrive $0xFFFF  }
0x5a: {  	s30 =	simm.s32 $0x3;
	[sflag:s1] =	ssyncpa.u1 $0x1  }
0x5b: {  	s31 =	simm.s32 $0x1;
	[sflag:s30] =	ssyncpa.u1 $0x1  }
0x5c: {  	[sflag:s31] =	ssyncpa.u1 $0x1  }
0x5d: {  	p0 =	sne.s32 s0, $0x0;
	_ =	strace $0x90000056  }
0x5e: {  	s0 =	sadd.s32 @!p0 $0x100000, s2;
	[bflag:$0x2] =	sbarrier.arrive $0xFFFF  }
0x5f: {  	[sflag:s0] =	ssyncadd.tile.s32 @!p0 $0x1;
	_ =	shalt  }
.Lfunc_end2:
_tile_overlayer_lowered:
.L_overlay_start_2:
0x60: {  	(tag) =	ssettag $0x2  }
0x61: {  	s0 =	rddreg [dreg:$0x0];
	s2 =	stileid.u32  }
0x62: {  	s1 =	rddreg [dreg:$0x1];
	p0 =	sne.s32 s2, $0x0  }
0x63: {  	s3 =	rddreg [dreg:$0x2];
	[bflag:$0x3] =	sbarrier.arrive $0xFFFF;
	s2 =	simm.s32 @!p0 $0x1C01  }
0x64: {  	[timem:s3], [sflag:s2] =	dma.local @!p0 [hbm:s0], s1  }
0x65: {  	s0 =	simm.s32 @!p0 $0x1  }
0x66: {  	_ =	swait.ge @!p0 [sflag:s0], s1  }
0x67: {  	s1 =	ssub.s32 @!p0 $0x0, s1;
	[sflag:s0] =	ssyncset.done @!p0 $0x0  }
0x68: {  	[sflag:s0] =	ssyncadd.s32 @!p0 s1  }
0x69: {  	[bflag:$0x3] =	sbarrier.arrive $0xFFFF  }
0x6a: {  	_ =	shalt  }

// kernel: kernel.12.cloned.1.call-start
scs
__scs_entry_jumppad:
0x0: {  	(pc) =	sbr.rel $0x88, $3  }
0x1: {  	(tag) =	ssettag $0x0;
	lr =	simm.s32 $0x1  }
0x2: {  	[smem:$0x3F93] =	sst lr;
	_ =	strace $0xD0000000  }
0x3: {  	_ = 	snop  }
0x4: {  	_ = 	snop  }
0x5: {  	_ = 	snop  }
0x6: {  	_ = 	snop  }
0x7: {  	_ = 	snop  }
__scs_overlays_trampoline_lowered:
0x8: {  	[smem:$0x3FA2] =	sst s0  }
0x9: {  	[smem:$0x3FA3] =	sst s1  }
0xa: {  	[smem:$0x3FA4] =	sst s2  }
0xb: {  	[smem:$0x3FA5] =	sst s3  }
0xc: {  	[smem:$0x3FA6] =	sst s4  }
0xd: {  	[smem:$0x3FA7] =	sst s5  }
0xe: {  	[smem:$0x3FA8] =	sst s6  }
0xf: {  	[smem:$0x3FA9] =	sst s7  }
0x10: {  	[smem:$0x3FAA] =	sst s8  }
0x11: {  	[smem:$0x3FAB] =	sst s9;
	s0 =	simm.s32 @!p0 $0x0  }
0x12: {  	s1 =	sld [smem:$0x3F91];
	s0 =	simm.s32 @p0 $0x1  }
0x13: {  	[smem:$0x3FAC] =	sst s0;
	s0 =	simm.s32 @!p1 $0x0  }
0x14: {  	s2 =	sld [smem:$0x3F90];
	s0 =	simm.s32 @p1 $0x1  }
0x15: {  	[smem:$0x3FAD] =	sst s0;
	s0 =	simm.s32 @!p2 $0x0  }
0x16: {  	s3 =	sld [smem:$0x3FDB];
	s0 =	simm.s32 @p2 $0x1  }
0x17: {  	s4 =	simm.s32 $0x1BF5;
	[smem:$0x3FAF] =	sst s0  }
0x18: {  	s0 =	sld [smem:$0x3F92];
	_ =	swait.ge [sflag:s4], $0x0  }
0x19: {  	s7 =	sld [smem:$0x3F93]  }
0x1a: {  	s8 =	sadd.s32 $0xFFFFE003, lr  }
0x1b: {  	s9 =	sadd.s32 $0xFFFFFEF7, lr;
	s5 =	simm.s32 $0xFFFFFFFF;
	p2 =	slt.u32 s8, $0xFFFFF086  }
0x1c: {  	p1 =	slt.u32 s9, $0xF7A;
	s5 =	simm.s32 @!p2 $0x0  }
0x1d: {  	s5 =	simm.s32 @p1 $0x1;
	p0 =	seq.s32 s7, s2  }
0x1e: {  	s7 =	smul.u32 @!p0 $0xF7A, s2;
	p2 =	seq.s32 @!p0 s5, $0x0  }
0x1f: {  	s9 =	smul.u32 $0xF7A, s1;
	s8 =	simm.s32 @!p0 $0x1BF5;
	p2 =	por !p2, p0  }
0x20: {  	[sflag:s8] =	ssyncset.s32 @!p0 $0xFFFFF086;
	s6 =	sadd.s32 @!p0 s3, s7;
	s7 =	simm.s32 @!p0 $0x108  }
0x21: {  	s3 =	sadd.s32 s3, s9;
	s6 =	sadd.s32 @!p0 $0x88, s6;
	s7 =	simm.s32 @p2 $0x1082  }
0x22: {  	[simem:s7], [sflag:s8] =	dma.local @!p0 [hbm:s6], $0xF7A  }
0x23: {  	s9 =	sor.u32 $0xD0000000, s2;
	s6 =	simm.s32 $0x108;
	_ =	swait.ge @!p0 [sflag:s8], $0x0  }
0x24: {  	s3 =	sadd.s32 $0x88, s3;
	s6 =	simm.s32 @!p1 $0x1082;
	[sflag:s4] =	ssyncset.s32 $0xFFFFF086  }
0x25: {  	[simem:s6], [sflag:s4] =	dma.local [hbm:s3], $0xF7A  }
0x26: {  	[smem:$0x3F93] =	sst s1;
	(tag) =	ssettag s2;
	_ =	strace s9  }
0x27: {  	s1 =	sld [smem:$0x3FA3]  }
0x28: {  	s2 =	sld [smem:$0x3FA4]  }
0x29: {  	s4 =	sld [smem:$0x3FA6]  }
0x2a: {  	p0 =	seq.s32 s5, $0x0;
	s5 =	sld [smem:$0x3FA7]  }
0x2b: {  	s6 =	sld [smem:$0x3FA8]  }
0x2c: {  	s7 =	sld [smem:$0x3FA9]  }
0x2d: {  	s3 =	simm.s32 $0x108;
	s8 =	sld [smem:$0x3FAA]  }
0x2e: {  	s3 =	simm.s32 @!p0 $0x1082;
	s9 =	sld [smem:$0x3FAB]  }
0x2f: {  	lr =	sadd.s32 s0, s3;
	s0 =	sld [smem:$0x3FA2]  }
0x30: {  	s3 =	sld [smem:$0x3FA5]  }
0x31: {  	[smem:$0x3FAE] =	sst s10  }
0x32: {  	s10 =	sld [smem:$0x3FAC];
	_ =	sdelay $0x3  }
0x33: {  	p0 =	seq.s32 s10, $0x1;
	s10 =	sld [smem:$0x3FAE];
	_ =	sdelay $0x3  }
0x34: {  	[smem:$0x3FAE] =	sst s10  }
0x35: {  	s10 =	sld [smem:$0x3FAD];
	_ =	sdelay $0x3  }
0x36: {  	p1 =	seq.s32 s10, $0x1;
	s10 =	sld [smem:$0x3FAE];
	_ =	sdelay $0x3  }
0x37: {  	[smem:$0x3FAE] =	sst s10  }
0x38: {  	s10 =	sld [smem:$0x3FAF]  }
0x39: {  	_ = 	snop;
	(pc) =	sbr.ind lr, $3  }
0x3a: {  	_ = 	snop  }
0x3b: {  	_ = 	snop  }
0x3c: {  	p2 =	seq.s32 s10, $0x1;
	s10 =	sld [smem:$0x3FAE]  }
0x3d: {  	_ =	shalt  }
0x3e: {  	_ =	shalt  }
0x3f: {  	_ =	shalt  }
0x40: {  	_ =	shalt  }
0x41: {  	_ =	shalt  }
0x42: {  	_ =	shalt  }
0x43: {  	_ =	shalt  }
0x44: {  	_ =	shalt  }
0x45: {  	_ =	shalt  }
0x46: {  	_ =	shalt  }
0x47: {  	_ =	shalt  }
0x48: {  	_ =	shalt  }
0x49: {  	_ =	shalt  }
0x4a: {  	_ =	shalt  }
0x4b: {  	_ =	shalt  }
0x4c: {  	_ =	shalt  }
0x4d: {  	_ =	shalt  }
0x4e: {  	_ =	shalt  }
0x4f: {  	_ =	shalt  }
0x50: {  	_ =	shalt  }
0x51: {  	_ =	shalt  }
0x52: {  	_ =	shalt  }
0x53: {  	_ =	shalt  }
0x54: {  	_ =	shalt  }
0x55: {  	_ =	shalt  }
0x56: {  	_ =	shalt  }
0x57: {  	_ =	shalt  }
0x58: {  	_ =	shalt  }
0x59: {  	_ =	shalt  }
0x5a: {  	_ =	shalt  }
0x5b: {  	_ =	shalt  }
0x5c: {  	_ =	shalt  }
0x5d: {  	_ =	shalt  }
0x5e: {  	_ =	shalt  }
0x5f: {  	_ =	shalt  }
0x60: {  	_ =	shalt  }
0x61: {  	_ =	shalt  }
0x62: {  	_ =	shalt  }
0x63: {  	_ =	shalt  }
0x64: {  	_ =	shalt  }
0x65: {  	_ =	shalt  }
0x66: {  	_ =	shalt  }
0x67: {  	_ =	shalt  }
0x68: {  	_ =	shalt  }
0x69: {  	_ =	shalt  }
0x6a: {  	_ =	shalt  }
0x6b: {  	_ =	shalt  }
0x6c: {  	_ =	shalt  }
0x6d: {  	_ =	shalt  }
0x6e: {  	_ =	shalt  }
0x6f: {  	_ =	shalt  }
0x70: {  	_ =	shalt  }
0x71: {  	_ =	shalt  }
0x72: {  	_ =	shalt  }
0x73: {  	_ =	shalt  }
0x74: {  	_ =	shalt  }
0x75: {  	_ =	shalt  }
0x76: {  	_ =	shalt  }
0x77: {  	_ =	shalt  }
0x78: {  	_ =	shalt  }
0x79: {  	_ =	shalt  }
0x7a: {  	_ =	shalt  }
0x7b: {  	_ =	shalt  }
0x7c: {  	_ =	shalt  }
0x7d: {  	_ =	shalt  }
0x7e: {  	_ =	shalt  }
0x7f: {  	_ =	shalt  }
0x80: {  	_ =	shalt  }
0x81: {  	_ =	shalt  }
0x82: {  	_ =	shalt  }
0x83: {  	_ =	shalt  }
0x84: {  	_ =	shalt  }
0x85: {  	_ =	shalt  }
0x86: {  	_ =	shalt  }
0x87: {  	_ =	shalt  }
.Lfunc_end0:
.L_simem_size_0:
called_computation.1_lowered:
.L_overlay_start_0:
0x88: {  	s2 =	sld [smem:$0x3FD9]  }
0x89: {  	s3 =	sld [smem:$0x3FFE];
	_ =	sdelay $0x1  }
0x8a: {  	s1 =	srdreg.scid  }
0x8b: {  	s0 =	sand.u32 $0x1, s1  }
0x8c: {  	s16 =	sshll.u32 s0, $0xA;
	s2 =	sadd.s32 s3, s2  }
0x8d: {  	s2 =	sadd.s32 s2, s16  }
0x8e: {  	[smem:$0x3FBA] =	sst s2  }
0x8f: {  	_ = 	snop  }
0x90: {  	(tm) =	ssettm $0x1  }
0x91: {  	s17 =	sld [smem:$0x3FFB];
	_ =	sdelay $0x3  }
0x92: {  	_ =	strace s17  }
0x93: {  	s2 =	sld [smem:$0x3FFC];
	_ =	sdelay $0x3  }
0x94: {  	_ =	strace s2  }
0x95: {  	s2 =	sld [smem:$0x3FFD];
	_ =	sdelay $0x3  }
0x96: {  	_ =	strace s2  }
0x97: {  	_ =	strace $0x8FFFFFFF  }
0x98: {  	s18 =	sld [smem:$0x3FDB];
	_ =	sdelay $0x1  }
0x99: {  	s19 =	simm.s32 $_scs_section_size  }
0x9a: {  	s4 =	simm.s32 $_size__tile_overlayer_lowered;
	s5 =	simm.s32 $_tile_overlayer_lowered  }
0x9b: {  	s22 =	simm.s32 $0x1BFF;
	s21 =	sshll.u32 s5, $0x1;
	s2 =	sadd.s32 s19, s18  }
0x9c: {  	s6 =	simm.s32 $0x0;
	s20 =	sshll.u32 s4, $0x1;
	s4 =	sadd.s32 s21, s2  }
0x9d: {  	[timem:s6], [sflag:s22] =	dma.local [hbm:s4], s20  }
0x9e: {  	_ =	swait.ge [sflag:s22], s20  }
0x9f: {  	s3 =	ssub.s32 $0x0, s20;
	[sflag:s22] =	ssyncset.done $0x0  }
0xa0: {  	[sflag:s22] =	ssyncadd.s32 s3;
	_ =	sdelay $0x1  }
0xa1: {  	s23 =	simm.s32 $0x1B8B  }
0xa2: {  	_ =	swait.ge [sflag:s23], $0x1  }
0xa3: {  	[sflag:s23] =	ssyncset.done $0x0  }
0xa4: {  	s25 =	simm.s32 $0x1B8E;
	s24 =	sld [smem:$0x3FFE];
	[sflag:s23] =	ssyncadd.s32 $0xFFFFFFFF  }
0xa5: {  	s26 =	simm.s32 $execute0_lowered;
	[smem:$0x3FD2] =	sst s25  }
0xa6: {  	s4 =	sshll.u32 s26, $0x1;
	_ =	strace $0x80000046;
	[dreg:$0x1] =	wrdreg $0xFFFFFFFF  }
0xa7: {  	s28 =	simm.s32 $_size_execute0_lowered;
	s2 =	sadd.s32 s2, s4;
	[dreg:$0x0] =	wrdreg $0x0  }
0xa8: {  	s4 =	sshll.u32 s28, $0x1;
	[dreg:$0x2] =	wrdreg s2  }
0xa9: {  	[dreg:$0x3] =	wrdreg s4  }
0xaa: {  	[dreg:$0x4] =	wrdreg $0xC0  }
0xab: {  	_ =	task [dreg:s6], $0x5FFFF  }
0xac: {  	[dreg:$0x1] =	wrdreg $0xFFFFFFFF  }
0xad: {  	[dreg:$0x0] =	wrdreg $0x60  }
0xae: {  	[dreg:$0x2] =	wrdreg s24  }
0xaf: {  	[dreg:$0x3] =	wrdreg $0x0  }
0xb0: {  	[dreg:$0x4] =	wrdreg $0x9  }
0xb1: {  	_ =	task.clear_ibuf [dreg:s6], $0x5FFFF;
	_ =	strace $0x90000046  }
0xb2: {  	s29 =	simm.s32 $0x9;
	_ =	strace $0x80000048  }
0xb3: {  	_ =	swait.ge [sflag:s29], $0x1  }
0xb4: {  	[sflag:s29] =	ssyncadd.s32 $0xFFFFFFFF  }
0xb5: {  	_ =	strace $0x90000048  }
0xb6: {  	_ =	sfence  }
0xb7: {  	s30 =	sld [smem:$0x0];
	_ =	sdelay $0x2  }
0xb8: {  	s31 =	sshll.u32 s1, $0xD;
	s1 =	sshrl.u32 s1, $0x2  }
0xb9: {  	s3 =	sand.u32 $0x4000, s31;
	s1 =	sadd.s32 s1, s30  }
0xba: {  	s0 =	sor.u32 s3, s0;
	s1 =	sshll.u32 s1, $0x11  }
0xbb: {  	s0 =	sor.u32 s1, s0  }
0xbc: {  	s0 =	sadd.s32 $0x8F2B, s0  }
0xbd: {  	[sflag:s0] =	ssyncadd.remote.s32 $0x1  }
0xbe: {  	_ =	sfence.sel $0xFFFF  }
0xbf: {  	[dreg:$0x0] =	wrdreg $0xFFFFFFFF;
	(pc) =	sbr.abs _section_cstart, $3  }
0xc0: {  	[dreg:$0x1] =	wrdreg $0xFFFFFFFF  }
0xc1: {  	_ =	task.clear_ibuf [dreg:s6], $0x2FFFF;
	_ =	strace $0x9FFFFFFF  }
0xc2: {  	(tm) =	ssettm $0x7FFFFFFF  }
0xc3: {  	_ =	shalt  }
tec
execute0_lowered:
.L_overlay_start_1:
0x0: {  	(tag) =	ssettag $0x1  }
0x1: {  	s6 =	rddreg [dreg:$0x0]  }
0x2: {  	s2 =	rddreg [dreg:$0x1];
	s3 =	simm.s32 $0x0;
	s0 =	stileid.u32  }
0x3: {  	s4 =	srdreg.scid;
	s17 =	simm.s32 $0x1;
	s7 =	smul.u32 $0x13C00, s0  }
0x4: {  	s20 =	simm.s32 $0x0;
	s8 =	sand.u32 $0x1, s4;
	s13 =	smul.u32 $0x4F000, s0  }
0x5: {  	[smem:$0x7FF] =	sst s3;
	s4 =	sadd.s32 $0x40A00, s6;
	s5 =	smul.u32 $0xFFFFFF70, s8  }
0x6: {  	s12 =	sadd.s32 $0x5200, s6;
	s29 =	sshll.u32 s0, $0x6;
	s9 =	smul.u32 $0x13C000, s8  }
0x7: {  	_ =	strace $0x80000047;
	s11 =	smul.u32 $0x980, s8;
	s8 =	ssub.s32 $0x2, s8  }
0x8: {  	s10 =	sshrl.u32 s7, $0x3;
	s24 =	sshrl.u32 s8, $0x1;
	s26 =	sshrl.u32 s13, $0x2  }
0x9: {  	s5 =	sadd.s32 $0x98, s5;
	s10 =	sadd.s32 s10, s6;
	s7 =	sadd.s32 s7, s9  }
0xa: {  	s25 =	ssub.s32 s8, s24;
	s13 =	sadd.s32 s26, s2;
	s23 =	smul.u32 s0, s5  }
0xb: {  	s8 =	sor.u32 $0x1C06, s29;
	s7 =	sshrl.u32 s7, $0x3;
	s13 =	sshrl.u32 s13, $0x3  }
0xc: {  	s14 =	sadd.s32 s7, s6;
	s6 =	sadd.s32 $0x19200, s10;
	s9 =	sadd.s32 s11, s23  }
0xd: {  	s10 =	sadd.s32 $0x67C00, s14;
	s28 =	sshll.u32 s9, $0x5;
	s30 =	sor.u32 $0x2, s9  }
0xe: {  	s11 =	smax.u32 s25, $0x1;
	s7 =	sand.u32 $0x1FFFFF00, s28;
	s15 =	sand.u32 $0xFFFFFA, s30  }
0xf: {  	s14 =	simm.s32 $0x6;
	s7 =	sadd.s32 s12, s7;
	s31 =	sshll.u32 s15, $0x5  }
0x10: {  	s15 =	simm.s32 $0x13C00;
	s9 =	sadd.s32 $0x20, s7;
	s12 =	sadd.s32 s31, s12  }
.LBB2_1:
0x11: {  	[spmem:s13], [sflag:s8] =	dma.local [hbm:s6], $0x2780  }
0x12: {  	s0 =	simm.s32 $0x13D00;
	s31 =	simm.s32 $0x80;
	_ =	swait.ge [sflag:s14], $0x2780  }
0x13: {  	s21 =	simm.s32 $0x2;
	p2 =	sle.u32 s5, $0x2;
	[sflag:s14] =	ssyncset.done $0x0  }
0x14: {  	s22 =	simm.s32 $0x1;
	p1 =	sle.u32 s5, $0x1;
	[sflag:s14] =	ssyncadd.s32 $0xFFFFD880  }
0x15: {  	p0 =	sle.u32 s5, $0x0;
	s21 =	smul.u32 @!p2 $0xAB, s21;
	[bflag:$0x0] =	sbarrier.arrive $0xFFFF  }
0x16: {  	[tilespmem:s15], [sflag:$0x1] =	stream.linear.gather [hbm4b:s7+s3], $0x100, $0x38;
	[tilespmem:$0x1BF00] =	vst v63  }
0x17: {  	s1 =	simm.s32 $0x13F00;
	s23 =	smul.u32 @!p1 $0xAB, s22;
	s24 =	sand.u32 @!p0 $0x1, s3  }
0x18: {  	[tilespmem:s0], [sflag:$0x2] =	stream.linear.gather [hbm4b:s9+s3], $0x100, $0x38;
	[tilespmem:$0x1BF00] =	vst v63  }
0x19: {  	s24 =	sor.u32 @!p0 $0x4, s24;
	s21 =	sshrl.u32 @!p2 s21, $0x9;
	_ =	swait.ge [sflag:s17], $0x100  }
0x1a: {  	s23 =	sshrl.u32 @!p1 s23, $0x9;
	s21 =	sand.u32 @!p2 $0x7F, s21;
	[sflag:s17] =	ssyncset.done $0x0  }
0x1b: {  	s23 =	sand.u32 @!p1 $0x7F, s23;
	s21 =	smul.u32 @!p2 $0x3, s21;
	[sflag:s17] =	ssyncadd.s32 $0xFFFFFF00  }
0x1c: {  	[tilespmem:s1], [sflag:$0x4] =	stream.indirect.gather [hbm4b:s4+s31], $0x80, s15, s31, $0xb8;
	[tilespmem:$0x1BF00] =	vst v63  }
0x1d: {  	s23 =	smul.u32 @!p1 $0x3, s23;
	s21 =	ssub.s32 @!p2 $0x2, s21;
	_ =	swait.ge @!p0 [sflag:s24], $0x4000  }
0x1e: {  	s25 =	simm.s32 @!p2 $0x0;
	s21 =	sand.u32 @!p2 $0xFF, s21;
	[sflag:s24] =	ssyncset.done @!p0 $0x0  }
0x1f: {  	s23 =	ssub.s32 @!p1 $0x1, s23;
	[sflag:s24] =	ssyncadd.s32 @!p0 $0xFFFFC000;
	s24 =	sshll.u32 @!p2 s21, $0x8  }
0x20: {  	s23 =	sand.u32 @!p1 $0xFF, s23;
	s21 =	sadd.s32 @!p2 $0x1, s21;
	s24 =	sor.u32 @!p2 $0x13C00, s24  }
0x21: {  	[tilespmem:s24], [sflag:s21] =	stream.linear.gather @!p2 [hbm4b:s12+s25], $0x100, $0x38;
	[tilespmem:$0x1BF00] =	vst v63  }
0x22: {  	s22 =	sand.u32 @!p1 $0x1, s22;
	s21 =	sadd.s32 @!p1 $0x1, s23;
	s24 =	smul.u32 @!p0 $0xAB, s3  }
0x23: {  	s25 =	simm.s32 @!p1 $0x80;
	s23 =	sshll.u32 @!p1 s23, $0x8;
	_ =	swait.ge @!p1 [sflag:s21], $0x100  }
0x24: {  	s23 =	sor.u32 @!p1 $0x13C00, s23;
	[sflag:s21] =	ssyncset.done @!p1 $0x0;
	s24 =	sshrl.u32 @!p0 s24, $0x9  }
0x25: {  	[sflag:s21] =	ssyncadd.s32 @!p1 $0xFFFFFF00;
	s21 =	sshll.u32 @!p1 s22, $0xE;
	s24 =	sand.u32 @!p0 $0x7F, s24  }
0x26: {  	s22 =	sor.u32 @!p1 $0x4, s22;
	s21 =	sor.u32 @!p1 $0x13F00, s21;
	s24 =	smul.u32 @!p0 $0x3, s24  }
0x27: {  	[tilespmem:s21], [sflag:s22] =	stream.indirect.gather @!p1 [hbm4b:s4+s25], $0x80, s23, s25, $0xb8;
	[tilespmem:$0x1BF00] =	vst v63  }
0x28: {  	p1 =	por $0x1, $0x1;
	s21 =	ssub.s32 @!p0 $0x0, s24  }
.Ltmp0:
0x29: {  	s22 =	sand.u32 @!p0 $0x10000, s3;
	s21 =	sand.u32 @!p0 $0xC3, s21;
	(pc) =	sbr.rel @!p1 .LBB2_3-.Ltmp0, $4  }
0x2a: {  	s23 =	simm.s32 @!p0 $0x80;
	s22 =	sshrl.u32 @!p0 s22, $0x2;
	s21 =	sshll.u32 @!p0 s21, $0x8  }
0x2b: {  	s24 =	simm.s32 @!p0 $0x6;
	s22 =	sor.u32 @!p0 $0x13F00, s22;
	s21 =	sor.u32 @!p0 $0x13C80, s21  }
0x2c: {  	[spmem:s2] =	stream.indirect.scatter.add.f32 @!p0 [tilespmem:s22], [sflag:$0x6], $0x80, s21, s23, $0xb8;
	[tilespmem:$0x1BF00] =	vst v63  }
0x2d: {  	s23 =	simm.s32 $0x1;
	s21 =	simm.s32 $0x0;
	s22 =	smov.u32 s12  }
.LBB2_2:
0x2e: {  	_ =	swait.ge @!p0 [sflag:s24], $0x4000;
	s21 =	sadd.s32 $0x10000, s21;
	s22 =	sadd.s32 $0x20, s22  }
0x2f: {  	s25 =	smov.u32 s23;
	[sflag:s24] =	ssyncset.done @!p0 $0x0  }
0x30: {  	[sflag:s24] =	ssyncadd.s32 @!p0 $0xFFFFC000  }
0x31: {  	s24 =	sadd.s32 $0x2, s23  }
0x32: {  	s26 =	sadd.s32 $0x1, s25;
	p2 =	sge.u32 s24, s5;
	s23 =	sadd.s32 $0xFFFFFFFF, s24  }
0x33: {  	s28 =	smul.u32 @!p2 $0xAB, s24;
	s29 =	simm.s32 @!p2 $0x0;
	p1 =	sge.u32 s23, s5  }
0x34: {  	s30 =	smul.u32 @!p1 $0xAB, s26;
	s31 =	sand.u32 @!p1 $0x1, s26;
	s0 =	simm.s32 @!p1 $0x80  }
0x35: {  	s28 =	sshrl.u32 @!p2 s28, $0x9;
	s1 =	sshll.u32 @!p1 s31, $0xE;
	s31 =	sor.u32 @!p1 $0x4, s31  }
0x36: {  	s28 =	sand.u32 @!p2 $0x7F, s28;
	s30 =	sshrl.u32 @!p1 s30, $0x9;
	s1 =	sor.u32 @!p1 $0x13F00, s1  }
0x37: {  	p0 =	sge.u32 s25, s5;
	s28 =	smul.u32 @!p2 $0x3, s28;
	s30 =	sand.u32 @!p1 $0x7F, s30  }
0x38: {  	s16 =	sand.u32 @!p0 $0x1, s25;
	s18 =	sand.u32 @!p0 $0x10000, s21;
	s30 =	smul.u32 @!p1 $0x3, s30  }
0x39: {  	s16 =	sor.u32 @!p0 $0x4, s16;
	s24 =	ssub.s32 @!p2 s24, s28;
	s28 =	smul.u32 @!p0 $0xAB, s25  }
0x3a: {  	s24 =	sand.u32 @!p2 $0xFF, s24;
	s26 =	ssub.s32 @!p1 s26, s30;
	_ =	swait.ge @!p0 [sflag:s16], $0x4000  }
0x3b: {  	s30 =	sshll.u32 @!p2 s24, $0x8;
	s24 =	sadd.s32 @!p2 $0x1, s24;
	s28 =	sshrl.u32 @!p0 s28, $0x9  }
0x3c: {  	s26 =	sand.u32 @!p1 $0xFF, s26;
	s30 =	sor.u32 @!p2 $0x13C00, s30;
	s28 =	sand.u32 @!p0 $0x7F, s28  }
0x3d: {  	s19 =	sadd.s32 @!p1 $0x1, s26;
	s28 =	smul.u32 @!p0 $0x3, s28;
	[sflag:s16] =	ssyncset.done @!p0 $0x0  }
0x3e: {  	s18 =	sshrl.u32 @!p0 s18, $0x2;
	[sflag:s16] =	ssyncadd.s32 @!p0 $0xFFFFC000;
	s16 =	sshll.u32 @!p1 s26, $0x8  }
0x3f: {  	[tilespmem:s30], [sflag:s24] =	stream.linear.gather @!p2 [hbm4b:s22+s29], $0x100, $0x38;
	[tilespmem:$0x1BF00] =	vst v63  }
0x40: {  	s16 =	sor.u32 @!p1 $0x13C00, s16;
	s24 =	ssub.s32 @!p0 s25, s28;
	_ =	swait.ge @!p1 [sflag:s19], $0x100  }
0x41: {  	s18 =	sor.u32 @!p0 $0x13F00, s18;
	s24 =	sand.u32 @!p0 $0xC3, s24;
	[sflag:s19] =	ssyncset.done @!p1 $0x0  }
0x42: {  	s25 =	simm.s32 @!p0 $0x80;
	[sflag:s19] =	ssyncadd.s32 @!p1 $0xFFFFFF00;
	s19 =	sshll.u32 @!p0 s24, $0x8  }
0x43: {  	[tilespmem:s1], [sflag:s31] =	stream.indirect.gather @!p1 [hbm4b:s4+s0], $0x80, s16, s0, $0xb8;
	[tilespmem:$0x1BF00] =	vst v63  }
0x44: {  	p1 =	sne.s32 s23, $0x98  }
.Ltmp1:
0x45: {  	_ = 	snop;
	(pc) =	sbr.rel @p1 .LBB2_2-.Ltmp1, $3  }
0x46: {  	_ =	sdelay $0x1  }
0x47: {  	s24 =	simm.s32 @!p0 $0x6;
	s0 =	sor.u32 @!p0 $0x13C80, s19  }
0x48: {  	[spmem:s2] =	stream.indirect.scatter.add.f32 @!p0 [tilespmem:s18], [sflag:$0x6], $0x80, s0, s25, $0xb8;
	[tilespmem:$0x1BF00] =	vst v63  }
.LBB2_3:
0x49: {  	_ =	swait.ge @!p0 [sflag:s24], $0x4000  }
0x4a: {  	s20 =	sadd.s32 $0x1, s20;
	[sflag:s24] =	ssyncset.done @!p0 $0x0  }
0x4b: {  	[sflag:s24] =	ssyncadd.s32 @!p0 $0xFFFFC000;
	p0 =	sne.s32 s20, s11  }
.Ltmp2:
0x4c: {  	[bflag:$0x0] =	sbarrier.arrive $0xFFFF;
	(pc) =	sbr.rel @p0 .LBB2_1-.Ltmp2, $4  }
0x4d: {  	[hbm:s10], [sflag:s8] =	dma.local [spmem:s13], $0x2780  }
0x4e: {  	_ =	swait.ge [sflag:s14], $0x2780  }
0x4f: {  	[sflag:s14] =	ssyncset.done $0x0  }
0x50: {  	[sflag:s14] =	ssyncadd.s32 $0xFFFFD880  }
0x51: {  	_ =	sfence.sel $0x180000  }
0x52: {  	[bflag:$0x0] =	sbarrier.arrive $0xFFFF  }
0x53: {  	_ =	strace $0x90000047  }
0x54: {  	s0 =	stileid.u32;
	[bflag:$0x2] =	sbarrier.arrive $0xFFFF  }
0x55: {  	p0 =	sne.s32 s0, $0x0;
	s0 =	rddreg [dreg:$0x2]  }
0x56: {  	s0 =	sadd.s32 @!p0 $0x100000, s0  }
0x57: {  	[sflag:s0] =	ssyncadd.tile.s32 @!p0 $0x1;
	_ =	shalt  }
.Lfunc_end2:
_tile_overlayer_lowered:
.L_overlay_start_2:
0x58: {  	(tag) =	ssettag $0x2  }
0x59: {  	s0 =	rddreg [dreg:$0x0];
	s2 =	stileid.u32  }
0x5a: {  	s1 =	rddreg [dreg:$0x1];
	p0 =	sne.s32 s2, $0x0  }
0x5b: {  	s3 =	rddreg [dreg:$0x2];
	[bflag:$0x3] =	sbarrier.arrive $0xFFFF;
	s2 =	simm.s32 @!p0 $0x1C06  }
0x5c: {  	[timem:s3], [sflag:s2] =	dma.local @!p0 [hbm:s0], s1  }
0x5d: {  	s0 =	simm.s32 @!p0 $0x6  }
0x5e: {  	_ =	swait.ge @!p0 [sflag:s0], s1  }
0x5f: {  	s1 =	ssub.s32 @!p0 $0x0, s1;
	[sflag:s0] =	ssyncset.done @!p0 $0x0  }
0x60: {  	[sflag:s0] =	ssyncadd.s32 @!p0 s1  }
0x61: {  	[bflag:$0x3] =	sbarrier.arrive $0xFFFF  }
0x62: {  	_ =	shalt  }

// kernel: kernel.15.cloned.1.call-start
scs
__scs_entry_jumppad:
0x0: {  	(pc) =	sbr.rel $0x88, $3  }
0x1: {  	(tag) =	ssettag $0x0;
	lr =	simm.s32 $0x1  }
0x2: {  	[smem:$0x3F93] =	sst lr;
	_ =	strace $0xD0000000  }
0x3: {  	_ = 	snop  }
0x4: {  	_ = 	snop  }
0x5: {  	_ = 	snop  }
0x6: {  	_ = 	snop  }
0x7: {  	_ = 	snop  }
__scs_overlays_trampoline_lowered:
0x8: {  	[smem:$0x3FA2] =	sst s0  }
0x9: {  	[smem:$0x3FA3] =	sst s1  }
0xa: {  	[smem:$0x3FA4] =	sst s2  }
0xb: {  	[smem:$0x3FA5] =	sst s3  }
0xc: {  	[smem:$0x3FA6] =	sst s4  }
0xd: {  	[smem:$0x3FA7] =	sst s5  }
0xe: {  	[smem:$0x3FA8] =	sst s6  }
0xf: {  	[smem:$0x3FA9] =	sst s7  }
0x10: {  	[smem:$0x3FAA] =	sst s8  }
0x11: {  	[smem:$0x3FAB] =	sst s9;
	s0 =	simm.s32 @!p0 $0x0  }
0x12: {  	s1 =	sld [smem:$0x3F91];
	s0 =	simm.s32 @p0 $0x1  }
0x13: {  	[smem:$0x3FAC] =	sst s0;
	s0 =	simm.s32 @!p1 $0x0  }
0x14: {  	s2 =	sld [smem:$0x3F90];
	s0 =	simm.s32 @p1 $0x1  }
0x15: {  	[smem:$0x3FAD] =	sst s0;
	s0 =	simm.s32 @!p2 $0x0  }
0x16: {  	s3 =	sld [smem:$0x3FDB];
	s0 =	simm.s32 @p2 $0x1  }
0x17: {  	s4 =	simm.s32 $0x1BF5;
	[smem:$0x3FAF] =	sst s0  }
0x18: {  	s0 =	sld [smem:$0x3F92];
	_ =	swait.ge [sflag:s4], $0x0  }
0x19: {  	s7 =	sld [smem:$0x3F93]  }
0x1a: {  	s8 =	sadd.s32 $0xFFFFE003, lr  }
0x1b: {  	s9 =	sadd.s32 $0xFFFFFEF7, lr;
	s5 =	simm.s32 $0xFFFFFFFF;
	p2 =	slt.u32 s8, $0xFFFFF086  }
0x1c: {  	p1 =	slt.u32 s9, $0xF7A;
	s5 =	simm.s32 @!p2 $0x0  }
0x1d: {  	s5 =	simm.s32 @p1 $0x1;
	p0 =	seq.s32 s7, s2  }
0x1e: {  	s7 =	smul.u32 @!p0 $0xF7A, s2;
	p2 =	seq.s32 @!p0 s5, $0x0  }
0x1f: {  	s9 =	smul.u32 $0xF7A, s1;
	s8 =	simm.s32 @!p0 $0x1BF5;
	p2 =	por !p2, p0  }
0x20: {  	[sflag:s8] =	ssyncset.s32 @!p0 $0xFFFFF086;
	s6 =	sadd.s32 @!p0 s3, s7;
	s7 =	simm.s32 @!p0 $0x108  }
0x21: {  	s3 =	sadd.s32 s3, s9;
	s6 =	sadd.s32 @!p0 $0x88, s6;
	s7 =	simm.s32 @p2 $0x1082  }
0x22: {  	[simem:s7], [sflag:s8] =	dma.local @!p0 [hbm:s6], $0xF7A  }
0x23: {  	s9 =	sor.u32 $0xD0000000, s2;
	s6 =	simm.s32 $0x108;
	_ =	swait.ge @!p0 [sflag:s8], $0x0  }
0x24: {  	s3 =	sadd.s32 $0x88, s3;
	s6 =	simm.s32 @!p1 $0x1082;
	[sflag:s4] =	ssyncset.s32 $0xFFFFF086  }
0x25: {  	[simem:s6], [sflag:s4] =	dma.local [hbm:s3], $0xF7A  }
0x26: {  	[smem:$0x3F93] =	sst s1;
	(tag) =	ssettag s2;
	_ =	strace s9  }
0x27: {  	s1 =	sld [smem:$0x3FA3]  }
0x28: {  	s2 =	sld [smem:$0x3FA4]  }
0x29: {  	s4 =	sld [smem:$0x3FA6]  }
0x2a: {  	p0 =	seq.s32 s5, $0x0;
	s5 =	sld [smem:$0x3FA7]  }
0x2b: {  	s6 =	sld [smem:$0x3FA8]  }
0x2c: {  	s7 =	sld [smem:$0x3FA9]  }
0x2d: {  	s3 =	simm.s32 $0x108;
	s8 =	sld [smem:$0x3FAA]  }
0x2e: {  	s3 =	simm.s32 @!p0 $0x1082;
	s9 =	sld [smem:$0x3FAB]  }
0x2f: {  	lr =	sadd.s32 s0, s3;
	s0 =	sld [smem:$0x3FA2]  }
0x30: {  	s3 =	sld [smem:$0x3FA5]  }
0x31: {  	[smem:$0x3FAE] =	sst s10  }
0x32: {  	s10 =	sld [smem:$0x3FAC];
	_ =	sdelay $0x3  }
0x33: {  	p0 =	seq.s32 s10, $0x1;
	s10 =	sld [smem:$0x3FAE];
	_ =	sdelay $0x3  }
0x34: {  	[smem:$0x3FAE] =	sst s10  }
0x35: {  	s10 =	sld [smem:$0x3FAD];
	_ =	sdelay $0x3  }
0x36: {  	p1 =	seq.s32 s10, $0x1;
	s10 =	sld [smem:$0x3FAE];
	_ =	sdelay $0x3  }
0x37: {  	[smem:$0x3FAE] =	sst s10  }
0x38: {  	s10 =	sld [smem:$0x3FAF]  }
0x39: {  	_ = 	snop;
	(pc) =	sbr.ind lr, $3  }
0x3a: {  	_ = 	snop  }
0x3b: {  	_ = 	snop  }
0x3c: {  	p2 =	seq.s32 s10, $0x1;
	s10 =	sld [smem:$0x3FAE]  }
0x3d: {  	_ =	shalt  }
0x3e: {  	_ =	shalt  }
0x3f: {  	_ =	shalt  }
0x40: {  	_ =	shalt  }
0x41: {  	_ =	shalt  }
0x42: {  	_ =	shalt  }
0x43: {  	_ =	shalt  }
0x44: {  	_ =	shalt  }
0x45: {  	_ =	shalt  }
0x46: {  	_ =	shalt  }
0x47: {  	_ =	shalt  }
0x48: {  	_ =	shalt  }
0x49: {  	_ =	shalt  }
0x4a: {  	_ =	shalt  }
0x4b: {  	_ =	shalt  }
0x4c: {  	_ =	shalt  }
0x4d: {  	_ =	shalt  }
0x4e: {  	_ =	shalt  }
0x4f: {  	_ =	shalt  }
0x50: {  	_ =	shalt  }
0x51: {  	_ =	shalt  }
0x52: {  	_ =	shalt  }
0x53: {  	_ =	shalt  }
0x54: {  	_ =	shalt  }
0x55: {  	_ =	shalt  }
0x56: {  	_ =	shalt  }
0x57: {  	_ =	shalt  }
0x58: {  	_ =	shalt  }
0x59: {  	_ =	shalt  }
0x5a: {  	_ =	shalt  }
0x5b: {  	_ =	shalt  }
0x5c: {  	_ =	shalt  }
0x5d: {  	_ =	shalt  }
0x5e: {  	_ =	shalt  }
0x5f: {  	_ =	shalt  }
0x60: {  	_ =	shalt  }
0x61: {  	_ =	shalt  }
0x62: {  	_ =	shalt  }
0x63: {  	_ =	shalt  }
0x64: {  	_ =	shalt  }
0x65: {  	_ =	shalt  }
0x66: {  	_ =	shalt  }
0x67: {  	_ =	shalt  }
0x68: {  	_ =	shalt  }
0x69: {  	_ =	shalt  }
0x6a: {  	_ =	shalt  }
0x6b: {  	_ =	shalt  }
0x6c: {  	_ =	shalt  }
0x6d: {  	_ =	shalt  }
0x6e: {  	_ =	shalt  }
0x6f: {  	_ =	shalt  }
0x70: {  	_ =	shalt  }
0x71: {  	_ =	shalt  }
0x72: {  	_ =	shalt  }
0x73: {  	_ =	shalt  }
0x74: {  	_ =	shalt  }
0x75: {  	_ =	shalt  }
0x76: {  	_ =	shalt  }
0x77: {  	_ =	shalt  }
0x78: {  	_ =	shalt  }
0x79: {  	_ =	shalt  }
0x7a: {  	_ =	shalt  }
0x7b: {  	_ =	shalt  }
0x7c: {  	_ =	shalt  }
0x7d: {  	_ =	shalt  }
0x7e: {  	_ =	shalt  }
0x7f: {  	_ =	shalt  }
0x80: {  	_ =	shalt  }
0x81: {  	_ =	shalt  }
0x82: {  	_ =	shalt  }
0x83: {  	_ =	shalt  }
0x84: {  	_ =	shalt  }
0x85: {  	_ =	shalt  }
0x86: {  	_ =	shalt  }
0x87: {  	_ =	shalt  }
.Lfunc_end0:
.L_simem_size_0:
called_computation.2_lowered:
.L_overlay_start_0:
0x88: {  	s2 =	sld [smem:$0x3FD9]  }
0x89: {  	s3 =	sld [smem:$0x3FFE];
	_ =	sdelay $0x1  }
0x8a: {  	s1 =	srdreg.scid  }
0x8b: {  	s0 =	sand.u32 $0x1, s1  }
0x8c: {  	s16 =	sshll.u32 s0, $0xA;
	s2 =	sadd.s32 s3, s2  }
0x8d: {  	s2 =	sadd.s32 s2, s16  }
0x8e: {  	[smem:$0x3FBA] =	sst s2  }
0x8f: {  	_ = 	snop  }
0x90: {  	(tm) =	ssettm $0x1  }
0x91: {  	s17 =	sld [smem:$0x3FFB];
	_ =	sdelay $0x3  }
0x92: {  	_ =	strace s17  }
0x93: {  	s2 =	sld [smem:$0x3FFC];
	_ =	sdelay $0x3  }
0x94: {  	_ =	strace s2  }
0x95: {  	s2 =	sld [smem:$0x3FFD];
	_ =	sdelay $0x3  }
0x96: {  	_ =	strace s2  }
0x97: {  	_ =	strace $0x8FFFFFFF  }
0x98: {  	s18 =	sld [smem:$0x3FDB];
	_ =	sdelay $0x1  }
0x99: {  	s19 =	simm.s32 $_scs_section_size  }
0x9a: {  	s4 =	simm.s32 $_size__tile_overlayer_lowered;
	s5 =	simm.s32 $_tile_overlayer_lowered  }
0x9b: {  	s22 =	simm.s32 $0x1BFF;
	s21 =	sshll.u32 s5, $0x1;
	s2 =	sadd.s32 s19, s18  }
0x9c: {  	s6 =	simm.s32 $0x0;
	s20 =	sshll.u32 s4, $0x1;
	s4 =	sadd.s32 s21, s2  }
0x9d: {  	[timem:s6], [sflag:s22] =	dma.local [hbm:s4], s20  }
0x9e: {  	_ =	swait.ge [sflag:s22], s20  }
0x9f: {  	s3 =	ssub.s32 $0x0, s20;
	[sflag:s22] =	ssyncset.done $0x0  }
0xa0: {  	[sflag:s22] =	ssyncadd.s32 s3;
	_ =	sdelay $0x1  }
0xa1: {  	s23 =	simm.s32 $0x1B8B  }
0xa2: {  	_ =	swait.ge [sflag:s23], $0x1  }
0xa3: {  	[sflag:s23] =	ssyncset.done $0x0  }
0xa4: {  	s25 =	simm.s32 $0x1B8E;
	s24 =	sld [smem:$0x3FFE];
	[sflag:s23] =	ssyncadd.s32 $0xFFFFFFFF  }
0xa5: {  	s26 =	simm.s32 $execute0_lowered;
	[smem:$0x3FD2] =	sst s25  }
0xa6: {  	s4 =	sshll.u32 s26, $0x1;
	_ =	strace $0x80000049;
	[dreg:$0x1] =	wrdreg $0xFFFFFFFF  }
0xa7: {  	s28 =	simm.s32 $_size_execute0_lowered;
	s2 =	sadd.s32 s2, s4;
	[dreg:$0x0] =	wrdreg $0x0  }
0xa8: {  	s4 =	sshll.u32 s28, $0x1;
	[dreg:$0x2] =	wrdreg s2  }
0xa9: {  	[dreg:$0x3] =	wrdreg s4  }
0xaa: {  	[dreg:$0x4] =	wrdreg $0xC0  }
0xab: {  	_ =	task [dreg:s6], $0x5FFFF  }
0xac: {  	[dreg:$0x1] =	wrdreg $0xFFFFFFFF  }
0xad: {  	[dreg:$0x0] =	wrdreg $0x60  }
0xae: {  	[dreg:$0x2] =	wrdreg s24  }
0xaf: {  	[dreg:$0x3] =	wrdreg $0x0  }
0xb0: {  	[dreg:$0x4] =	wrdreg $0x9  }
0xb1: {  	_ =	task.clear_ibuf [dreg:s6], $0x5FFFF;
	_ =	strace $0x90000049  }
0xb2: {  	s29 =	simm.s32 $0x9;
	_ =	strace $0x8000004B  }
0xb3: {  	_ =	swait.ge [sflag:s29], $0x1  }
0xb4: {  	[sflag:s29] =	ssyncadd.s32 $0xFFFFFFFF  }
0xb5: {  	_ =	strace $0x9000004B  }
0xb6: {  	_ =	sfence  }
0xb7: {  	s30 =	sld [smem:$0x0];
	_ =	sdelay $0x2  }
0xb8: {  	s31 =	sshll.u32 s1, $0xD;
	s1 =	sshrl.u32 s1, $0x2  }
0xb9: {  	s3 =	sand.u32 $0x4000, s31;
	s1 =	sadd.s32 s1, s30  }
0xba: {  	s0 =	sor.u32 s3, s0;
	s1 =	sshll.u32 s1, $0x11  }
0xbb: {  	s0 =	sor.u32 s1, s0  }
0xbc: {  	s0 =	sadd.s32 $0x8F2B, s0  }
0xbd: {  	[sflag:s0] =	ssyncadd.remote.s32 $0x1  }
0xbe: {  	_ =	sfence.sel $0xFFFF  }
0xbf: {  	[dreg:$0x0] =	wrdreg $0xFFFFFFFF;
	(pc) =	sbr.abs _section_cstart, $3  }
0xc0: {  	[dreg:$0x1] =	wrdreg $0xFFFFFFFF  }
0xc1: {  	_ =	task.clear_ibuf [dreg:s6], $0x2FFFF;
	_ =	strace $0x9FFFFFFF  }
0xc2: {  	(tm) =	ssettm $0x7FFFFFFF  }
0xc3: {  	_ =	shalt  }
tec
execute0_lowered:
.L_overlay_start_1:
0x0: {  	(tag) =	ssettag $0x1  }
0x1: {  	s6 =	rddreg [dreg:$0x0]  }
0x2: {  	s2 =	rddreg [dreg:$0x1];
	s3 =	simm.s32 $0x0;
	s0 =	stileid.u32  }
0x3: {  	s4 =	srdreg.scid;
	s17 =	simm.s32 $0x1;
	s7 =	smul.u32 $0x13C00, s0  }
0x4: {  	s20 =	simm.s32 $0x0;
	s8 =	sand.u32 $0x1, s4;
	s13 =	smul.u32 $0x4F000, s0  }
0x5: {  	[smem:$0x7FF] =	sst s3;
	s4 =	sadd.s32 $0x40A00, s6;
	s5 =	smul.u32 $0xFFFFFF70, s8  }
0x6: {  	s12 =	sadd.s32 $0x5200, s6;
	s29 =	sshll.u32 s0, $0x6;
	s9 =	smul.u32 $0x13C000, s8  }
0x7: {  	_ =	strace $0x8000004A;
	s11 =	smul.u32 $0x980, s8;
	s8 =	ssub.s32 $0x2, s8  }
0x8: {  	s10 =	sshrl.u32 s7, $0x3;
	s24 =	sshrl.u32 s8, $0x1;
	s26 =	sshrl.u32 s13, $0x2  }
0x9: {  	s5 =	sadd.s32 $0x98, s5;
	s10 =	sadd.s32 s10, s6;
	s7 =	sadd.s32 s7, s9  }
0xa: {  	s25 =	ssub.s32 s8, s24;
	s13 =	sadd.s32 s26, s2;
	s23 =	smul.u32 s0, s5  }
0xb: {  	s8 =	sor.u32 $0x1C06, s29;
	s7 =	sshrl.u32 s7, $0x3;
	s13 =	sshrl.u32 s13, $0x3  }
0xc: {  	s14 =	sadd.s32 s7, s6;
	s6 =	sadd.s32 $0x19200, s10;
	s9 =	sadd.s32 s11, s23  }
0xd: {  	s10 =	sadd.s32 $0x67C00, s14;
	s28 =	sshll.u32 s9, $0x5;
	s30 =	sor.u32 $0x2, s9  }
0xe: {  	s11 =	smax.u32 s25, $0x1;
	s7 =	sand.u32 $0x1FFFFF00, s28;
	s15 =	sand.u32 $0xFFFFFA, s30  }
0xf: {  	s14 =	simm.s32 $0x6;
	s7 =	sadd.s32 s12, s7;
	s31 =	sshll.u32 s15, $0x5  }
0x10: {  	s15 =	simm.s32 $0x13C00;
	s9 =	sadd.s32 $0x20, s7;
	s12 =	sadd.s32 s31, s12  }
.LBB2_1:
0x11: {  	[spmem:s13], [sflag:s8] =	dma.local [hbm:s6], $0x2780  }
0x12: {  	s0 =	simm.s32 $0x13D00;
	s31 =	simm.s32 $0x80;
	_ =	swait.ge [sflag:s14], $0x2780  }
0x13: {  	s21 =	simm.s32 $0x2;
	p2 =	sle.u32 s5, $0x2;
	[sflag:s14] =	ssyncset.done $0x0  }
0x14: {  	s22 =	simm.s32 $0x1;
	p1 =	sle.u32 s5, $0x1;
	[sflag:s14] =	ssyncadd.s32 $0xFFFFD880  }
0x15: {  	p0 =	sle.u32 s5, $0x0;
	s21 =	smul.u32 @!p2 $0xAB, s21;
	[bflag:$0x0] =	sbarrier.arrive $0xFFFF  }
0x16: {  	[tilespmem:s15], [sflag:$0x1] =	stream.linear.gather [hbm4b:s7+s3], $0x100, $0x38;
	[tilespmem:$0x1BF00] =	vst v63  }
0x17: {  	s1 =	simm.s32 $0x13F00;
	s23 =	smul.u32 @!p1 $0xAB, s22;
	s24 =	sand.u32 @!p0 $0x1, s3  }
0x18: {  	[tilespmem:s0], [sflag:$0x2] =	stream.linear.gather [hbm4b:s9+s3], $0x100, $0x38;
	[tilespmem:$0x1BF00] =	vst v63  }
0x19: {  	s24 =	sor.u32 @!p0 $0x4, s24;
	s21 =	sshrl.u32 @!p2 s21, $0x9;
	_ =	swait.ge [sflag:s17], $0x100  }
0x1a: {  	s23 =	sshrl.u32 @!p1 s23, $0x9;
	s21 =	sand.u32 @!p2 $0x7F, s21;
	[sflag:s17] =	ssyncset.done $0x0  }
0x1b: {  	s23 =	sand.u32 @!p1 $0x7F, s23;
	s21 =	smul.u32 @!p2 $0x3, s21;
	[sflag:s17] =	ssyncadd.s32 $0xFFFFFF00  }
0x1c: {  	[tilespmem:s1], [sflag:$0x4] =	stream.indirect.gather [hbm4b:s4+s31], $0x80, s15, s31, $0xb8;
	[tilespmem:$0x1BF00] =	vst v63  }
0x1d: {  	s23 =	smul.u32 @!p1 $0x3, s23;
	s21 =	ssub.s32 @!p2 $0x2, s21;
	_ =	swait.ge @!p0 [sflag:s24], $0x4000  }
0x1e: {  	s25 =	simm.s32 @!p2 $0x0;
	s21 =	sand.u32 @!p2 $0xFF, s21;
	[sflag:s24] =	ssyncset.done @!p0 $0x0  }
0x1f: {  	s23 =	ssub.s32 @!p1 $0x1, s23;
	[sflag:s24] =	ssyncadd.s32 @!p0 $0xFFFFC000;
	s24 =	sshll.u32 @!p2 s21, $0x8  }
0x20: {  	s23 =	sand.u32 @!p1 $0xFF, s23;
	s21 =	sadd.s32 @!p2 $0x1, s21;
	s24 =	sor.u32 @!p2 $0x13C00, s24  }
0x21: {  	[tilespmem:s24], [sflag:s21] =	stream.linear.gather @!p2 [hbm4b:s12+s25], $0x100, $0x38;
	[tilespmem:$0x1BF00] =	vst v63  }
0x22: {  	s22 =	sand.u32 @!p1 $0x1, s22;
	s21 =	sadd.s32 @!p1 $0x1, s23;
	s24 =	smul.u32 @!p0 $0xAB, s3  }
0x23: {  	s25 =	simm.s32 @!p1 $0x80;
	s23 =	sshll.u32 @!p1 s23, $0x8;
	_ =	swait.ge @!p1 [sflag:s21], $0x100  }
0x24: {  	s23 =	sor.u32 @!p1 $0x13C00, s23;
	[sflag:s21] =	ssyncset.done @!p1 $0x0;
	s24 =	sshrl.u32 @!p0 s24, $0x9  }
0x25: {  	[sflag:s21] =	ssyncadd.s32 @!p1 $0xFFFFFF00;
	s21 =	sshll.u32 @!p1 s22, $0xE;
	s24 =	sand.u32 @!p0 $0x7F, s24  }
0x26: {  	s22 =	sor.u32 @!p1 $0x4, s22;
	s21 =	sor.u32 @!p1 $0x13F00, s21;
	s24 =	smul.u32 @!p0 $0x3, s24  }
0x27: {  	[tilespmem:s21], [sflag:s22] =	stream.indirect.gather @!p1 [hbm4b:s4+s25], $0x80, s23, s25, $0xb8;
	[tilespmem:$0x1BF00] =	vst v63  }
0x28: {  	p1 =	por $0x1, $0x1;
	s21 =	ssub.s32 @!p0 $0x0, s24  }
.Ltmp0:
0x29: {  	s22 =	sand.u32 @!p0 $0x10000, s3;
	s21 =	sand.u32 @!p0 $0xC3, s21;
	(pc) =	sbr.rel @!p1 .LBB2_3-.Ltmp0, $4  }
0x2a: {  	s23 =	simm.s32 @!p0 $0x80;
	s22 =	sshrl.u32 @!p0 s22, $0x2;
	s21 =	sshll.u32 @!p0 s21, $0x8  }
0x2b: {  	s24 =	simm.s32 @!p0 $0x6;
	s22 =	sor.u32 @!p0 $0x13F00, s22;
	s21 =	sor.u32 @!p0 $0x13C80, s21  }
0x2c: {  	[spmem:s2] =	stream.indirect.scatter.add.f32 @!p0 [tilespmem:s22], [sflag:$0x6], $0x80, s21, s23, $0xb8;
	[tilespmem:$0x1BF00] =	vst v63  }
0x2d: {  	s23 =	simm.s32 $0x1;
	s21 =	simm.s32 $0x0;
	s22 =	smov.u32 s12  }
.LBB2_2:
0x2e: {  	_ =	swait.ge @!p0 [sflag:s24], $0x4000;
	s21 =	sadd.s32 $0x10000, s21;
	s22 =	sadd.s32 $0x20, s22  }
0x2f: {  	s25 =	smov.u32 s23;
	[sflag:s24] =	ssyncset.done @!p0 $0x0  }
0x30: {  	[sflag:s24] =	ssyncadd.s32 @!p0 $0xFFFFC000  }
0x31: {  	s24 =	sadd.s32 $0x2, s23  }
0x32: {  	s26 =	sadd.s32 $0x1, s25;
	p2 =	sge.u32 s24, s5;
	s23 =	sadd.s32 $0xFFFFFFFF, s24  }
0x33: {  	s28 =	smul.u32 @!p2 $0xAB, s24;
	s29 =	simm.s32 @!p2 $0x0;
	p1 =	sge.u32 s23, s5  }
0x34: {  	s30 =	smul.u32 @!p1 $0xAB, s26;
	s31 =	sand.u32 @!p1 $0x1, s26;
	s0 =	simm.s32 @!p1 $0x80  }
0x35: {  	s28 =	sshrl.u32 @!p2 s28, $0x9;
	s1 =	sshll.u32 @!p1 s31, $0xE;
	s31 =	sor.u32 @!p1 $0x4, s31  }
0x36: {  	s28 =	sand.u32 @!p2 $0x7F, s28;
	s30 =	sshrl.u32 @!p1 s30, $0x9;
	s1 =	sor.u32 @!p1 $0x13F00, s1  }
0x37: {  	p0 =	sge.u32 s25, s5;
	s28 =	smul.u32 @!p2 $0x3, s28;
	s30 =	sand.u32 @!p1 $0x7F, s30  }
0x38: {  	s16 =	sand.u32 @!p0 $0x1, s25;
	s18 =	sand.u32 @!p0 $0x10000, s21;
	s30 =	smul.u32 @!p1 $0x3, s30  }
0x39: {  	s16 =	sor.u32 @!p0 $0x4, s16;
	s24 =	ssub.s32 @!p2 s24, s28;
	s28 =	smul.u32 @!p0 $0xAB, s25  }
0x3a: {  	s24 =	sand.u32 @!p2 $0xFF, s24;
	s26 =	ssub.s32 @!p1 s26, s30;
	_ =	swait.ge @!p0 [sflag:s16], $0x4000  }
0x3b: {  	s30 =	sshll.u32 @!p2 s24, $0x8;
	s24 =	sadd.s32 @!p2 $0x1, s24;
	s28 =	sshrl.u32 @!p0 s28, $0x9  }
0x3c: {  	s26 =	sand.u32 @!p1 $0xFF, s26;
	s30 =	sor.u32 @!p2 $0x13C00, s30;
	s28 =	sand.u32 @!p0 $0x7F, s28  }
0x3d: {  	s19 =	sadd.s32 @!p1 $0x1, s26;
	s28 =	smul.u32 @!p0 $0x3, s28;
	[sflag:s16] =	ssyncset.done @!p0 $0x0  }
0x3e: {  	s18 =	sshrl.u32 @!p0 s18, $0x2;
	[sflag:s16] =	ssyncadd.s32 @!p0 $0xFFFFC000;
	s16 =	sshll.u32 @!p1 s26, $0x8  }
0x3f: {  	[tilespmem:s30], [sflag:s24] =	stream.linear.gather @!p2 [hbm4b:s22+s29], $0x100, $0x38;
	[tilespmem:$0x1BF00] =	vst v63  }
0x40: {  	s16 =	sor.u32 @!p1 $0x13C00, s16;
	s24 =	ssub.s32 @!p0 s25, s28;
	_ =	swait.ge @!p1 [sflag:s19], $0x100  }
0x41: {  	s18 =	sor.u32 @!p0 $0x13F00, s18;
	s24 =	sand.u32 @!p0 $0xC3, s24;
	[sflag:s19] =	ssyncset.done @!p1 $0x0  }
0x42: {  	s25 =	simm.s32 @!p0 $0x80;
	[sflag:s19] =	ssyncadd.s32 @!p1 $0xFFFFFF00;
	s19 =	sshll.u32 @!p0 s24, $0x8  }
0x43: {  	[tilespmem:s1], [sflag:s31] =	stream.indirect.gather @!p1 [hbm4b:s4+s0], $0x80, s16, s0, $0xb8;
	[tilespmem:$0x1BF00] =	vst v63  }
0x44: {  	p1 =	sne.s32 s23, $0x98  }
.Ltmp1:
0x45: {  	_ = 	snop;
	(pc) =	sbr.rel @p1 .LBB2_2-.Ltmp1, $3  }
0x46: {  	_ =	sdelay $0x1  }
0x47: {  	s24 =	simm.s32 @!p0 $0x6;
	s0 =	sor.u32 @!p0 $0x13C80, s19  }
0x48: {  	[spmem:s2] =	stream.indirect.scatter.add.f32 @!p0 [tilespmem:s18], [sflag:$0x6], $0x80, s0, s25, $0xb8;
	[tilespmem:$0x1BF00] =	vst v63  }
.LBB2_3:
0x49: {  	_ =	swait.ge @!p0 [sflag:s24], $0x4000  }
0x4a: {  	s20 =	sadd.s32 $0x1, s20;
	[sflag:s24] =	ssyncset.done @!p0 $0x0  }
0x4b: {  	[sflag:s24] =	ssyncadd.s32 @!p0 $0xFFFFC000;
	p0 =	sne.s32 s20, s11  }
.Ltmp2:
0x4c: {  	[bflag:$0x0] =	sbarrier.arrive $0xFFFF;
	(pc) =	sbr.rel @p0 .LBB2_1-.Ltmp2, $4  }
0x4d: {  	[hbm:s10], [sflag:s8] =	dma.local [spmem:s13], $0x2780  }
0x4e: {  	_ =	swait.ge [sflag:s14], $0x2780  }
0x4f: {  	[sflag:s14] =	ssyncset.done $0x0  }
0x50: {  	[sflag:s14] =	ssyncadd.s32 $0xFFFFD880  }
0x51: {  	_ =	sfence.sel $0x180000  }
0x52: {  	[bflag:$0x0] =	sbarrier.arrive $0xFFFF  }
0x53: {  	_ =	strace $0x9000004A  }
0x54: {  	s0 =	stileid.u32;
	[bflag:$0x2] =	sbarrier.arrive $0xFFFF  }
0x55: {  	p0 =	sne.s32 s0, $0x0;
	s0 =	rddreg [dreg:$0x2]  }
0x56: {  	s0 =	sadd.s32 @!p0 $0x100000, s0  }
0x57: {  	[sflag:s0] =	ssyncadd.tile.s32 @!p0 $0x1;
	_ =	shalt  }
.Lfunc_end2:
_tile_overlayer_lowered:
.L_overlay_start_2:
0x58: {  	(tag) =	ssettag $0x2  }
0x59: {  	s0 =	rddreg [dreg:$0x0];
	s2 =	stileid.u32  }
0x5a: {  	s1 =	rddreg [dreg:$0x1];
	p0 =	sne.s32 s2, $0x0  }
0x5b: {  	s3 =	rddreg [dreg:$0x2];
	[bflag:$0x3] =	sbarrier.arrive $0xFFFF;
	s2 =	simm.s32 @!p0 $0x1C06  }
0x5c: {  	[timem:s3], [sflag:s2] =	dma.local @!p0 [hbm:s0], s1  }
0x5d: {  	s0 =	simm.s32 @!p0 $0x6  }
0x5e: {  	_ =	swait.ge @!p0 [sflag:s0], s1  }
0x5f: {  	s1 =	ssub.s32 @!p0 $0x0, s1;
	[sflag:s0] =	ssyncset.done @!p0 $0x0  }
0x60: {  	[sflag:s0] =	ssyncadd.s32 @!p0 s1  }
0x61: {  	[bflag:$0x3] =	sbarrier.arrive $0xFFFF  }
0x62: {  	_ =	shalt  }

// kernel: kernel.18.cloned.1.call-start
scs
__scs_entry_jumppad:
0x0: {  	(pc) =	sbr.rel $0x88, $3  }
0x1: {  	(tag) =	ssettag $0x0;
	lr =	simm.s32 $0x1  }
0x2: {  	[smem:$0x3F93] =	sst lr;
	_ =	strace $0xD0000000  }
0x3: {  	_ = 	snop  }
0x4: {  	_ = 	snop  }
0x5: {  	_ = 	snop  }
0x6: {  	_ = 	snop  }
0x7: {  	_ = 	snop  }
__scs_overlays_trampoline_lowered:
0x8: {  	[smem:$0x3FA2] =	sst s0  }
0x9: {  	[smem:$0x3FA3] =	sst s1  }
0xa: {  	[smem:$0x3FA4] =	sst s2  }
0xb: {  	[smem:$0x3FA5] =	sst s3  }
0xc: {  	[smem:$0x3FA6] =	sst s4  }
0xd: {  	[smem:$0x3FA7] =	sst s5  }
0xe: {  	[smem:$0x3FA8] =	sst s6  }
0xf: {  	[smem:$0x3FA9] =	sst s7  }
0x10: {  	[smem:$0x3FAA] =	sst s8  }
0x11: {  	[smem:$0x3FAB] =	sst s9;
	s0 =	simm.s32 @!p0 $0x0  }
0x12: {  	s1 =	sld [smem:$0x3F91];
	s0 =	simm.s32 @p0 $0x1  }
0x13: {  	[smem:$0x3FAC] =	sst s0;
	s0 =	simm.s32 @!p1 $0x0  }
0x14: {  	s2 =	sld [smem:$0x3F90];
	s0 =	simm.s32 @p1 $0x1  }
0x15: {  	[smem:$0x3FAD] =	sst s0;
	s0 =	simm.s32 @!p2 $0x0  }
0x16: {  	s3 =	sld [smem:$0x3FDB];
	s0 =	simm.s32 @p2 $0x1  }
0x17: {  	s4 =	simm.s32 $0x1BF5;
	[smem:$0x3FAF] =	sst s0  }
0x18: {  	s0 =	sld [smem:$0x3F92];
	_ =	swait.ge [sflag:s4], $0x0  }
0x19: {  	s7 =	sld [smem:$0x3F93]  }
0x1a: {  	s8 =	sadd.s32 $0xFFFFE003, lr  }
0x1b: {  	s9 =	sadd.s32 $0xFFFFFEF7, lr;
	s5 =	simm.s32 $0xFFFFFFFF;
	p2 =	slt.u32 s8, $0xFFFFF086  }
0x1c: {  	p1 =	slt.u32 s9, $0xF7A;
	s5 =	simm.s32 @!p2 $0x0  }
0x1d: {  	s5 =	simm.s32 @p1 $0x1;
	p0 =	seq.s32 s7, s2  }
0x1e: {  	s7 =	smul.u32 @!p0 $0xF7A, s2;
	p2 =	seq.s32 @!p0 s5, $0x0  }
0x1f: {  	s9 =	smul.u32 $0xF7A, s1;
	s8 =	simm.s32 @!p0 $0x1BF5;
	p2 =	por !p2, p0  }
0x20: {  	[sflag:s8] =	ssyncset.s32 @!p0 $0xFFFFF086;
	s6 =	sadd.s32 @!p0 s3, s7;
	s7 =	simm.s32 @!p0 $0x108  }
0x21: {  	s3 =	sadd.s32 s3, s9;
	s6 =	sadd.s32 @!p0 $0x88, s6;
	s7 =	simm.s32 @p2 $0x1082  }
0x22: {  	[simem:s7], [sflag:s8] =	dma.local @!p0 [hbm:s6], $0xF7A  }
0x23: {  	s9 =	sor.u32 $0xD0000000, s2;
	s6 =	simm.s32 $0x108;
	_ =	swait.ge @!p0 [sflag:s8], $0x0  }
0x24: {  	s3 =	sadd.s32 $0x88, s3;
	s6 =	simm.s32 @!p1 $0x1082;
	[sflag:s4] =	ssyncset.s32 $0xFFFFF086  }
0x25: {  	[simem:s6], [sflag:s4] =	dma.local [hbm:s3], $0xF7A  }
0x26: {  	[smem:$0x3F93] =	sst s1;
	(tag) =	ssettag s2;
	_ =	strace s9  }
0x27: {  	s1 =	sld [smem:$0x3FA3]  }
0x28: {  	s2 =	sld [smem:$0x3FA4]  }
0x29: {  	s4 =	sld [smem:$0x3FA6]  }
0x2a: {  	p0 =	seq.s32 s5, $0x0;
	s5 =	sld [smem:$0x3FA7]  }
0x2b: {  	s6 =	sld [smem:$0x3FA8]  }
0x2c: {  	s7 =	sld [smem:$0x3FA9]  }
0x2d: {  	s3 =	simm.s32 $0x108;
	s8 =	sld [smem:$0x3FAA]  }
0x2e: {  	s3 =	simm.s32 @!p0 $0x1082;
	s9 =	sld [smem:$0x3FAB]  }
0x2f: {  	lr =	sadd.s32 s0, s3;
	s0 =	sld [smem:$0x3FA2]  }
0x30: {  	s3 =	sld [smem:$0x3FA5]  }
0x31: {  	[smem:$0x3FAE] =	sst s10  }
0x32: {  	s10 =	sld [smem:$0x3FAC];
	_ =	sdelay $0x3  }
0x33: {  	p0 =	seq.s32 s10, $0x1;
	s10 =	sld [smem:$0x3FAE];
	_ =	sdelay $0x3  }
0x34: {  	[smem:$0x3FAE] =	sst s10  }
0x35: {  	s10 =	sld [smem:$0x3FAD];
	_ =	sdelay $0x3  }
0x36: {  	p1 =	seq.s32 s10, $0x1;
	s10 =	sld [smem:$0x3FAE];
	_ =	sdelay $0x3  }
0x37: {  	[smem:$0x3FAE] =	sst s10  }
0x38: {  	s10 =	sld [smem:$0x3FAF]  }
0x39: {  	_ = 	snop;
	(pc) =	sbr.ind lr, $3  }
0x3a: {  	_ = 	snop  }
0x3b: {  	_ = 	snop  }
0x3c: {  	p2 =	seq.s32 s10, $0x1;
	s10 =	sld [smem:$0x3FAE]  }
0x3d: {  	_ =	shalt  }
0x3e: {  	_ =	shalt  }
0x3f: {  	_ =	shalt  }
0x40: {  	_ =	shalt  }
0x41: {  	_ =	shalt  }
0x42: {  	_ =	shalt  }
0x43: {  	_ =	shalt  }
0x44: {  	_ =	shalt  }
0x45: {  	_ =	shalt  }
0x46: {  	_ =	shalt  }
0x47: {  	_ =	shalt  }
0x48: {  	_ =	shalt  }
0x49: {  	_ =	shalt  }
0x4a: {  	_ =	shalt  }
0x4b: {  	_ =	shalt  }
0x4c: {  	_ =	shalt  }
0x4d: {  	_ =	shalt  }
0x4e: {  	_ =	shalt  }
0x4f: {  	_ =	shalt  }
0x50: {  	_ =	shalt  }
0x51: {  	_ =	shalt  }
0x52: {  	_ =	shalt  }
0x53: {  	_ =	shalt  }
0x54: {  	_ =	shalt  }
0x55: {  	_ =	shalt  }
0x56: {  	_ =	shalt  }
0x57: {  	_ =	shalt  }
0x58: {  	_ =	shalt  }
0x59: {  	_ =	shalt  }
0x5a: {  	_ =	shalt  }
0x5b: {  	_ =	shalt  }
0x5c: {  	_ =	shalt  }
0x5d: {  	_ =	shalt  }
0x5e: {  	_ =	shalt  }
0x5f: {  	_ =	shalt  }
0x60: {  	_ =	shalt  }
0x61: {  	_ =	shalt  }
0x62: {  	_ =	shalt  }
0x63: {  	_ =	shalt  }
0x64: {  	_ =	shalt  }
0x65: {  	_ =	shalt  }
0x66: {  	_ =	shalt  }
0x67: {  	_ =	shalt  }
0x68: {  	_ =	shalt  }
0x69: {  	_ =	shalt  }
0x6a: {  	_ =	shalt  }
0x6b: {  	_ =	shalt  }
0x6c: {  	_ =	shalt  }
0x6d: {  	_ =	shalt  }
0x6e: {  	_ =	shalt  }
0x6f: {  	_ =	shalt  }
0x70: {  	_ =	shalt  }
0x71: {  	_ =	shalt  }
0x72: {  	_ =	shalt  }
0x73: {  	_ =	shalt  }
0x74: {  	_ =	shalt  }
0x75: {  	_ =	shalt  }
0x76: {  	_ =	shalt  }
0x77: {  	_ =	shalt  }
0x78: {  	_ =	shalt  }
0x79: {  	_ =	shalt  }
0x7a: {  	_ =	shalt  }
0x7b: {  	_ =	shalt  }
0x7c: {  	_ =	shalt  }
0x7d: {  	_ =	shalt  }
0x7e: {  	_ =	shalt  }
0x7f: {  	_ =	shalt  }
0x80: {  	_ =	shalt  }
0x81: {  	_ =	shalt  }
0x82: {  	_ =	shalt  }
0x83: {  	_ =	shalt  }
0x84: {  	_ =	shalt  }
0x85: {  	_ =	shalt  }
0x86: {  	_ =	shalt  }
0x87: {  	_ =	shalt  }
.Lfunc_end0:
.L_simem_size_0:
called_computation.3_lowered:
.L_overlay_start_0:
0x88: {  	s2 =	sld [smem:$0x3FD9]  }
0x89: {  	s3 =	sld [smem:$0x3FFE];
	_ =	sdelay $0x1  }
0x8a: {  	s1 =	srdreg.scid  }
0x8b: {  	s0 =	sand.u32 $0x1, s1  }
0x8c: {  	s16 =	sshll.u32 s0, $0xA;
	s2 =	sadd.s32 s3, s2  }
0x8d: {  	s2 =	sadd.s32 s2, s16  }
0x8e: {  	[smem:$0x3FBA] =	sst s2  }
0x8f: {  	_ = 	snop  }
0x90: {  	(tm) =	ssettm $0x1  }
0x91: {  	s17 =	sld [smem:$0x3FFB];
	_ =	sdelay $0x3  }
0x92: {  	_ =	strace s17  }
0x93: {  	s2 =	sld [smem:$0x3FFC];
	_ =	sdelay $0x3  }
0x94: {  	_ =	strace s2  }
0x95: {  	s2 =	sld [smem:$0x3FFD];
	_ =	sdelay $0x3  }
0x96: {  	_ =	strace s2  }
0x97: {  	_ =	strace $0x8FFFFFFF  }
0x98: {  	s18 =	sld [smem:$0x3FDB];
	_ =	sdelay $0x1  }
0x99: {  	s19 =	simm.s32 $_scs_section_size  }
0x9a: {  	s4 =	simm.s32 $_size__tile_overlayer_lowered;
	s5 =	simm.s32 $_tile_overlayer_lowered  }
0x9b: {  	s22 =	simm.s32 $0x1BFF;
	s21 =	sshll.u32 s5, $0x1;
	s2 =	sadd.s32 s19, s18  }
0x9c: {  	s6 =	simm.s32 $0x0;
	s20 =	sshll.u32 s4, $0x1;
	s4 =	sadd.s32 s21, s2  }
0x9d: {  	[timem:s6], [sflag:s22] =	dma.local [hbm:s4], s20  }
0x9e: {  	_ =	swait.ge [sflag:s22], s20  }
0x9f: {  	s3 =	ssub.s32 $0x0, s20;
	[sflag:s22] =	ssyncset.done $0x0  }
0xa0: {  	[sflag:s22] =	ssyncadd.s32 s3;
	_ =	sdelay $0x1  }
0xa1: {  	s23 =	simm.s32 $0x1B8B  }
0xa2: {  	_ =	swait.ge [sflag:s23], $0x1  }
0xa3: {  	[sflag:s23] =	ssyncset.done $0x0  }
0xa4: {  	s25 =	simm.s32 $0x1B8E;
	s24 =	sld [smem:$0x3FFE];
	[sflag:s23] =	ssyncadd.s32 $0xFFFFFFFF  }
0xa5: {  	s26 =	simm.s32 $execute0_lowered;
	[smem:$0x3FD2] =	sst s25  }
0xa6: {  	s4 =	sshll.u32 s26, $0x1;
	_ =	strace $0x8000004C;
	[dreg:$0x1] =	wrdreg $0xFFFFFFFF  }
0xa7: {  	s28 =	simm.s32 $_size_execute0_lowered;
	s2 =	sadd.s32 s2, s4;
	[dreg:$0x0] =	wrdreg $0x0  }
0xa8: {  	s4 =	sshll.u32 s28, $0x1;
	[dreg:$0x2] =	wrdreg s2  }
0xa9: {  	[dreg:$0x3] =	wrdreg s4  }
0xaa: {  	[dreg:$0x4] =	wrdreg $0xC0  }
0xab: {  	_ =	task [dreg:s6], $0x5FFFF  }
0xac: {  	[dreg:$0x1] =	wrdreg $0xFFFFFFFF  }
0xad: {  	[dreg:$0x0] =	wrdreg $0x60  }
0xae: {  	[dreg:$0x2] =	wrdreg s24  }
0xaf: {  	[dreg:$0x3] =	wrdreg $0x0  }
0xb0: {  	[dreg:$0x4] =	wrdreg $0x9  }
0xb1: {  	_ =	task.clear_ibuf [dreg:s6], $0x5FFFF;
	_ =	strace $0x9000004C  }
0xb2: {  	s29 =	simm.s32 $0x9;
	_ =	strace $0x8000004E  }
0xb3: {  	_ =	swait.ge [sflag:s29], $0x1  }
0xb4: {  	[sflag:s29] =	ssyncadd.s32 $0xFFFFFFFF  }
0xb5: {  	_ =	strace $0x9000004E  }
0xb6: {  	_ =	sfence  }
0xb7: {  	s30 =	sld [smem:$0x0];
	_ =	sdelay $0x2  }
0xb8: {  	s31 =	sshll.u32 s1, $0xD;
	s1 =	sshrl.u32 s1, $0x2  }
0xb9: {  	s3 =	sand.u32 $0x4000, s31;
	s1 =	sadd.s32 s1, s30  }
0xba: {  	s0 =	sor.u32 s3, s0;
	s1 =	sshll.u32 s1, $0x11  }
0xbb: {  	s0 =	sor.u32 s1, s0  }
0xbc: {  	s0 =	sadd.s32 $0x8F2B, s0  }
0xbd: {  	[sflag:s0] =	ssyncadd.remote.s32 $0x1  }
0xbe: {  	_ =	sfence.sel $0xFFFF  }
0xbf: {  	[dreg:$0x0] =	wrdreg $0xFFFFFFFF;
	(pc) =	sbr.abs _section_cstart, $3  }
0xc0: {  	[dreg:$0x1] =	wrdreg $0xFFFFFFFF  }
0xc1: {  	_ =	task.clear_ibuf [dreg:s6], $0x2FFFF;
	_ =	strace $0x9FFFFFFF  }
0xc2: {  	(tm) =	ssettm $0x7FFFFFFF  }
0xc3: {  	_ =	shalt  }
tec
execute0_lowered:
.L_overlay_start_1:
0x0: {  	(tag) =	ssettag $0x1  }
0x1: {  	s6 =	rddreg [dreg:$0x0]  }
0x2: {  	s2 =	rddreg [dreg:$0x1];
	s3 =	simm.s32 $0x0;
	s0 =	stileid.u32  }
0x3: {  	s4 =	srdreg.scid;
	s17 =	simm.s32 $0x1;
	s7 =	smul.u32 $0x13C00, s0  }
0x4: {  	s20 =	simm.s32 $0x0;
	s8 =	sand.u32 $0x1, s4;
	s13 =	smul.u32 $0x4F000, s0  }
0x5: {  	[smem:$0x7FF] =	sst s3;
	s4 =	sadd.s32 $0x40A00, s6;
	s5 =	smul.u32 $0xFFFFFF70, s8  }
0x6: {  	s12 =	sadd.s32 $0x5200, s6;
	s29 =	sshll.u32 s0, $0x6;
	s9 =	smul.u32 $0x13C000, s8  }
0x7: {  	_ =	strace $0x8000004D;
	s11 =	smul.u32 $0x980, s8;
	s8 =	ssub.s32 $0x2, s8  }
0x8: {  	s10 =	sshrl.u32 s7, $0x3;
	s24 =	sshrl.u32 s8, $0x1;
	s26 =	sshrl.u32 s13, $0x2  }
0x9: {  	s5 =	sadd.s32 $0x98, s5;
	s10 =	sadd.s32 s10, s6;
	s7 =	sadd.s32 s7, s9  }
0xa: {  	s25 =	ssub.s32 s8, s24;
	s13 =	sadd.s32 s26, s2;
	s23 =	smul.u32 s0, s5  }
0xb: {  	s8 =	sor.u32 $0x1C06, s29;
	s7 =	sshrl.u32 s7, $0x3;
	s13 =	sshrl.u32 s13, $0x3  }
0xc: {  	s14 =	sadd.s32 s7, s6;
	s6 =	sadd.s32 $0x19200, s10;
	s9 =	sadd.s32 s11, s23  }
0xd: {  	s10 =	sadd.s32 $0x67C00, s14;
	s28 =	sshll.u32 s9, $0x5;
	s30 =	sor.u32 $0x2, s9  }
0xe: {  	s11 =	smax.u32 s25, $0x1;
	s7 =	sand.u32 $0x1FFFFF00, s28;
	s15 =	sand.u32 $0xFFFFFA, s30  }
0xf: {  	s14 =	simm.s32 $0x6;
	s7 =	sadd.s32 s12, s7;
	s31 =	sshll.u32 s15, $0x5  }
0x10: {  	s15 =	simm.s32 $0x13C00;
	s9 =	sadd.s32 $0x20, s7;
	s12 =	sadd.s32 s31, s12  }
.LBB2_1:
0x11: {  	[spmem:s13], [sflag:s8] =	dma.local [hbm:s6], $0x2780  }
0x12: {  	s0 =	simm.s32 $0x13D00;
	s31 =	simm.s32 $0x80;
	_ =	swait.ge [sflag:s14], $0x2780  }
0x13: {  	s21 =	simm.s32 $0x2;
	p2 =	sle.u32 s5, $0x2;
	[sflag:s14] =	ssyncset.done $0x0  }
0x14: {  	s22 =	simm.s32 $0x1;
	p1 =	sle.u32 s5, $0x1;
	[sflag:s14] =	ssyncadd.s32 $0xFFFFD880  }
0x15: {  	p0 =	sle.u32 s5, $0x0;
	s21 =	smul.u32 @!p2 $0xAB, s21;
	[bflag:$0x0] =	sbarrier.arrive $0xFFFF  }
0x16: {  	[tilespmem:s15], [sflag:$0x1] =	stream.linear.gather [hbm4b:s7+s3], $0x100, $0x38;
	[tilespmem:$0x1BF00] =	vst v63  }
0x17: {  	s1 =	simm.s32 $0x13F00;
	s23 =	smul.u32 @!p1 $0xAB, s22;
	s24 =	sand.u32 @!p0 $0x1, s3  }
0x18: {  	[tilespmem:s0], [sflag:$0x2] =	stream.linear.gather [hbm4b:s9+s3], $0x100, $0x38;
	[tilespmem:$0x1BF00] =	vst v63  }
0x19: {  	s24 =	sor.u32 @!p0 $0x4, s24;
	s21 =	sshrl.u32 @!p2 s21, $0x9;
	_ =	swait.ge [sflag:s17], $0x100  }
0x1a: {  	s23 =	sshrl.u32 @!p1 s23, $0x9;
	s21 =	sand.u32 @!p2 $0x7F, s21;
	[sflag:s17] =	ssyncset.done $0x0  }
0x1b: {  	s23 =	sand.u32 @!p1 $0x7F, s23;
	s21 =	smul.u32 @!p2 $0x3, s21;
	[sflag:s17] =	ssyncadd.s32 $0xFFFFFF00  }
0x1c: {  	[tilespmem:s1], [sflag:$0x4] =	stream.indirect.gather [hbm4b:s4+s31], $0x80, s15, s31, $0xb8;
	[tilespmem:$0x1BF00] =	vst v63  }
0x1d: {  	s23 =	smul.u32 @!p1 $0x3, s23;
	s21 =	ssub.s32 @!p2 $0x2, s21;
	_ =	swait.ge @!p0 [sflag:s24], $0x4000  }
0x1e: {  	s25 =	simm.s32 @!p2 $0x0;
	s21 =	sand.u32 @!p2 $0xFF, s21;
	[sflag:s24] =	ssyncset.done @!p0 $0x0  }
0x1f: {  	s23 =	ssub.s32 @!p1 $0x1, s23;
	[sflag:s24] =	ssyncadd.s32 @!p0 $0xFFFFC000;
	s24 =	sshll.u32 @!p2 s21, $0x8  }
0x20: {  	s23 =	sand.u32 @!p1 $0xFF, s23;
	s21 =	sadd.s32 @!p2 $0x1, s21;
	s24 =	sor.u32 @!p2 $0x13C00, s24  }
0x21: {  	[tilespmem:s24], [sflag:s21] =	stream.linear.gather @!p2 [hbm4b:s12+s25], $0x100, $0x38;
	[tilespmem:$0x1BF00] =	vst v63  }
0x22: {  	s22 =	sand.u32 @!p1 $0x1, s22;
	s21 =	sadd.s32 @!p1 $0x1, s23;
	s24 =	smul.u32 @!p0 $0xAB, s3  }
0x23: {  	s25 =	simm.s32 @!p1 $0x80;
	s23 =	sshll.u32 @!p1 s23, $0x8;
	_ =	swait.ge @!p1 [sflag:s21], $0x100  }
0x24: {  	s23 =	sor.u32 @!p1 $0x13C00, s23;
	[sflag:s21] =	ssyncset.done @!p1 $0x0;
	s24 =	sshrl.u32 @!p0 s24, $0x9  }
0x25: {  	[sflag:s21] =	ssyncadd.s32 @!p1 $0xFFFFFF00;
	s21 =	sshll.u32 @!p1 s22, $0xE;
	s24 =	sand.u32 @!p0 $0x7F, s24  }
0x26: {  	s22 =	sor.u32 @!p1 $0x4, s22;
	s21 =	sor.u32 @!p1 $0x13F00, s21;
	s24 =	smul.u32 @!p0 $0x3, s24  }
0x27: {  	[tilespmem:s21], [sflag:s22] =	stream.indirect.gather @!p1 [hbm4b:s4+s25], $0x80, s23, s25, $0xb8;
	[tilespmem:$0x1BF00] =	vst v63  }
0x28: {  	p1 =	por $0x1, $0x1;
	s21 =	ssub.s32 @!p0 $0x0, s24  }
.Ltmp0:
0x29: {  	s22 =	sand.u32 @!p0 $0x10000, s3;
	s21 =	sand.u32 @!p0 $0xC3, s21;
	(pc) =	sbr.rel @!p1 .LBB2_3-.Ltmp0, $4  }
0x2a: {  	s23 =	simm.s32 @!p0 $0x80;
	s22 =	sshrl.u32 @!p0 s22, $0x2;
	s21 =	sshll.u32 @!p0 s21, $0x8  }
0x2b: {  	s24 =	simm.s32 @!p0 $0x6;
	s22 =	sor.u32 @!p0 $0x13F00, s22;
	s21 =	sor.u32 @!p0 $0x13C80, s21  }
0x2c: {  	[spmem:s2] =	stream.indirect.scatter.add.f32 @!p0 [tilespmem:s22], [sflag:$0x6], $0x80, s21, s23, $0xb8;
	[tilespmem:$0x1BF00] =	vst v63  }
0x2d: {  	s23 =	simm.s32 $0x1;
	s21 =	simm.s32 $0x0;
	s22 =	smov.u32 s12  }
.LBB2_2:
0x2e: {  	_ =	swait.ge @!p0 [sflag:s24], $0x4000;
	s21 =	sadd.s32 $0x10000, s21;
	s22 =	sadd.s32 $0x20, s22  }
0x2f: {  	s25 =	smov.u32 s23;
	[sflag:s24] =	ssyncset.done @!p0 $0x0  }
0x30: {  	[sflag:s24] =	ssyncadd.s32 @!p0 $0xFFFFC000  }
0x31: {  	s24 =	sadd.s32 $0x2, s23  }
0x32: {  	s26 =	sadd.s32 $0x1, s25;
	p2 =	sge.u32 s24, s5;
	s23 =	sadd.s32 $0xFFFFFFFF, s24  }
0x33: {  	s28 =	smul.u32 @!p2 $0xAB, s24;
	s29 =	simm.s32 @!p2 $0x0;
	p1 =	sge.u32 s23, s5  }
0x34: {  	s30 =	smul.u32 @!p1 $0xAB, s26;
	s31 =	sand.u32 @!p1 $0x1, s26;
	s0 =	simm.s32 @!p1 $0x80  }
0x35: {  	s28 =	sshrl.u32 @!p2 s28, $0x9;
	s1 =	sshll.u32 @!p1 s31, $0xE;
	s31 =	sor.u32 @!p1 $0x4, s31  }
0x36: {  	s28 =	sand.u32 @!p2 $0x7F, s28;
	s30 =	sshrl.u32 @!p1 s30, $0x9;
	s1 =	sor.u32 @!p1 $0x13F00, s1  }
0x37: {  	p0 =	sge.u32 s25, s5;
	s28 =	smul.u32 @!p2 $0x3, s28;
	s30 =	sand.u32 @!p1 $0x7F, s30  }
0x38: {  	s16 =	sand.u32 @!p0 $0x1, s25;
	s18 =	sand.u32 @!p0 $0x10000, s21;
	s30 =	smul.u32 @!p1 $0x3, s30  }
0x39: {  	s16 =	sor.u32 @!p0 $0x4, s16;
	s24 =	ssub.s32 @!p2 s24, s28;
	s28 =	smul.u32 @!p0 $0xAB, s25  }
0x3a: {  	s24 =	sand.u32 @!p2 $0xFF, s24;
	s26 =	ssub.s32 @!p1 s26, s30;
	_ =	swait.ge @!p0 [sflag:s16], $0x4000  }
0x3b: {  	s30 =	sshll.u32 @!p2 s24, $0x8;
	s24 =	sadd.s32 @!p2 $0x1, s24;
	s28 =	sshrl.u32 @!p0 s28, $0x9  }
0x3c: {  	s26 =	sand.u32 @!p1 $0xFF, s26;
	s30 =	sor.u32 @!p2 $0x13C00, s30;
	s28 =	sand.u32 @!p0 $0x7F, s28  }
0x3d: {  	s19 =	sadd.s32 @!p1 $0x1, s26;
	s28 =	smul.u32 @!p0 $0x3, s28;
	[sflag:s16] =	ssyncset.done @!p0 $0x0  }
0x3e: {  	s18 =	sshrl.u32 @!p0 s18, $0x2;
	[sflag:s16] =	ssyncadd.s32 @!p0 $0xFFFFC000;
	s16 =	sshll.u32 @!p1 s26, $0x8  }
0x3f: {  	[tilespmem:s30], [sflag:s24] =	stream.linear.gather @!p2 [hbm4b:s22+s29], $0x100, $0x38;
	[tilespmem:$0x1BF00] =	vst v63  }
0x40: {  	s16 =	sor.u32 @!p1 $0x13C00, s16;
	s24 =	ssub.s32 @!p0 s25, s28;
	_ =	swait.ge @!p1 [sflag:s19], $0x100  }
0x41: {  	s18 =	sor.u32 @!p0 $0x13F00, s18;
	s24 =	sand.u32 @!p0 $0xC3, s24;
	[sflag:s19] =	ssyncset.done @!p1 $0x0  }
0x42: {  	s25 =	simm.s32 @!p0 $0x80;
	[sflag:s19] =	ssyncadd.s32 @!p1 $0xFFFFFF00;
	s19 =	sshll.u32 @!p0 s24, $0x8  }
0x43: {  	[tilespmem:s1], [sflag:s31] =	stream.indirect.gather @!p1 [hbm4b:s4+s0], $0x80, s16, s0, $0xb8;
	[tilespmem:$0x1BF00] =	vst v63  }
0x44: {  	p1 =	sne.s32 s23, $0x98  }
.Ltmp1:
0x45: {  	_ = 	snop;
	(pc) =	sbr.rel @p1 .LBB2_2-.Ltmp1, $3  }
0x46: {  	_ =	sdelay $0x1  }
0x47: {  	s24 =	simm.s32 @!p0 $0x6;
	s0 =	sor.u32 @!p0 $0x13C80, s19  }
0x48: {  	[spmem:s2] =	stream.indirect.scatter.add.f32 @!p0 [tilespmem:s18], [sflag:$0x6], $0x80, s0, s25, $0xb8;
	[tilespmem:$0x1BF00] =	vst v63  }
.LBB2_3:
0x49: {  	_ =	swait.ge @!p0 [sflag:s24], $0x4000  }
0x4a: {  	s20 =	sadd.s32 $0x1, s20;
	[sflag:s24] =	ssyncset.done @!p0 $0x0  }
0x4b: {  	[sflag:s24] =	ssyncadd.s32 @!p0 $0xFFFFC000;
	p0 =	sne.s32 s20, s11  }
.Ltmp2:
0x4c: {  	[bflag:$0x0] =	sbarrier.arrive $0xFFFF;
	(pc) =	sbr.rel @p0 .LBB2_1-.Ltmp2, $4  }
0x4d: {  	[hbm:s10], [sflag:s8] =	dma.local [spmem:s13], $0x2780  }
0x4e: {  	_ =	swait.ge [sflag:s14], $0x2780  }
0x4f: {  	[sflag:s14] =	ssyncset.done $0x0  }
0x50: {  	[sflag:s14] =	ssyncadd.s32 $0xFFFFD880  }
0x51: {  	_ =	sfence.sel $0x180000  }
0x52: {  	[bflag:$0x0] =	sbarrier.arrive $0xFFFF  }
0x53: {  	_ =	strace $0x9000004D  }
0x54: {  	s0 =	stileid.u32;
	[bflag:$0x2] =	sbarrier.arrive $0xFFFF  }
0x55: {  	p0 =	sne.s32 s0, $0x0;
	s0 =	rddreg [dreg:$0x2]  }
0x56: {  	s0 =	sadd.s32 @!p0 $0x100000, s0  }
0x57: {  	[sflag:s0] =	ssyncadd.tile.s32 @!p0 $0x1;
	_ =	shalt  }
.Lfunc_end2:
_tile_overlayer_lowered:
.L_overlay_start_2:
0x58: {  	(tag) =	ssettag $0x2  }
0x59: {  	s0 =	rddreg [dreg:$0x0];
	s2 =	stileid.u32  }
0x5a: {  	s1 =	rddreg [dreg:$0x1];
	p0 =	sne.s32 s2, $0x0  }
0x5b: {  	s3 =	rddreg [dreg:$0x2];
	[bflag:$0x3] =	sbarrier.arrive $0xFFFF;
	s2 =	simm.s32 @!p0 $0x1C06  }
0x5c: {  	[timem:s3], [sflag:s2] =	dma.local @!p0 [hbm:s0], s1  }
0x5d: {  	s0 =	simm.s32 @!p0 $0x6  }
0x5e: {  	_ =	swait.ge @!p0 [sflag:s0], s1  }
0x5f: {  	s1 =	ssub.s32 @!p0 $0x0, s1;
	[sflag:s0] =	ssyncset.done @!p0 $0x0  }
0x60: {  	[sflag:s0] =	ssyncadd.s32 @!p0 s1  }
0x61: {  	[bflag:$0x3] =	sbarrier.arrive $0xFFFF  }
0x62: {  	_ =	shalt  }

// kernel: kernel.21.cloned.1.call-start
scs
__scs_entry_jumppad:
0x0: {  	(pc) =	sbr.rel $0x88, $3  }
0x1: {  	(tag) =	ssettag $0x0;
	lr =	simm.s32 $0x1  }
0x2: {  	[smem:$0x3F93] =	sst lr;
	_ =	strace $0xD0000000  }
0x3: {  	_ = 	snop  }
0x4: {  	_ = 	snop  }
0x5: {  	_ = 	snop  }
0x6: {  	_ = 	snop  }
0x7: {  	_ = 	snop  }
__scs_overlays_trampoline_lowered:
0x8: {  	[smem:$0x3FA2] =	sst s0  }
0x9: {  	[smem:$0x3FA3] =	sst s1  }
0xa: {  	[smem:$0x3FA4] =	sst s2  }
0xb: {  	[smem:$0x3FA5] =	sst s3  }
0xc: {  	[smem:$0x3FA6] =	sst s4  }
0xd: {  	[smem:$0x3FA7] =	sst s5  }
0xe: {  	[smem:$0x3FA8] =	sst s6  }
0xf: {  	[smem:$0x3FA9] =	sst s7  }
0x10: {  	[smem:$0x3FAA] =	sst s8  }
0x11: {  	[smem:$0x3FAB] =	sst s9;
	s0 =	simm.s32 @!p0 $0x0  }
0x12: {  	s1 =	sld [smem:$0x3F91];
	s0 =	simm.s32 @p0 $0x1  }
0x13: {  	[smem:$0x3FAC] =	sst s0;
	s0 =	simm.s32 @!p1 $0x0  }
0x14: {  	s2 =	sld [smem:$0x3F90];
	s0 =	simm.s32 @p1 $0x1  }
0x15: {  	[smem:$0x3FAD] =	sst s0;
	s0 =	simm.s32 @!p2 $0x0  }
0x16: {  	s3 =	sld [smem:$0x3FDB];
	s0 =	simm.s32 @p2 $0x1  }
0x17: {  	s4 =	simm.s32 $0x1BF5;
	[smem:$0x3FAF] =	sst s0  }
0x18: {  	s0 =	sld [smem:$0x3F92];
	_ =	swait.ge [sflag:s4], $0x0  }
0x19: {  	s7 =	sld [smem:$0x3F93]  }
0x1a: {  	s8 =	sadd.s32 $0xFFFFE003, lr  }
0x1b: {  	s9 =	sadd.s32 $0xFFFFFEF7, lr;
	s5 =	simm.s32 $0xFFFFFFFF;
	p2 =	slt.u32 s8, $0xFFFFF086  }
0x1c: {  	p1 =	slt.u32 s9, $0xF7A;
	s5 =	simm.s32 @!p2 $0x0  }
0x1d: {  	s5 =	simm.s32 @p1 $0x1;
	p0 =	seq.s32 s7, s2  }
0x1e: {  	s7 =	smul.u32 @!p0 $0xF7A, s2;
	p2 =	seq.s32 @!p0 s5, $0x0  }
0x1f: {  	s9 =	smul.u32 $0xF7A, s1;
	s8 =	simm.s32 @!p0 $0x1BF5;
	p2 =	por !p2, p0  }
0x20: {  	[sflag:s8] =	ssyncset.s32 @!p0 $0xFFFFF086;
	s6 =	sadd.s32 @!p0 s3, s7;
	s7 =	simm.s32 @!p0 $0x108  }
0x21: {  	s3 =	sadd.s32 s3, s9;
	s6 =	sadd.s32 @!p0 $0x88, s6;
	s7 =	simm.s32 @p2 $0x1082  }
0x22: {  	[simem:s7], [sflag:s8] =	dma.local @!p0 [hbm:s6], $0xF7A  }
0x23: {  	s9 =	sor.u32 $0xD0000000, s2;
	s6 =	simm.s32 $0x108;
	_ =	swait.ge @!p0 [sflag:s8], $0x0  }
0x24: {  	s3 =	sadd.s32 $0x88, s3;
	s6 =	simm.s32 @!p1 $0x1082;
	[sflag:s4] =	ssyncset.s32 $0xFFFFF086  }
0x25: {  	[simem:s6], [sflag:s4] =	dma.local [hbm:s3], $0xF7A  }
0x26: {  	[smem:$0x3F93] =	sst s1;
	(tag) =	ssettag s2;
	_ =	strace s9  }
0x27: {  	s1 =	sld [smem:$0x3FA3]  }
0x28: {  	s2 =	sld [smem:$0x3FA4]  }
0x29: {  	s4 =	sld [smem:$0x3FA6]  }
0x2a: {  	p0 =	seq.s32 s5, $0x0;
	s5 =	sld [smem:$0x3FA7]  }
0x2b: {  	s6 =	sld [smem:$0x3FA8]  }
0x2c: {  	s7 =	sld [smem:$0x3FA9]  }
0x2d: {  	s3 =	simm.s32 $0x108;
	s8 =	sld [smem:$0x3FAA]  }
0x2e: {  	s3 =	simm.s32 @!p0 $0x1082;
	s9 =	sld [smem:$0x3FAB]  }
0x2f: {  	lr =	sadd.s32 s0, s3;
	s0 =	sld [smem:$0x3FA2]  }
0x30: {  	s3 =	sld [smem:$0x3FA5]  }
0x31: {  	[smem:$0x3FAE] =	sst s10  }
0x32: {  	s10 =	sld [smem:$0x3FAC];
	_ =	sdelay $0x3  }
0x33: {  	p0 =	seq.s32 s10, $0x1;
	s10 =	sld [smem:$0x3FAE];
	_ =	sdelay $0x3  }
0x34: {  	[smem:$0x3FAE] =	sst s10  }
0x35: {  	s10 =	sld [smem:$0x3FAD];
	_ =	sdelay $0x3  }
0x36: {  	p1 =	seq.s32 s10, $0x1;
	s10 =	sld [smem:$0x3FAE];
	_ =	sdelay $0x3  }
0x37: {  	[smem:$0x3FAE] =	sst s10  }
0x38: {  	s10 =	sld [smem:$0x3FAF]  }
0x39: {  	_ = 	snop;
	(pc) =	sbr.ind lr, $3  }
0x3a: {  	_ = 	snop  }
0x3b: {  	_ = 	snop  }
0x3c: {  	p2 =	seq.s32 s10, $0x1;
	s10 =	sld [smem:$0x3FAE]  }
0x3d: {  	_ =	shalt  }
0x3e: {  	_ =	shalt  }
0x3f: {  	_ =	shalt  }
0x40: {  	_ =	shalt  }
0x41: {  	_ =	shalt  }
0x42: {  	_ =	shalt  }
0x43: {  	_ =	shalt  }
0x44: {  	_ =	shalt  }
0x45: {  	_ =	shalt  }
0x46: {  	_ =	shalt  }
0x47: {  	_ =	shalt  }
0x48: {  	_ =	shalt  }
0x49: {  	_ =	shalt  }
0x4a: {  	_ =	shalt  }
0x4b: {  	_ =	shalt  }
0x4c: {  	_ =	shalt  }
0x4d: {  	_ =	shalt  }
0x4e: {  	_ =	shalt  }
0x4f: {  	_ =	shalt  }
0x50: {  	_ =	shalt  }
0x51: {  	_ =	shalt  }
0x52: {  	_ =	shalt  }
0x53: {  	_ =	shalt  }
0x54: {  	_ =	shalt  }
0x55: {  	_ =	shalt  }
0x56: {  	_ =	shalt  }
0x57: {  	_ =	shalt  }
0x58: {  	_ =	shalt  }
0x59: {  	_ =	shalt  }
0x5a: {  	_ =	shalt  }
0x5b: {  	_ =	shalt  }
0x5c: {  	_ =	shalt  }
0x5d: {  	_ =	shalt  }
0x5e: {  	_ =	shalt  }
0x5f: {  	_ =	shalt  }
0x60: {  	_ =	shalt  }
0x61: {  	_ =	shalt  }
0x62: {  	_ =	shalt  }
0x63: {  	_ =	shalt  }
0x64: {  	_ =	shalt  }
0x65: {  	_ =	shalt  }
0x66: {  	_ =	shalt  }
0x67: {  	_ =	shalt  }
0x68: {  	_ =	shalt  }
0x69: {  	_ =	shalt  }
0x6a: {  	_ =	shalt  }
0x6b: {  	_ =	shalt  }
0x6c: {  	_ =	shalt  }
0x6d: {  	_ =	shalt  }
0x6e: {  	_ =	shalt  }
0x6f: {  	_ =	shalt  }
0x70: {  	_ =	shalt  }
0x71: {  	_ =	shalt  }
0x72: {  	_ =	shalt  }
0x73: {  	_ =	shalt  }
0x74: {  	_ =	shalt  }
0x75: {  	_ =	shalt  }
0x76: {  	_ =	shalt  }
0x77: {  	_ =	shalt  }
0x78: {  	_ =	shalt  }
0x79: {  	_ =	shalt  }
0x7a: {  	_ =	shalt  }
0x7b: {  	_ =	shalt  }
0x7c: {  	_ =	shalt  }
0x7d: {  	_ =	shalt  }
0x7e: {  	_ =	shalt  }
0x7f: {  	_ =	shalt  }
0x80: {  	_ =	shalt  }
0x81: {  	_ =	shalt  }
0x82: {  	_ =	shalt  }
0x83: {  	_ =	shalt  }
0x84: {  	_ =	shalt  }
0x85: {  	_ =	shalt  }
0x86: {  	_ =	shalt  }
0x87: {  	_ =	shalt  }
.Lfunc_end0:
.L_simem_size_0:
called_computation.4_lowered:
.L_overlay_start_0:
0x88: {  	s2 =	sld [smem:$0x3FD9]  }
0x89: {  	s3 =	sld [smem:$0x3FFE];
	_ =	sdelay $0x1  }
0x8a: {  	s1 =	srdreg.scid  }
0x8b: {  	s0 =	sand.u32 $0x1, s1  }
0x8c: {  	s16 =	sshll.u32 s0, $0xA;
	s2 =	sadd.s32 s3, s2  }
0x8d: {  	s2 =	sadd.s32 s2, s16  }
0x8e: {  	[smem:$0x3FBA] =	sst s2  }
0x8f: {  	_ = 	snop  }
0x90: {  	(tm) =	ssettm $0x1  }
0x91: {  	s17 =	sld [smem:$0x3FFB];
	_ =	sdelay $0x3  }
0x92: {  	_ =	strace s17  }
0x93: {  	s2 =	sld [smem:$0x3FFC];
	_ =	sdelay $0x3  }
0x94: {  	_ =	strace s2  }
0x95: {  	s2 =	sld [smem:$0x3FFD];
	_ =	sdelay $0x3  }
0x96: {  	_ =	strace s2  }
0x97: {  	_ =	strace $0x8FFFFFFF  }
0x98: {  	s18 =	sld [smem:$0x3FDB];
	_ =	sdelay $0x1  }
0x99: {  	s19 =	simm.s32 $_scs_section_size  }
0x9a: {  	s4 =	simm.s32 $_size__tile_overlayer_lowered;
	s5 =	simm.s32 $_tile_overlayer_lowered  }
0x9b: {  	s22 =	simm.s32 $0x1BFF;
	s21 =	sshll.u32 s5, $0x1;
	s2 =	sadd.s32 s19, s18  }
0x9c: {  	s6 =	simm.s32 $0x0;
	s20 =	sshll.u32 s4, $0x1;
	s4 =	sadd.s32 s21, s2  }
0x9d: {  	[timem:s6], [sflag:s22] =	dma.local [hbm:s4], s20  }
0x9e: {  	_ =	swait.ge [sflag:s22], s20  }
0x9f: {  	s3 =	ssub.s32 $0x0, s20;
	[sflag:s22] =	ssyncset.done $0x0  }
0xa0: {  	[sflag:s22] =	ssyncadd.s32 s3;
	_ =	sdelay $0x1  }
0xa1: {  	s23 =	simm.s32 $0x1B8B  }
0xa2: {  	_ =	swait.ge [sflag:s23], $0x1  }
0xa3: {  	[sflag:s23] =	ssyncset.done $0x0  }
0xa4: {  	s25 =	simm.s32 $0x1B8E;
	s24 =	sld [smem:$0x3FFE];
	[sflag:s23] =	ssyncadd.s32 $0xFFFFFFFF  }
0xa5: {  	s26 =	simm.s32 $execute0_lowered;
	[smem:$0x3FD2] =	sst s25  }
0xa6: {  	s4 =	sshll.u32 s26, $0x1;
	_ =	strace $0x8000004F;
	[dreg:$0x1] =	wrdreg $0xFFFFFFFF  }
0xa7: {  	s28 =	simm.s32 $_size_execute0_lowered;
	s2 =	sadd.s32 s2, s4;
	[dreg:$0x0] =	wrdreg $0x0  }
0xa8: {  	s4 =	sshll.u32 s28, $0x1;
	[dreg:$0x2] =	wrdreg s2  }
0xa9: {  	[dreg:$0x3] =	wrdreg s4  }
0xaa: {  	[dreg:$0x4] =	wrdreg $0xC0  }
0xab: {  	_ =	task [dreg:s6], $0x5FFFF  }
0xac: {  	[dreg:$0x1] =	wrdreg $0xFFFFFFFF  }
0xad: {  	[dreg:$0x0] =	wrdreg $0x60  }
0xae: {  	[dreg:$0x2] =	wrdreg s24  }
0xaf: {  	[dreg:$0x3] =	wrdreg $0x0  }
0xb0: {  	[dreg:$0x4] =	wrdreg $0x9  }
0xb1: {  	_ =	task.clear_ibuf [dreg:s6], $0x5FFFF;
	_ =	strace $0x9000004F  }
0xb2: {  	s29 =	simm.s32 $0x9;
	_ =	strace $0x80000051  }
0xb3: {  	_ =	swait.ge [sflag:s29], $0x1  }
0xb4: {  	[sflag:s29] =	ssyncadd.s32 $0xFFFFFFFF  }
0xb5: {  	_ =	strace $0x90000051  }
0xb6: {  	_ =	sfence  }
0xb7: {  	s30 =	sld [smem:$0x0];
	_ =	sdelay $0x2  }
0xb8: {  	s31 =	sshll.u32 s1, $0xD;
	s1 =	sshrl.u32 s1, $0x2  }
0xb9: {  	s3 =	sand.u32 $0x4000, s31;
	s1 =	sadd.s32 s1, s30  }
0xba: {  	s0 =	sor.u32 s3, s0;
	s1 =	sshll.u32 s1, $0x11  }
0xbb: {  	s0 =	sor.u32 s1, s0  }
0xbc: {  	s0 =	sadd.s32 $0x8F2B, s0  }
0xbd: {  	[sflag:s0] =	ssyncadd.remote.s32 $0x1  }
0xbe: {  	_ =	sfence.sel $0xFFFF  }
0xbf: {  	[dreg:$0x0] =	wrdreg $0xFFFFFFFF;
	(pc) =	sbr.abs _section_cstart, $3  }
0xc0: {  	[dreg:$0x1] =	wrdreg $0xFFFFFFFF  }
0xc1: {  	_ =	task.clear_ibuf [dreg:s6], $0x2FFFF;
	_ =	strace $0x9FFFFFFF  }
0xc2: {  	(tm) =	ssettm $0x7FFFFFFF  }
0xc3: {  	_ =	shalt  }
tec
execute0_lowered:
.L_overlay_start_1:
0x0: {  	(tag) =	ssettag $0x1  }
0x1: {  	s6 =	rddreg [dreg:$0x0]  }
0x2: {  	s2 =	rddreg [dreg:$0x1];
	s3 =	simm.s32 $0x0;
	s0 =	stileid.u32  }
0x3: {  	s4 =	srdreg.scid;
	s17 =	simm.s32 $0x1;
	s7 =	smul.u32 $0x13C00, s0  }
0x4: {  	s20 =	simm.s32 $0x0;
	s8 =	sand.u32 $0x1, s4;
	s13 =	smul.u32 $0x4F000, s0  }
0x5: {  	[smem:$0x7FF] =	sst s3;
	s4 =	sadd.s32 $0x40A00, s6;
	s5 =	smul.u32 $0xFFFFFF70, s8  }
0x6: {  	s12 =	sadd.s32 $0x5200, s6;
	s29 =	sshll.u32 s0, $0x6;
	s9 =	smul.u32 $0x13C000, s8  }
0x7: {  	_ =	strace $0x80000050;
	s11 =	smul.u32 $0x980, s8;
	s8 =	ssub.s32 $0x2, s8  }
0x8: {  	s10 =	sshrl.u32 s7, $0x3;
	s24 =	sshrl.u32 s8, $0x1;
	s26 =	sshrl.u32 s13, $0x2  }
0x9: {  	s5 =	sadd.s32 $0x98, s5;
	s10 =	sadd.s32 s10, s6;
	s7 =	sadd.s32 s7, s9  }
0xa: {  	s25 =	ssub.s32 s8, s24;
	s13 =	sadd.s32 s26, s2;
	s23 =	smul.u32 s0, s5  }
0xb: {  	s8 =	sor.u32 $0x1C06, s29;
	s7 =	sshrl.u32 s7, $0x3;
	s13 =	sshrl.u32 s13, $0x3  }
0xc: {  	s14 =	sadd.s32 s7, s6;
	s6 =	sadd.s32 $0x19200, s10;
	s9 =	sadd.s32 s11, s23  }
0xd: {  	s10 =	sadd.s32 $0x8EE00, s14;
	s28 =	sshll.u32 s9, $0x5;
	s30 =	sor.u32 $0x2, s9  }
0xe: {  	s11 =	smax.u32 s25, $0x1;
	s7 =	sand.u32 $0x1FFFFF00, s28;
	s15 =	sand.u32 $0xFFFFFA, s30  }
0xf: {  	s14 =	simm.s32 $0x6;
	s7 =	sadd.s32 s12, s7;
	s31 =	sshll.u32 s15, $0x5  }
0x10: {  	s15 =	simm.s32 $0x13C00;
	s9 =	sadd.s32 $0x20, s7;
	s12 =	sadd.s32 s31, s12  }
.LBB2_1:
0x11: {  	[spmem:s13], [sflag:s8] =	dma.local [hbm:s6], $0x2780  }
0x12: {  	s0 =	simm.s32 $0x13D00;
	s31 =	simm.s32 $0x80;
	_ =	swait.ge [sflag:s14], $0x2780  }
0x13: {  	s21 =	simm.s32 $0x2;
	p2 =	sle.u32 s5, $0x2;
	[sflag:s14] =	ssyncset.done $0x0  }
0x14: {  	s22 =	simm.s32 $0x1;
	p1 =	sle.u32 s5, $0x1;
	[sflag:s14] =	ssyncadd.s32 $0xFFFFD880  }
0x15: {  	p0 =	sle.u32 s5, $0x0;
	s21 =	smul.u32 @!p2 $0xAB, s21;
	[bflag:$0x0] =	sbarrier.arrive $0xFFFF  }
0x16: {  	[tilespmem:s15], [sflag:$0x1] =	stream.linear.gather [hbm4b:s7+s3], $0x100, $0x38;
	[tilespmem:$0x1BF00] =	vst v63  }
0x17: {  	s1 =	simm.s32 $0x13F00;
	s23 =	smul.u32 @!p1 $0xAB, s22;
	s24 =	sand.u32 @!p0 $0x1, s3  }
0x18: {  	[tilespmem:s0], [sflag:$0x2] =	stream.linear.gather [hbm4b:s9+s3], $0x100, $0x38;
	[tilespmem:$0x1BF00] =	vst v63  }
0x19: {  	s24 =	sor.u32 @!p0 $0x4, s24;
	s21 =	sshrl.u32 @!p2 s21, $0x9;
	_ =	swait.ge [sflag:s17], $0x100  }
0x1a: {  	s23 =	sshrl.u32 @!p1 s23, $0x9;
	s21 =	sand.u32 @!p2 $0x7F, s21;
	[sflag:s17] =	ssyncset.done $0x0  }
0x1b: {  	s23 =	sand.u32 @!p1 $0x7F, s23;
	s21 =	smul.u32 @!p2 $0x3, s21;
	[sflag:s17] =	ssyncadd.s32 $0xFFFFFF00  }
0x1c: {  	[tilespmem:s1], [sflag:$0x4] =	stream.indirect.gather [hbm4b:s4+s31], $0x80, s15, s31, $0xb8;
	[tilespmem:$0x1BF00] =	vst v63  }
0x1d: {  	s23 =	smul.u32 @!p1 $0x3, s23;
	s21 =	ssub.s32 @!p2 $0x2, s21;
	_ =	swait.ge @!p0 [sflag:s24], $0x4000  }
0x1e: {  	s25 =	simm.s32 @!p2 $0x0;
	s21 =	sand.u32 @!p2 $0xFF, s21;
	[sflag:s24] =	ssyncset.done @!p0 $0x0  }
0x1f: {  	s23 =	ssub.s32 @!p1 $0x1, s23;
	[sflag:s24] =	ssyncadd.s32 @!p0 $0xFFFFC000;
	s24 =	sshll.u32 @!p2 s21, $0x8  }
0x20: {  	s23 =	sand.u32 @!p1 $0xFF, s23;
	s21 =	sadd.s32 @!p2 $0x1, s21;
	s24 =	sor.u32 @!p2 $0x13C00, s24  }
0x21: {  	[tilespmem:s24], [sflag:s21] =	stream.linear.gather @!p2 [hbm4b:s12+s25], $0x100, $0x38;
	[tilespmem:$0x1BF00] =	vst v63  }
0x22: {  	s22 =	sand.u32 @!p1 $0x1, s22;
	s21 =	sadd.s32 @!p1 $0x1, s23;
	s24 =	smul.u32 @!p0 $0xAB, s3  }
0x23: {  	s25 =	simm.s32 @!p1 $0x80;
	s23 =	sshll.u32 @!p1 s23, $0x8;
	_ =	swait.ge @!p1 [sflag:s21], $0x100  }
0x24: {  	s23 =	sor.u32 @!p1 $0x13C00, s23;
	[sflag:s21] =	ssyncset.done @!p1 $0x0;
	s24 =	sshrl.u32 @!p0 s24, $0x9  }
0x25: {  	[sflag:s21] =	ssyncadd.s32 @!p1 $0xFFFFFF00;
	s21 =	sshll.u32 @!p1 s22, $0xE;
	s24 =	sand.u32 @!p0 $0x7F, s24  }
0x26: {  	s22 =	sor.u32 @!p1 $0x4, s22;
	s21 =	sor.u32 @!p1 $0x13F00, s21;
	s24 =	smul.u32 @!p0 $0x3, s24  }
0x27: {  	[tilespmem:s21], [sflag:s22] =	stream.indirect.gather @!p1 [hbm4b:s4+s25], $0x80, s23, s25, $0xb8;
	[tilespmem:$0x1BF00] =	vst v63  }
0x28: {  	p1 =	por $0x1, $0x1;
	s21 =	ssub.s32 @!p0 $0x0, s24  }
.Ltmp0:
0x29: {  	s22 =	sand.u32 @!p0 $0x10000, s3;
	s21 =	sand.u32 @!p0 $0xC3, s21;
	(pc) =	sbr.rel @!p1 .LBB2_3-.Ltmp0, $4  }
0x2a: {  	s23 =	simm.s32 @!p0 $0x80;
	s22 =	sshrl.u32 @!p0 s22, $0x2;
	s21 =	sshll.u32 @!p0 s21, $0x8  }
0x2b: {  	s24 =	simm.s32 @!p0 $0x6;
	s22 =	sor.u32 @!p0 $0x13F00, s22;
	s21 =	sor.u32 @!p0 $0x13C80, s21  }
0x2c: {  	[spmem:s2] =	stream.indirect.scatter.add.f32 @!p0 [tilespmem:s22], [sflag:$0x6], $0x80, s21, s23, $0xb8;
	[tilespmem:$0x1BF00] =	vst v63  }
0x2d: {  	s23 =	simm.s32 $0x1;
	s21 =	simm.s32 $0x0;
	s22 =	smov.u32 s12  }
.LBB2_2:
0x2e: {  	_ =	swait.ge @!p0 [sflag:s24], $0x4000;
	s21 =	sadd.s32 $0x10000, s21;
	s22 =	sadd.s32 $0x20, s22  }
0x2f: {  	s25 =	smov.u32 s23;
	[sflag:s24] =	ssyncset.done @!p0 $0x0  }
0x30: {  	[sflag:s24] =	ssyncadd.s32 @!p0 $0xFFFFC000  }
0x31: {  	s24 =	sadd.s32 $0x2, s23  }
0x32: {  	s26 =	sadd.s32 $0x1, s25;
	p2 =	sge.u32 s24, s5;
	s23 =	sadd.s32 $0xFFFFFFFF, s24  }
0x33: {  	s28 =	smul.u32 @!p2 $0xAB, s24;
	s29 =	simm.s32 @!p2 $0x0;
	p1 =	sge.u32 s23, s5  }
0x34: {  	s30 =	smul.u32 @!p1 $0xAB, s26;
	s31 =	sand.u32 @!p1 $0x1, s26;
	s0 =	simm.s32 @!p1 $0x80  }
0x35: {  	s28 =	sshrl.u32 @!p2 s28, $0x9;
	s1 =	sshll.u32 @!p1 s31, $0xE;
	s31 =	sor.u32 @!p1 $0x4, s31  }
0x36: {  	s28 =	sand.u32 @!p2 $0x7F, s28;
	s30 =	sshrl.u32 @!p1 s30, $0x9;
	s1 =	sor.u32 @!p1 $0x13F00, s1  }
0x37: {  	p0 =	sge.u32 s25, s5;
	s28 =	smul.u32 @!p2 $0x3, s28;
	s30 =	sand.u32 @!p1 $0x7F, s30  }
0x38: {  	s16 =	sand.u32 @!p0 $0x1, s25;
	s18 =	sand.u32 @!p0 $0x10000, s21;
	s30 =	smul.u32 @!p1 $0x3, s30  }
0x39: {  	s16 =	sor.u32 @!p0 $0x4, s16;
	s24 =	ssub.s32 @!p2 s24, s28;
	s28 =	smul.u32 @!p0 $0xAB, s25  }
0x3a: {  	s24 =	sand.u32 @!p2 $0xFF, s24;
	s26 =	ssub.s32 @!p1 s26, s30;
	_ =	swait.ge @!p0 [sflag:s16], $0x4000  }
0x3b: {  	s30 =	sshll.u32 @!p2 s24, $0x8;
	s24 =	sadd.s32 @!p2 $0x1, s24;
	s28 =	sshrl.u32 @!p0 s28, $0x9  }
0x3c: {  	s26 =	sand.u32 @!p1 $0xFF, s26;
	s30 =	sor.u32 @!p2 $0x13C00, s30;
	s28 =	sand.u32 @!p0 $0x7F, s28  }
0x3d: {  	s19 =	sadd.s32 @!p1 $0x1, s26;
	s28 =	smul.u32 @!p0 $0x3, s28;
	[sflag:s16] =	ssyncset.done @!p0 $0x0  }
0x3e: {  	s18 =	sshrl.u32 @!p0 s18, $0x2;
	[sflag:s16] =	ssyncadd.s32 @!p0 $0xFFFFC000;
	s16 =	sshll.u32 @!p1 s26, $0x8  }
0x3f: {  	[tilespmem:s30], [sflag:s24] =	stream.linear.gather @!p2 [hbm4b:s22+s29], $0x100, $0x38;
	[tilespmem:$0x1BF00] =	vst v63  }
0x40: {  	s16 =	sor.u32 @!p1 $0x13C00, s16;
	s24 =	ssub.s32 @!p0 s25, s28;
	_ =	swait.ge @!p1 [sflag:s19], $0x100  }
0x41: {  	s18 =	sor.u32 @!p0 $0x13F00, s18;
	s24 =	sand.u32 @!p0 $0xC3, s24;
	[sflag:s19] =	ssyncset.done @!p1 $0x0  }
0x42: {  	s25 =	simm.s32 @!p0 $0x80;
	[sflag:s19] =	ssyncadd.s32 @!p1 $0xFFFFFF00;
	s19 =	sshll.u32 @!p0 s24, $0x8  }
0x43: {  	[tilespmem:s1], [sflag:s31] =	stream.indirect.gather @!p1 [hbm4b:s4+s0], $0x80, s16, s0, $0xb8;
	[tilespmem:$0x1BF00] =	vst v63  }
0x44: {  	p1 =	sne.s32 s23, $0x98  }
.Ltmp1:
0x45: {  	_ = 	snop;
	(pc) =	sbr.rel @p1 .LBB2_2-.Ltmp1, $3  }
0x46: {  	_ =	sdelay $0x1  }
0x47: {  	s24 =	simm.s32 @!p0 $0x6;
	s0 =	sor.u32 @!p0 $0x13C80, s19  }
0x48: {  	[spmem:s2] =	stream.indirect.scatter.add.f32 @!p0 [tilespmem:s18], [sflag:$0x6], $0x80, s0, s25, $0xb8;
	[tilespmem:$0x1BF00] =	vst v63  }
.LBB2_3:
0x49: {  	_ =	swait.ge @!p0 [sflag:s24], $0x4000  }
0x4a: {  	s20 =	sadd.s32 $0x1, s20;
	[sflag:s24] =	ssyncset.done @!p0 $0x0  }
0x4b: {  	[sflag:s24] =	ssyncadd.s32 @!p0 $0xFFFFC000;
	p0 =	sne.s32 s20, s11  }
.Ltmp2:
0x4c: {  	[bflag:$0x0] =	sbarrier.arrive $0xFFFF;
	(pc) =	sbr.rel @p0 .LBB2_1-.Ltmp2, $4  }
0x4d: {  	[hbm:s10], [sflag:s8] =	dma.local [spmem:s13], $0x2780  }
0x4e: {  	_ =	swait.ge [sflag:s14], $0x2780  }
0x4f: {  	[sflag:s14] =	ssyncset.done $0x0  }
0x50: {  	[sflag:s14] =	ssyncadd.s32 $0xFFFFD880  }
0x51: {  	_ =	sfence.sel $0x180000  }
0x52: {  	[bflag:$0x0] =	sbarrier.arrive $0xFFFF  }
0x53: {  	_ =	strace $0x90000050  }
0x54: {  	s0 =	stileid.u32;
	[bflag:$0x2] =	sbarrier.arrive $0xFFFF  }
0x55: {  	p0 =	sne.s32 s0, $0x0;
	s0 =	rddreg [dreg:$0x2]  }
0x56: {  	s0 =	sadd.s32 @!p0 $0x100000, s0  }
0x57: {  	[sflag:s0] =	ssyncadd.tile.s32 @!p0 $0x1;
	_ =	shalt  }
.Lfunc_end2:
_tile_overlayer_lowered:
.L_overlay_start_2:
0x58: {  	(tag) =	ssettag $0x2  }
0x59: {  	s0 =	rddreg [dreg:$0x0];
	s2 =	stileid.u32  }
0x5a: {  	s1 =	rddreg [dreg:$0x1];
	p0 =	sne.s32 s2, $0x0  }
0x5b: {  	s3 =	rddreg [dreg:$0x2];
	[bflag:$0x3] =	sbarrier.arrive $0xFFFF;
	s2 =	simm.s32 @!p0 $0x1C06  }
0x5c: {  	[timem:s3], [sflag:s2] =	dma.local @!p0 [hbm:s0], s1  }
0x5d: {  	s0 =	simm.s32 @!p0 $0x6  }
0x5e: {  	_ =	swait.ge @!p0 [sflag:s0], s1  }
0x5f: {  	s1 =	ssub.s32 @!p0 $0x0, s1;
	[sflag:s0] =	ssyncset.done @!p0 $0x0  }
0x60: {  	[sflag:s0] =	ssyncadd.s32 @!p0 s1  }
0x61: {  	[bflag:$0x3] =	sbarrier.arrive $0xFFFF  }
0x62: {  	_ =	shalt  }

// kernel: kernel.24.cloned.1.call-start
scs
__scs_entry_jumppad:
0x0: {  	(pc) =	sbr.rel $0x88, $3  }
0x1: {  	(tag) =	ssettag $0x0;
	lr =	simm.s32 $0x1  }
0x2: {  	[smem:$0x3F93] =	sst lr;
	_ =	strace $0xD0000000  }
0x3: {  	_ = 	snop  }
0x4: {  	_ = 	snop  }
0x5: {  	_ = 	snop  }
0x6: {  	_ = 	snop  }
0x7: {  	_ = 	snop  }
__scs_overlays_trampoline_lowered:
0x8: {  	[smem:$0x3FA2] =	sst s0  }
0x9: {  	[smem:$0x3FA3] =	sst s1  }
0xa: {  	[smem:$0x3FA4] =	sst s2  }
0xb: {  	[smem:$0x3FA5] =	sst s3  }
0xc: {  	[smem:$0x3FA6] =	sst s4  }
0xd: {  	[smem:$0x3FA7] =	sst s5  }
0xe: {  	[smem:$0x3FA8] =	sst s6  }
0xf: {  	[smem:$0x3FA9] =	sst s7  }
0x10: {  	[smem:$0x3FAA] =	sst s8  }
0x11: {  	[smem:$0x3FAB] =	sst s9;
	s0 =	simm.s32 @!p0 $0x0  }
0x12: {  	s1 =	sld [smem:$0x3F91];
	s0 =	simm.s32 @p0 $0x1  }
0x13: {  	[smem:$0x3FAC] =	sst s0;
	s0 =	simm.s32 @!p1 $0x0  }
0x14: {  	s2 =	sld [smem:$0x3F90];
	s0 =	simm.s32 @p1 $0x1  }
0x15: {  	[smem:$0x3FAD] =	sst s0;
	s0 =	simm.s32 @!p2 $0x0  }
0x16: {  	s3 =	sld [smem:$0x3FDB];
	s0 =	simm.s32 @p2 $0x1  }
0x17: {  	s4 =	simm.s32 $0x1BF5;
	[smem:$0x3FAF] =	sst s0  }
0x18: {  	s0 =	sld [smem:$0x3F92];
	_ =	swait.ge [sflag:s4], $0x0  }
0x19: {  	s7 =	sld [smem:$0x3F93]  }
0x1a: {  	s8 =	sadd.s32 $0xFFFFE003, lr  }
0x1b: {  	s9 =	sadd.s32 $0xFFFFFEF7, lr;
	s5 =	simm.s32 $0xFFFFFFFF;
	p2 =	slt.u32 s8, $0xFFFFF086  }
0x1c: {  	p1 =	slt.u32 s9, $0xF7A;
	s5 =	simm.s32 @!p2 $0x0  }
0x1d: {  	s5 =	simm.s32 @p1 $0x1;
	p0 =	seq.s32 s7, s2  }
0x1e: {  	s7 =	smul.u32 @!p0 $0xF7A, s2;
	p2 =	seq.s32 @!p0 s5, $0x0  }
0x1f: {  	s9 =	smul.u32 $0xF7A, s1;
	s8 =	simm.s32 @!p0 $0x1BF5;
	p2 =	por !p2, p0  }
0x20: {  	[sflag:s8] =	ssyncset.s32 @!p0 $0xFFFFF086;
	s6 =	sadd.s32 @!p0 s3, s7;
	s7 =	simm.s32 @!p0 $0x108  }
0x21: {  	s3 =	sadd.s32 s3, s9;
	s6 =	sadd.s32 @!p0 $0x88, s6;
	s7 =	simm.s32 @p2 $0x1082  }
0x22: {  	[simem:s7], [sflag:s8] =	dma.local @!p0 [hbm:s6], $0xF7A  }
0x23: {  	s9 =	sor.u32 $0xD0000000, s2;
	s6 =	simm.s32 $0x108;
	_ =	swait.ge @!p0 [sflag:s8], $0x0  }
0x24: {  	s3 =	sadd.s32 $0x88, s3;
	s6 =	simm.s32 @!p1 $0x1082;
	[sflag:s4] =	ssyncset.s32 $0xFFFFF086  }
0x25: {  	[simem:s6], [sflag:s4] =	dma.local [hbm:s3], $0xF7A  }
0x26: {  	[smem:$0x3F93] =	sst s1;
	(tag) =	ssettag s2;
	_ =	strace s9  }
0x27: {  	s1 =	sld [smem:$0x3FA3]  }
0x28: {  	s2 =	sld [smem:$0x3FA4]  }
0x29: {  	s4 =	sld [smem:$0x3FA6]  }
0x2a: {  	p0 =	seq.s32 s5, $0x0;
	s5 =	sld [smem:$0x3FA7]  }
0x2b: {  	s6 =	sld [smem:$0x3FA8]  }
0x2c: {  	s7 =	sld [smem:$0x3FA9]  }
0x2d: {  	s3 =	simm.s32 $0x108;
	s8 =	sld [smem:$0x3FAA]  }
0x2e: {  	s3 =	simm.s32 @!p0 $0x1082;
	s9 =	sld [smem:$0x3FAB]  }
0x2f: {  	lr =	sadd.s32 s0, s3;
	s0 =	sld [smem:$0x3FA2]  }
0x30: {  	s3 =	sld [smem:$0x3FA5]  }
0x31: {  	[smem:$0x3FAE] =	sst s10  }
0x32: {  	s10 =	sld [smem:$0x3FAC];
	_ =	sdelay $0x3  }
0x33: {  	p0 =	seq.s32 s10, $0x1;
	s10 =	sld [smem:$0x3FAE];
	_ =	sdelay $0x3  }
0x34: {  	[smem:$0x3FAE] =	sst s10  }
0x35: {  	s10 =	sld [smem:$0x3FAD];
	_ =	sdelay $0x3  }
0x36: {  	p1 =	seq.s32 s10, $0x1;
	s10 =	sld [smem:$0x3FAE];
	_ =	sdelay $0x3  }
0x37: {  	[smem:$0x3FAE] =	sst s10  }
0x38: {  	s10 =	sld [smem:$0x3FAF]  }
0x39: {  	_ = 	snop;
	(pc) =	sbr.ind lr, $3  }
0x3a: {  	_ = 	snop  }
0x3b: {  	_ = 	snop  }
0x3c: {  	p2 =	seq.s32 s10, $0x1;
	s10 =	sld [smem:$0x3FAE]  }
0x3d: {  	_ =	shalt  }
0x3e: {  	_ =	shalt  }
0x3f: {  	_ =	shalt  }
0x40: {  	_ =	shalt  }
0x41: {  	_ =	shalt  }
0x42: {  	_ =	shalt  }
0x43: {  	_ =	shalt  }
0x44: {  	_ =	shalt  }
0x45: {  	_ =	shalt  }
0x46: {  	_ =	shalt  }
0x47: {  	_ =	shalt  }
0x48: {  	_ =	shalt  }
0x49: {  	_ =	shalt  }
0x4a: {  	_ =	shalt  }
0x4b: {  	_ =	shalt  }
0x4c: {  	_ =	shalt  }
0x4d: {  	_ =	shalt  }
0x4e: {  	_ =	shalt  }
0x4f: {  	_ =	shalt  }
0x50: {  	_ =	shalt  }
0x51: {  	_ =	shalt  }
0x52: {  	_ =	shalt  }
0x53: {  	_ =	shalt  }
0x54: {  	_ =	shalt  }
0x55: {  	_ =	shalt  }
0x56: {  	_ =	shalt  }
0x57: {  	_ =	shalt  }
0x58: {  	_ =	shalt  }
0x59: {  	_ =	shalt  }
0x5a: {  	_ =	shalt  }
0x5b: {  	_ =	shalt  }
0x5c: {  	_ =	shalt  }
0x5d: {  	_ =	shalt  }
0x5e: {  	_ =	shalt  }
0x5f: {  	_ =	shalt  }
0x60: {  	_ =	shalt  }
0x61: {  	_ =	shalt  }
0x62: {  	_ =	shalt  }
0x63: {  	_ =	shalt  }
0x64: {  	_ =	shalt  }
0x65: {  	_ =	shalt  }
0x66: {  	_ =	shalt  }
0x67: {  	_ =	shalt  }
0x68: {  	_ =	shalt  }
0x69: {  	_ =	shalt  }
0x6a: {  	_ =	shalt  }
0x6b: {  	_ =	shalt  }
0x6c: {  	_ =	shalt  }
0x6d: {  	_ =	shalt  }
0x6e: {  	_ =	shalt  }
0x6f: {  	_ =	shalt  }
0x70: {  	_ =	shalt  }
0x71: {  	_ =	shalt  }
0x72: {  	_ =	shalt  }
0x73: {  	_ =	shalt  }
0x74: {  	_ =	shalt  }
0x75: {  	_ =	shalt  }
0x76: {  	_ =	shalt  }
0x77: {  	_ =	shalt  }
0x78: {  	_ =	shalt  }
0x79: {  	_ =	shalt  }
0x7a: {  	_ =	shalt  }
0x7b: {  	_ =	shalt  }
0x7c: {  	_ =	shalt  }
0x7d: {  	_ =	shalt  }
0x7e: {  	_ =	shalt  }
0x7f: {  	_ =	shalt  }
0x80: {  	_ =	shalt  }
0x81: {  	_ =	shalt  }
0x82: {  	_ =	shalt  }
0x83: {  	_ =	shalt  }
0x84: {  	_ =	shalt  }
0x85: {  	_ =	shalt  }
0x86: {  	_ =	shalt  }
0x87: {  	_ =	shalt  }
.Lfunc_end0:
.L_simem_size_0:
called_computation.5_lowered:
.L_overlay_start_0:
0x88: {  	s2 =	sld [smem:$0x3FD9]  }
0x89: {  	s3 =	sld [smem:$0x3FFE];
	_ =	sdelay $0x1  }
0x8a: {  	s1 =	srdreg.scid  }
0x8b: {  	s0 =	sand.u32 $0x1, s1  }
0x8c: {  	s16 =	sshll.u32 s0, $0xA;
	s2 =	sadd.s32 s3, s2  }
0x8d: {  	s2 =	sadd.s32 s2, s16  }
0x8e: {  	[smem:$0x3FBA] =	sst s2  }
0x8f: {  	_ = 	snop  }
0x90: {  	(tm) =	ssettm $0x1  }
0x91: {  	s17 =	sld [smem:$0x3FFB];
	_ =	sdelay $0x3  }
0x92: {  	_ =	strace s17  }
0x93: {  	s2 =	sld [smem:$0x3FFC];
	_ =	sdelay $0x3  }
0x94: {  	_ =	strace s2  }
0x95: {  	s2 =	sld [smem:$0x3FFD];
	_ =	sdelay $0x3  }
0x96: {  	_ =	strace s2  }
0x97: {  	_ =	strace $0x8FFFFFFF  }
0x98: {  	s18 =	sld [smem:$0x3FDB];
	_ =	sdelay $0x1  }
0x99: {  	s19 =	simm.s32 $_scs_section_size  }
0x9a: {  	s4 =	simm.s32 $_size__tile_overlayer_lowered;
	s5 =	simm.s32 $_tile_overlayer_lowered  }
0x9b: {  	s22 =	simm.s32 $0x1BFF;
	s21 =	sshll.u32 s5, $0x1;
	s2 =	sadd.s32 s19, s18  }
0x9c: {  	s6 =	simm.s32 $0x0;
	s20 =	sshll.u32 s4, $0x1;
	s4 =	sadd.s32 s21, s2  }
0x9d: {  	[timem:s6], [sflag:s22] =	dma.local [hbm:s4], s20  }
0x9e: {  	_ =	swait.ge [sflag:s22], s20  }
0x9f: {  	s3 =	ssub.s32 $0x0, s20;
	[sflag:s22] =	ssyncset.done $0x0  }
0xa0: {  	[sflag:s22] =	ssyncadd.s32 s3;
	_ =	sdelay $0x1  }
0xa1: {  	s23 =	simm.s32 $0x1B8B  }
0xa2: {  	_ =	swait.ge [sflag:s23], $0x1  }
0xa3: {  	[sflag:s23] =	ssyncset.done $0x0  }
0xa4: {  	s25 =	simm.s32 $0x1B8E;
	s24 =	sld [smem:$0x3FFE];
	[sflag:s23] =	ssyncadd.s32 $0xFFFFFFFF  }
0xa5: {  	s26 =	simm.s32 $execute0_lowered;
	[smem:$0x3FD2] =	sst s25  }
0xa6: {  	s4 =	sshll.u32 s26, $0x1;
	_ =	strace $0x80000052;
	[dreg:$0x1] =	wrdreg $0xFFFFFFFF  }
0xa7: {  	s28 =	simm.s32 $_size_execute0_lowered;
	s2 =	sadd.s32 s2, s4;
	[dreg:$0x0] =	wrdreg $0x0  }
0xa8: {  	s4 =	sshll.u32 s28, $0x1;
	[dreg:$0x2] =	wrdreg s2  }
0xa9: {  	[dreg:$0x3] =	wrdreg s4  }
0xaa: {  	[dreg:$0x4] =	wrdreg $0xC0  }
0xab: {  	_ =	task [dreg:s6], $0x5FFFF  }
0xac: {  	[dreg:$0x1] =	wrdreg $0xFFFFFFFF  }
0xad: {  	[dreg:$0x0] =	wrdreg $0x60  }
0xae: {  	[dreg:$0x2] =	wrdreg s24  }
0xaf: {  	[dreg:$0x3] =	wrdreg $0x0  }
0xb0: {  	[dreg:$0x4] =	wrdreg $0x9  }
0xb1: {  	_ =	task.clear_ibuf [dreg:s6], $0x5FFFF;
	_ =	strace $0x90000052  }
0xb2: {  	s29 =	simm.s32 $0x9;
	_ =	strace $0x80000054  }
0xb3: {  	_ =	swait.ge [sflag:s29], $0x1  }
0xb4: {  	[sflag:s29] =	ssyncadd.s32 $0xFFFFFFFF  }
0xb5: {  	_ =	strace $0x90000054  }
0xb6: {  	_ =	sfence  }
0xb7: {  	s30 =	sld [smem:$0x0];
	_ =	sdelay $0x2  }
0xb8: {  	s31 =	sshll.u32 s1, $0xD;
	s1 =	sshrl.u32 s1, $0x2  }
0xb9: {  	s3 =	sand.u32 $0x4000, s31;
	s1 =	sadd.s32 s1, s30  }
0xba: {  	s0 =	sor.u32 s3, s0;
	s1 =	sshll.u32 s1, $0x11  }
0xbb: {  	s0 =	sor.u32 s1, s0  }
0xbc: {  	s0 =	sadd.s32 $0x8F2B, s0  }
0xbd: {  	[sflag:s0] =	ssyncadd.remote.s32 $0x1  }
0xbe: {  	_ =	sfence.sel $0xFFFF  }
0xbf: {  	[dreg:$0x0] =	wrdreg $0xFFFFFFFF;
	(pc) =	sbr.abs _section_cstart, $3  }
0xc0: {  	[dreg:$0x1] =	wrdreg $0xFFFFFFFF  }
0xc1: {  	_ =	task.clear_ibuf [dreg:s6], $0x2FFFF;
	_ =	strace $0x9FFFFFFF  }
0xc2: {  	(tm) =	ssettm $0x7FFFFFFF  }
0xc3: {  	_ =	shalt  }
tec
execute0_lowered:
.L_overlay_start_1:
0x0: {  	(tag) =	ssettag $0x1  }
0x1: {  	s6 =	rddreg [dreg:$0x0]  }
0x2: {  	s2 =	rddreg [dreg:$0x1];
	s3 =	simm.s32 $0x0;
	s0 =	stileid.u32  }
0x3: {  	s4 =	srdreg.scid;
	s17 =	simm.s32 $0x1;
	s7 =	smul.u32 $0x13C00, s0  }
0x4: {  	s20 =	simm.s32 $0x0;
	s8 =	sand.u32 $0x1, s4;
	s13 =	smul.u32 $0x4F000, s0  }
0x5: {  	[smem:$0x7FF] =	sst s3;
	s4 =	sadd.s32 $0x40A00, s6;
	s5 =	smul.u32 $0xFFFFFF70, s8  }
0x6: {  	s12 =	sadd.s32 $0x5200, s6;
	s29 =	sshll.u32 s0, $0x6;
	s9 =	smul.u32 $0x13C000, s8  }
0x7: {  	_ =	strace $0x80000053;
	s11 =	smul.u32 $0x980, s8;
	s8 =	ssub.s32 $0x2, s8  }
0x8: {  	s10 =	sshrl.u32 s7, $0x3;
	s24 =	sshrl.u32 s8, $0x1;
	s26 =	sshrl.u32 s13, $0x2  }
0x9: {  	s5 =	sadd.s32 $0x98, s5;
	s10 =	sadd.s32 s10, s6;
	s7 =	sadd.s32 s7, s9  }
0xa: {  	s25 =	ssub.s32 s8, s24;
	s13 =	sadd.s32 s26, s2;
	s23 =	smul.u32 s0, s5  }
0xb: {  	s8 =	sor.u32 $0x1C06, s29;
	s7 =	sshrl.u32 s7, $0x3;
	s13 =	sshrl.u32 s13, $0x3  }
0xc: {  	s14 =	sadd.s32 s7, s6;
	s6 =	sadd.s32 $0x19200, s10;
	s9 =	sadd.s32 s11, s23  }
0xd: {  	s10 =	sadd.s32 $0x67C00, s14;
	s28 =	sshll.u32 s9, $0x5;
	s30 =	sor.u32 $0x2, s9  }
0xe: {  	s11 =	smax.u32 s25, $0x1;
	s7 =	sand.u32 $0x1FFFFF00, s28;
	s15 =	sand.u32 $0xFFFFFA, s30  }
0xf: {  	s14 =	simm.s32 $0x6;
	s7 =	sadd.s32 s12, s7;
	s31 =	sshll.u32 s15, $0x5  }
0x10: {  	s15 =	simm.s32 $0x13C00;
	s9 =	sadd.s32 $0x20, s7;
	s12 =	sadd.s32 s31, s12  }
.LBB2_1:
0x11: {  	[spmem:s13], [sflag:s8] =	dma.local [hbm:s6], $0x2780  }
0x12: {  	s0 =	simm.s32 $0x13D00;
	s31 =	simm.s32 $0x80;
	_ =	swait.ge [sflag:s14], $0x2780  }
0x13: {  	s21 =	simm.s32 $0x2;
	p2 =	sle.u32 s5, $0x2;
	[sflag:s14] =	ssyncset.done $0x0  }
0x14: {  	s22 =	simm.s32 $0x1;
	p1 =	sle.u32 s5, $0x1;
	[sflag:s14] =	ssyncadd.s32 $0xFFFFD880  }
0x15: {  	p0 =	sle.u32 s5, $0x0;
	s21 =	smul.u32 @!p2 $0xAB, s21;
	[bflag:$0x0] =	sbarrier.arrive $0xFFFF  }
0x16: {  	[tilespmem:s15], [sflag:$0x1] =	stream.linear.gather [hbm4b:s7+s3], $0x100, $0x38;
	[tilespmem:$0x1BF00] =	vst v63  }
0x17: {  	s1 =	simm.s32 $0x13F00;
	s23 =	smul.u32 @!p1 $0xAB, s22;
	s24 =	sand.u32 @!p0 $0x1, s3  }
0x18: {  	[tilespmem:s0], [sflag:$0x2] =	stream.linear.gather [hbm4b:s9+s3], $0x100, $0x38;
	[tilespmem:$0x1BF00] =	vst v63  }
0x19: {  	s24 =	sor.u32 @!p0 $0x4, s24;
	s21 =	sshrl.u32 @!p2 s21, $0x9;
	_ =	swait.ge [sflag:s17], $0x100  }
0x1a: {  	s23 =	sshrl.u32 @!p1 s23, $0x9;
	s21 =	sand.u32 @!p2 $0x7F, s21;
	[sflag:s17] =	ssyncset.done $0x0  }
0x1b: {  	s23 =	sand.u32 @!p1 $0x7F, s23;
	s21 =	smul.u32 @!p2 $0x3, s21;
	[sflag:s17] =	ssyncadd.s32 $0xFFFFFF00  }
0x1c: {  	[tilespmem:s1], [sflag:$0x4] =	stream.indirect.gather [hbm4b:s4+s31], $0x80, s15, s31, $0xb8;
	[tilespmem:$0x1BF00] =	vst v63  }
0x1d: {  	s23 =	smul.u32 @!p1 $0x3, s23;
	s21 =	ssub.s32 @!p2 $0x2, s21;
	_ =	swait.ge @!p0 [sflag:s24], $0x4000  }
0x1e: {  	s25 =	simm.s32 @!p2 $0x0;
	s21 =	sand.u32 @!p2 $0xFF, s21;
	[sflag:s24] =	ssyncset.done @!p0 $0x0  }
0x1f: {  	s23 =	ssub.s32 @!p1 $0x1, s23;
	[sflag:s24] =	ssyncadd.s32 @!p0 $0xFFFFC000;
	s24 =	sshll.u32 @!p2 s21, $0x8  }
0x20: {  	s23 =	sand.u32 @!p1 $0xFF, s23;
	s21 =	sadd.s32 @!p2 $0x1, s21;
	s24 =	sor.u32 @!p2 $0x13C00, s24  }
0x21: {  	[tilespmem:s24], [sflag:s21] =	stream.linear.gather @!p2 [hbm4b:s12+s25], $0x100, $0x38;
	[tilespmem:$0x1BF00] =	vst v63  }
0x22: {  	s22 =	sand.u32 @!p1 $0x1, s22;
	s21 =	sadd.s32 @!p1 $0x1, s23;
	s24 =	smul.u32 @!p0 $0xAB, s3  }
0x23: {  	s25 =	simm.s32 @!p1 $0x80;
	s23 =	sshll.u32 @!p1 s23, $0x8;
	_ =	swait.ge @!p1 [sflag:s21], $0x100  }
0x24: {  	s23 =	sor.u32 @!p1 $0x13C00, s23;
	[sflag:s21] =	ssyncset.done @!p1 $0x0;
	s24 =	sshrl.u32 @!p0 s24, $0x9  }
0x25: {  	[sflag:s21] =	ssyncadd.s32 @!p1 $0xFFFFFF00;
	s21 =	sshll.u32 @!p1 s22, $0xE;
	s24 =	sand.u32 @!p0 $0x7F, s24  }
0x26: {  	s22 =	sor.u32 @!p1 $0x4, s22;
	s21 =	sor.u32 @!p1 $0x13F00, s21;
	s24 =	smul.u32 @!p0 $0x3, s24  }
0x27: {  	[tilespmem:s21], [sflag:s22] =	stream.indirect.gather @!p1 [hbm4b:s4+s25], $0x80, s23, s25, $0xb8;
	[tilespmem:$0x1BF00] =	vst v63  }
0x28: {  	p1 =	por $0x1, $0x1;
	s21 =	ssub.s32 @!p0 $0x0, s24  }
.Ltmp0:
0x29: {  	s22 =	sand.u32 @!p0 $0x10000, s3;
	s21 =	sand.u32 @!p0 $0xC3, s21;
	(pc) =	sbr.rel @!p1 .LBB2_3-.Ltmp0, $4  }
0x2a: {  	s23 =	simm.s32 @!p0 $0x80;
	s22 =	sshrl.u32 @!p0 s22, $0x2;
	s21 =	sshll.u32 @!p0 s21, $0x8  }
0x2b: {  	s24 =	simm.s32 @!p0 $0x6;
	s22 =	sor.u32 @!p0 $0x13F00, s22;
	s21 =	sor.u32 @!p0 $0x13C80, s21  }
0x2c: {  	[spmem:s2] =	stream.indirect.scatter.add.f32 @!p0 [tilespmem:s22], [sflag:$0x6], $0x80, s21, s23, $0xb8;
	[tilespmem:$0x1BF00] =	vst v63  }
0x2d: {  	s23 =	simm.s32 $0x1;
	s21 =	simm.s32 $0x0;
	s22 =	smov.u32 s12  }
.LBB2_2:
0x2e: {  	_ =	swait.ge @!p0 [sflag:s24], $0x4000;
	s21 =	sadd.s32 $0x10000, s21;
	s22 =	sadd.s32 $0x20, s22  }
0x2f: {  	s25 =	smov.u32 s23;
	[sflag:s24] =	ssyncset.done @!p0 $0x0  }
0x30: {  	[sflag:s24] =	ssyncadd.s32 @!p0 $0xFFFFC000  }
0x31: {  	s24 =	sadd.s32 $0x2, s23  }
0x32: {  	s26 =	sadd.s32 $0x1, s25;
	p2 =	sge.u32 s24, s5;
	s23 =	sadd.s32 $0xFFFFFFFF, s24  }
0x33: {  	s28 =	smul.u32 @!p2 $0xAB, s24;
	s29 =	simm.s32 @!p2 $0x0;
	p1 =	sge.u32 s23, s5  }
0x34: {  	s30 =	smul.u32 @!p1 $0xAB, s26;
	s31 =	sand.u32 @!p1 $0x1, s26;
	s0 =	simm.s32 @!p1 $0x80  }
0x35: {  	s28 =	sshrl.u32 @!p2 s28, $0x9;
	s1 =	sshll.u32 @!p1 s31, $0xE;
	s31 =	sor.u32 @!p1 $0x4, s31  }
0x36: {  	s28 =	sand.u32 @!p2 $0x7F, s28;
	s30 =	sshrl.u32 @!p1 s30, $0x9;
	s1 =	sor.u32 @!p1 $0x13F00, s1  }
0x37: {  	p0 =	sge.u32 s25, s5;
	s28 =	smul.u32 @!p2 $0x3, s28;
	s30 =	sand.u32 @!p1 $0x7F, s30  }
0x38: {  	s16 =	sand.u32 @!p0 $0x1, s25;
	s18 =	sand.u32 @!p0 $0x10000, s21;
	s30 =	smul.u32 @!p1 $0x3, s30  }
0x39: {  	s16 =	sor.u32 @!p0 $0x4, s16;
	s24 =	ssub.s32 @!p2 s24, s28;
	s28 =	smul.u32 @!p0 $0xAB, s25  }
0x3a: {  	s24 =	sand.u32 @!p2 $0xFF, s24;
	s26 =	ssub.s32 @!p1 s26, s30;
	_ =	swait.ge @!p0 [sflag:s16], $0x4000  }
0x3b: {  	s30 =	sshll.u32 @!p2 s24, $0x8;
	s24 =	sadd.s32 @!p2 $0x1, s24;
	s28 =	sshrl.u32 @!p0 s28, $0x9  }
0x3c: {  	s26 =	sand.u32 @!p1 $0xFF, s26;
	s30 =	sor.u32 @!p2 $0x13C00, s30;
	s28 =	sand.u32 @!p0 $0x7F, s28  }
0x3d: {  	s19 =	sadd.s32 @!p1 $0x1, s26;
	s28 =	smul.u32 @!p0 $0x3, s28;
	[sflag:s16] =	ssyncset.done @!p0 $0x0  }
0x3e: {  	s18 =	sshrl.u32 @!p0 s18, $0x2;
	[sflag:s16] =	ssyncadd.s32 @!p0 $0xFFFFC000;
	s16 =	sshll.u32 @!p1 s26, $0x8  }
0x3f: {  	[tilespmem:s30], [sflag:s24] =	stream.linear.gather @!p2 [hbm4b:s22+s29], $0x100, $0x38;
	[tilespmem:$0x1BF00] =	vst v63  }
0x40: {  	s16 =	sor.u32 @!p1 $0x13C00, s16;
	s24 =	ssub.s32 @!p0 s25, s28;
	_ =	swait.ge @!p1 [sflag:s19], $0x100  }
0x41: {  	s18 =	sor.u32 @!p0 $0x13F00, s18;
	s24 =	sand.u32 @!p0 $0xC3, s24;
	[sflag:s19] =	ssyncset.done @!p1 $0x0  }
0x42: {  	s25 =	simm.s32 @!p0 $0x80;
	[sflag:s19] =	ssyncadd.s32 @!p1 $0xFFFFFF00;
	s19 =	sshll.u32 @!p0 s24, $0x8  }
0x43: {  	[tilespmem:s1], [sflag:s31] =	stream.indirect.gather @!p1 [hbm4b:s4+s0], $0x80, s16, s0, $0xb8;
	[tilespmem:$0x1BF00] =	vst v63  }
0x44: {  	p1 =	sne.s32 s23, $0x98  }
.Ltmp1:
0x45: {  	_ = 	snop;
	(pc) =	sbr.rel @p1 .LBB2_2-.Ltmp1, $3  }
0x46: {  	_ =	sdelay $0x1  }
0x47: {  	s24 =	simm.s32 @!p0 $0x6;
	s0 =	sor.u32 @!p0 $0x13C80, s19  }
0x48: {  	[spmem:s2] =	stream.indirect.scatter.add.f32 @!p0 [tilespmem:s18], [sflag:$0x6], $0x80, s0, s25, $0xb8;
	[tilespmem:$0x1BF00] =	vst v63  }
.LBB2_3:
0x49: {  	_ =	swait.ge @!p0 [sflag:s24], $0x4000  }
0x4a: {  	s20 =	sadd.s32 $0x1, s20;
	[sflag:s24] =	ssyncset.done @!p0 $0x0  }
0x4b: {  	[sflag:s24] =	ssyncadd.s32 @!p0 $0xFFFFC000;
	p0 =	sne.s32 s20, s11  }
.Ltmp2:
0x4c: {  	[bflag:$0x0] =	sbarrier.arrive $0xFFFF;
	(pc) =	sbr.rel @p0 .LBB2_1-.Ltmp2, $4  }
0x4d: {  	[hbm:s10], [sflag:s8] =	dma.local [spmem:s13], $0x2780  }
0x4e: {  	_ =	swait.ge [sflag:s14], $0x2780  }
0x4f: {  	[sflag:s14] =	ssyncset.done $0x0  }
0x50: {  	[sflag:s14] =	ssyncadd.s32 $0xFFFFD880  }
0x51: {  	_ =	sfence.sel $0x180000  }
0x52: {  	[bflag:$0x0] =	sbarrier.arrive $0xFFFF  }
0x53: {  	_ =	strace $0x90000053  }
0x54: {  	s0 =	stileid.u32;
	[bflag:$0x2] =	sbarrier.arrive $0xFFFF  }
0x55: {  	p0 =	sne.s32 s0, $0x0;
	s0 =	rddreg [dreg:$0x2]  }
0x56: {  	s0 =	sadd.s32 @!p0 $0x100000, s0  }
0x57: {  	[sflag:s0] =	ssyncadd.tile.s32 @!p0 $0x1;
	_ =	shalt  }
.Lfunc_end2:
_tile_overlayer_lowered:
.L_overlay_start_2:
0x58: {  	(tag) =	ssettag $0x2  }
0x59: {  	s0 =	rddreg [dreg:$0x0];
	s2 =	stileid.u32  }
0x5a: {  	s1 =	rddreg [dreg:$0x1];
	p0 =	sne.s32 s2, $0x0  }
0x5b: {  	s3 =	rddreg [dreg:$0x2];
	[bflag:$0x3] =	sbarrier.arrive $0xFFFF;
	s2 =	simm.s32 @!p0 $0x1C06  }
0x5c: {  	[timem:s3], [sflag:s2] =	dma.local @!p0 [hbm:s0], s1  }
0x5d: {  	s0 =	simm.s32 @!p0 $0x6  }
0x5e: {  	_ =	swait.ge @!p0 [sflag:s0], s1  }
0x5f: {  	s1 =	ssub.s32 @!p0 $0x0, s1;
	[sflag:s0] =	ssyncset.done @!p0 $0x0  }
0x60: {  	[sflag:s0] =	ssyncadd.s32 @!p0 s1  }
0x61: {  	[bflag:$0x3] =	sbarrier.arrive $0xFFFF  }
0x62: {  	_ =	shalt  }

</sc_bundles>
